<compile_context>
chip_gen: v7x
topology: tpu7x:2x2x1
jax: 0.10.2.dev20260603
libtpu: 0.0.44.dev20260713+nightly
codegen_flags: <defaults>
</compile_context>

<pallas_src>
import functools

import jax
import jax.numpy as jnp
from jax import lax
from jax.experimental import pallas as pl
from jax.experimental.pallas import tpu as pltpu
from jax.experimental.pallas import tpu_sc as plsc

EEG_DIM = 256
CLIP_DIM = 512
NUM_SUBJECTS = 13
BATCH = 16384

TILE = 512
NT = BATCH // TILE + NUM_SUBJECTS
NPAD = NT * TILE


def _make_sc_scatter(n_in, n_out, d, chunk):
    info = plsc.get_sparse_core_info()
    nw = info.num_cores * info.num_subcores
    per_w = n_in // nw
    assert n_in % nw == 0 and per_w % chunk == 0 and chunk % 8 == 0
    n_chunks = per_w // chunk
    mesh = plsc.VectorSubcoreMesh(core_axis_name="c", subcore_axis_name="s")

    @functools.partial(
        pl.kernel,
        mesh=mesh,
        out_type=jax.ShapeDtypeStruct((n_out, d), jnp.float32),
        scratch_types=[
            pltpu.VMEM((n_chunks, chunk), jnp.int32),
            pltpu.VMEM((chunk, d), jnp.float32),
            pltpu.VMEM((chunk, d), jnp.float32),
            pltpu.SemaphoreType.DMA,
            pltpu.SemaphoreType.DMA,
            pltpu.SemaphoreType.DMA,
            pltpu.SemaphoreType.DMA,
        ],
    )
    def scatter(src_hbm, idx_hbm, out_hbm, idx_v, buf_a, buf_b,
                lsem_a, lsem_b, ssem_a, ssem_b):
        wid = lax.axis_index("s") * info.num_cores + lax.axis_index("c")
        base = wid * per_w
        pltpu.sync_copy(idx_hbm.at[wid], idx_v)
        bufs = ((buf_a, lsem_a, ssem_a), (buf_b, lsem_b, ssem_b))
        pltpu.async_copy(src_hbm.at[pl.ds(base, chunk)], buf_a, lsem_a)
        for c in range(n_chunks):
            buf, lsem, ssem = bufs[c % 2]
            if c + 1 < n_chunks:
                nbuf, nlsem, nssem = bufs[(c + 1) % 2]
                if c >= 1:
                    pltpu.make_async_copy(
                        nbuf, out_hbm.at[idx_v.at[c - 1]], nssem).wait()
                pltpu.async_copy(
                    src_hbm.at[pl.ds(base + (c + 1) * chunk, chunk)],
                    nbuf, nlsem)
            pltpu.make_async_copy(
                src_hbm.at[pl.ds(base + c * chunk, chunk)], buf, lsem).wait()
            pltpu.async_copy(buf, out_hbm.at[idx_v.at[c]], ssem)
        pltpu.make_async_copy(
            bufs[(n_chunks - 1) % 2][0],
            out_hbm.at[idx_v.at[n_chunks - 1]],
            bufs[(n_chunks - 1) % 2][2]).wait()
        if n_chunks >= 2:
            pltpu.make_async_copy(
                bufs[(n_chunks - 2) % 2][0],
                out_hbm.at[idx_v.at[n_chunks - 2]],
                bufs[(n_chunks - 2) % 2][2]).wait()

    return scatter


def _make_sc_gather(n_src, n_out, d, chunk):
    info = plsc.get_sparse_core_info()
    nw = info.num_cores * info.num_subcores
    per_w = n_out // nw
    assert n_out % nw == 0 and per_w % chunk == 0 and chunk % 8 == 0
    n_chunks = per_w // chunk
    mesh = plsc.VectorSubcoreMesh(core_axis_name="c", subcore_axis_name="s")

    @functools.partial(
        pl.kernel,
        mesh=mesh,
        out_type=jax.ShapeDtypeStruct((n_out, d), jnp.float32),
        scratch_types=[
            pltpu.VMEM((per_w,), jnp.int32),
            pltpu.VMEM((chunk, d), jnp.float32),
            pltpu.VMEM((chunk, d), jnp.float32),
            pltpu.SemaphoreType.DMA,
            pltpu.SemaphoreType.DMA,
        ],
    )
    def gather(table_hbm, idx_hbm, out_hbm, idx_v, rows_a, rows_b, sem_a, sem_b):
        wid = lax.axis_index("s") * info.num_cores + lax.axis_index("c")
        base = wid * per_w
        pltpu.sync_copy(idx_hbm.at[pl.ds(base, per_w)], idx_v)
        bufs = ((rows_a, sem_a), (rows_b, sem_b))
        pltpu.async_copy(
            table_hbm.at[idx_v.at[pl.ds(0, chunk)]], rows_a, sem_a)
        for c in range(n_chunks):
            rows, sem = bufs[c % 2]
            if c + 1 < n_chunks:
                nrows, nsem = bufs[(c + 1) % 2]
                pltpu.async_copy(
                    table_hbm.at[idx_v.at[pl.ds((c + 1) * chunk, chunk)]],
                    nrows, nsem)
            pltpu.make_async_copy(
                table_hbm.at[idx_v.at[pl.ds(c * chunk, chunk)]], rows, sem
            ).wait()
            pltpu.sync_copy(rows, out_hbm.at[pl.ds(base + c * chunk, chunk)])

    return gather


def _routing_body(sid_ref, ppos_ref, te_ref, used_ref):
    n = 128
    sid = sid_ref[...]
    r_io = lax.broadcasted_iota(jnp.int32, (n, n), 0)
    c_io = lax.broadcasted_iota(jnp.int32, (n, n), 1)
    ltri = (c_io < r_io).astype(jnp.float32)
    triu = (r_io < c_io).astype(jnp.float32)
    lane = lax.broadcasted_iota(jnp.int32, (1, n), 1)
    ppos = jnp.zeros((n, n), jnp.float32)
    te = jnp.zeros((1, n), jnp.int32)
    tile_cum = jnp.int32(0)
    for e in range(NUM_SUBJECTS):
        mask = (sid == e).astype(jnp.float32)
        cnt = jnp.sum(mask).astype(jnp.int32)
        within = jnp.dot(mask, triu, preferred_element_type=jnp.float32)
        rowsum = jnp.sum(mask, axis=1, keepdims=True)
        offs = jnp.dot(ltri, rowsum, preferred_element_type=jnp.float32)
        row_start = (tile_cum * TILE).astype(jnp.float32)
        ppos = ppos + mask * (within + offs + row_start)
        tile_cum = tile_cum + (cnt + TILE - 1) // TILE
        te = te + (lane >= tile_cum).astype(jnp.int32)
    ppos_ref[...] = ppos.astype(jnp.int32)
    te_ref[...] = jnp.minimum(te, NUM_SUBJECTS - 1)
    used_ref[...] = jnp.full((1, 1), tile_cum, jnp.int32)


def _routing(sid):
    return pl.pallas_call(
        _routing_body,
        out_shape=(
            jax.ShapeDtypeStruct((128, 128), jnp.int32),
            jax.ShapeDtypeStruct((1, 128), jnp.int32),
            jax.ShapeDtypeStruct((1, 1), jnp.int32),
        ),
    )(sid.reshape(128, 128))


def _mlp_body(te_ref, used_ref, x_ref, w1_ref, b1_ref, w2_ref, b2_ref, o_ref):
    @pl.when(pl.program_id(0) < used_ref[0])
    def _():
        x = x_ref[...]
        h = jnp.dot(x, w1_ref[0], preferred_element_type=jnp.float32)
        h = jnp.maximum(h + b1_ref[0], 0.0)
        y = jnp.dot(h, w2_ref[0], preferred_element_type=jnp.float32)
        y = y + b2_ref[0]
        ss = jnp.sum(y * y, axis=1, keepdims=True)
        o_ref[...] = y / jnp.maximum(jnp.sqrt(ss), 1e-12)


def _grouped_mlp(tile_expert, used, x_grouped, W1, b1, W2, b2):
    def _t(t, te, us):
        return jnp.minimum(t, us[0] - 1)

    grid_spec = pltpu.PrefetchScalarGridSpec(
        num_scalar_prefetch=2,
        grid=(NT,),
        in_specs=[
            pl.BlockSpec((TILE, EEG_DIM), lambda t, te, us: (_t(t, te, us), 0)),
            pl.BlockSpec((1, EEG_DIM, CLIP_DIM),
                         lambda t, te, us: (te[_t(t, te, us)], 0, 0)),
            pl.BlockSpec((1, 1, CLIP_DIM),
                         lambda t, te, us: (te[_t(t, te, us)], 0, 0)),
            pl.BlockSpec((1, CLIP_DIM, CLIP_DIM),
                         lambda t, te, us: (te[_t(t, te, us)], 0, 0)),
            pl.BlockSpec((1, 1, CLIP_DIM),
                         lambda t, te, us: (te[_t(t, te, us)], 0, 0)),
        ],
        out_specs=pl.BlockSpec((TILE, CLIP_DIM),
                               lambda t, te, us: (_t(t, te, us), 0)),
    )
    return pl.pallas_call(
        _mlp_body,
        grid_spec=grid_spec,
        out_shape=jax.ShapeDtypeStruct((NPAD, CLIP_DIM), jnp.float32),
    )(tile_expert, used, x_grouped, W1,
      b1.reshape(NUM_SUBJECTS, 1, CLIP_DIM), W2,
      b2.reshape(NUM_SUBJECTS, 1, CLIP_DIM))


def kernel(eeg_emb, subject_ids, W1, b1, W2, b2):
    sid = subject_ids.astype(jnp.int32)
    ppos2d, te, used2d = _routing(sid)
    ppos = ppos2d.reshape(BATCH)
    tile_expert = te.reshape(128)
    used = used2d.reshape(1)
    ppos3d = ppos2d.reshape(32, BATCH // 32 // 128, 128)
    x_grouped = _make_sc_scatter(BATCH, NPAD, EEG_DIM, 128)(eeg_emb, ppos3d)
    y_grouped = _grouped_mlp(tile_expert, used, x_grouped, W1, b1, W2, b2)
    out = _make_sc_gather(NPAD, BATCH, CLIP_DIM, 64)(y_grouped, ppos)
    return out

# --- scband reference (transcript-rebuilt; emitter-appended) ---
"""Pipeline reference for scband-subject-specific-projection-49967649521824 (READ-ONLY COPY).

The authoritative reference and input builder live on the scoring server;
editing this copy changes nothing except your own understanding.
"""

import jax, jax.numpy as jnp
import numpy as np

EEG_DIM = 256
CLIP_DIM = 512
NUM_SUBJECTS = 13
BATCH = 16384


def setup_inputs(seed: int = 0) -> dict:
    key = jax.random.key(seed)
    k1, k2, k3, k4, k5, k6 = jax.random.split(key, 6)
    eeg_emb = jax.random.normal(k1, (BATCH, EEG_DIM), dtype=jnp.float32)
    subject_ids = jax.random.randint(k2, (BATCH,), 0, NUM_SUBJECTS)
    s1 = 1.0 / np.sqrt(EEG_DIM)
    s2 = 1.0 / np.sqrt(CLIP_DIM)
    W1 = jax.random.uniform(k3, (NUM_SUBJECTS, EEG_DIM, CLIP_DIM), dtype=jnp.float32, minval=-s1, maxval=s1)
    b1 = jax.random.uniform(k4, (NUM_SUBJECTS, CLIP_DIM), dtype=jnp.float32, minval=-s1, maxval=s1)
    W2 = jax.random.uniform(k5, (NUM_SUBJECTS, CLIP_DIM, CLIP_DIM), dtype=jnp.float32, minval=-s2, maxval=s2)
    b2 = jax.random.uniform(k6, (NUM_SUBJECTS, CLIP_DIM), dtype=jnp.float32, minval=-s2, maxval=s2)
    return {"eeg_emb": eeg_emb, "subject_ids": subject_ids, "W1": W1, "b1": b1, "W2": W2, "b2": b2}


def reference(eeg_emb, subject_ids, W1, b1, W2, b2):
    batch_size = eeg_emb.shape[0]
    output = jnp.zeros((batch_size, CLIP_DIM), dtype=jnp.float32)
    for subj_id in range(NUM_SUBJECTS):
        mask = subject_ids == subj_id
        h = jax.nn.relu(eeg_emb @ W1[subj_id] + b1[subj_id])
        y = h @ W2[subj_id] + b2[subj_id]
        output = jnp.where(mask[:, None], y, output)
    # F.normalize(p=2, dim=1, eps=1e-12)
    norm = jnp.sqrt(jnp.sum(output * output, axis=1, keepdims=True))
    return output / jnp.maximum(norm, 1e-12)

if __name__ == "__main__":
    import jax
    _d = setup_inputs()
    print(jax.jit(kernel)(*tuple(_d.values())))

</pallas_src>

<mosaic_0001>
#map = affine_map<(d0, d1) -> (0, 0)>
#map1 = affine_map<(d0, d1) -> (0)>
module attributes {stable_mosaic.version = 14 : i64} {
  func.func @gather(%arg0: i32, %arg1: i32, %arg2: memref<23040x512xf32, #tpu.memory_space<hbm>>, %arg3: memref<16384xi32, #tpu.memory_space<hbm>>, %arg4: memref<16384x512xf32, #tpu.memory_space<hbm>>, %arg5: memref<512xi32, #tpu.memory_space<vmem>>, %arg6: memref<64x512xf32, #tpu.memory_space<vmem>>, %arg7: memref<64x512xf32, #tpu.memory_space<vmem>>, %arg8: memref<!tpu.dma_semaphore, #tpu.memory_space<semaphore_mem>>, %arg9: memref<!tpu.dma_semaphore, #tpu.memory_space<semaphore_mem>>) attributes {dimension_semantics = [#tpu.dimension_semantics<core_parallel>, #tpu.dimension_semantics<subcore_parallel>], iteration_bounds = array<i64: 2, 16>, scalar_prefetch = 0 : i64, scratch_operands = 5 : i64, tpu.core_type = #tpu.core_type<sc_vector_subcore>, window_params = [{transform_indices = #map}, {transform_indices = #map1}, {transform_indices = #map}]} {
    %mul3A = arith.constant 2 : i32
    %mul3A_0 = arith.muli %arg1, %mul3A : i32
    %add3A = arith.addi %mul3A_0, %arg0 : i32
    %mul3A_1 = arith.constant 512 : i32
    %mul3A_2 = arith.muli %add3A, %mul3A_1 : i32
    "tpu.region"() ({
      %run_scoped3A = tpu.sem_alloc : memref<!tpu.dma_semaphore, #tpu.memory_space<semaphore_mem>>
      %dma_start3A_97 = tpu.memref_slice %arg3[%mul3A_2] : memref<16384xi32, #tpu.memory_space<hbm>> -> memref<512xi32, #tpu.memory_space<hbm>>
      %dma_start3A_98 = tpu.memref_slice %arg3[%mul3A_2] : memref<16384xi32, #tpu.memory_space<hbm>> -> memref<512xi32, #tpu.memory_space<hbm>>
      tpu.enqueue_dma source(%dma_start3A_98 : memref<512xi32, #tpu.memory_space<hbm>>) target(%arg5 : memref<512xi32, #tpu.memory_space<vmem>>) target_semaphore(%run_scoped3A : memref<!tpu.dma_semaphore, #tpu.memory_space<semaphore_mem>>)
      %dma_wait3A_99 = tpu.memref_slice %arg3[%mul3A_2] : memref<16384xi32, #tpu.memory_space<hbm>> -> memref<512xi32, #tpu.memory_space<hbm>>
      %dma_wait3A_100 = tpu.memref_slice %arg3[%mul3A_2] : memref<16384xi32, #tpu.memory_space<hbm>> -> memref<512xi32, #tpu.memory_space<hbm>>
      tpu.wait_dma2 semaphore(%run_scoped3A : memref<!tpu.dma_semaphore, #tpu.memory_space<semaphore_mem>>) src(%dma_wait3A_100 : memref<512xi32, #tpu.memory_space<hbm>>) dst(%arg5 : memref<512xi32, #tpu.memory_space<vmem>>)
      tpu.yield
    }) : () -> ()
    %dma_start3A = arith.constant 0 : i32
    %dma_start3A_3 = tpu.memref_slice %arg5[%dma_start3A] : memref<512xi32, #tpu.memory_space<vmem>> -> memref<64xi32, #tpu.memory_space<vmem>>
    %dma_start3A_4 = arith.constant 0 : i32
    %dma_start3A_5 = arith.constant 0 : i32
    %dma_start3A_6 = tpu.memref_slice %arg2[%dma_start3A_4, %dma_start3A_5] : memref<23040x512xf32, #tpu.memory_space<hbm>> -> memref<23040x512xf32, #tpu.memory_space<hbm>>
    tpu.enqueue_indirect_dma source(%dma_start3A_6 : memref<23040x512xf32, #tpu.memory_space<hbm>>) target(%arg6 : memref<64x512xf32, #tpu.memory_space<vmem>>) offsets(%dma_start3A_3 : memref<64xi32, #tpu.memory_space<vmem>>) semaphore(%arg8 : memref<!tpu.dma_semaphore, #tpu.memory_space<semaphore_mem>>)
    %dma_start3A_7 = arith.constant 64 : i32
    %dma_start3A_8 = tpu.memref_slice %arg5[%dma_start3A_7] : memref<512xi32, #tpu.memory_space<vmem>> -> memref<64xi32, #tpu.memory_space<vmem>>
    %dma_start3A_9 = arith.constant 0 : i32
    %dma_start3A_10 = arith.constant 0 : i32
    %dma_start3A_11 = tpu.memref_slice %arg2[%dma_start3A_9, %dma_start3A_10] : memref<23040x512xf32, #tpu.memory_space<hbm>> -> memref<23040x512xf32, #tpu.memory_space<hbm>>
    tpu.enqueue_indirect_dma source(%dma_start3A_11 : memref<23040x512xf32, #tpu.memory_space<hbm>>) target(%arg7 : memref<64x512xf32, #tpu.memory_space<vmem>>) offsets(%dma_start3A_8 : memref<64xi32, #tpu.memory_space<vmem>>) semaphore(%arg9 : memref<!tpu.dma_semaphore, #tpu.memory_space<semaphore_mem>>)
    %dma_wait3A = arith.constant 0 : i32
    %dma_wait3A_12 = tpu.memref_slice %arg5[%dma_wait3A] : memref<512xi32, #tpu.memory_space<vmem>> -> memref<64xi32, #tpu.memory_space<vmem>>
    %dma_wait3A_13 = arith.constant 0 : i32
    %dma_wait3A_14 = arith.constant 0 : i32
    %dma_wait3A_15 = tpu.memref_slice %arg2[%dma_wait3A_13, %dma_wait3A_14] : memref<23040x512xf32, #tpu.memory_space<hbm>> -> memref<23040x512xf32, #tpu.memory_space<hbm>>
    tpu.wait_indirect_dma semaphore(%arg8 : memref<!tpu.dma_semaphore, #tpu.memory_space<semaphore_mem>>) src(%dma_wait3A_15 : memref<23040x512xf32, #tpu.memory_space<hbm>>) dst(%arg6 : memref<64x512xf32, #tpu.memory_space<vmem>>)
    %add3A_16 = arith.constant 0 : i32
    %add3A_17 = arith.addi %mul3A_2, %add3A_16 : i32
    "tpu.region"() ({
      %run_scoped3A = tpu.sem_alloc : memref<!tpu.dma_semaphore, #tpu.memory_space<semaphore_mem>>
      %dma_start3A_97 = arith.constant 0 : i32
      %dma_start3A_98 = tpu.memref_slice %arg4[%add3A_17, %dma_start3A_97] : memref<16384x512xf32, #tpu.memory_space<hbm>> -> memref<64x512xf32, #tpu.memory_space<hbm>>
      %dma_start3A_99 = arith.constant 0 : i32
      %dma_start3A_100 = tpu.memref_slice %arg4[%add3A_17, %dma_start3A_99] : memref<16384x512xf32, #tpu.memory_space<hbm>> -> memref<64x512xf32, #tpu.memory_space<hbm>>
      tpu.enqueue_dma source(%arg6 : memref<64x512xf32, #tpu.memory_space<vmem>>) target(%dma_start3A_100 : memref<64x512xf32, #tpu.memory_space<hbm>>) target_semaphore(%run_scoped3A : memref<!tpu.dma_semaphore, #tpu.memory_space<semaphore_mem>>)
      %dma_wait3A_101 = arith.constant 0 : i32
      %dma_wait3A_102 = tpu.memref_slice %arg4[%add3A_17, %dma_wait3A_101] : memref<16384x512xf32, #tpu.memory_space<hbm>> -> memref<64x512xf32, #tpu.memory_space<hbm>>
      %dma_wait3A_103 = arith.constant 0 : i32
      %dma_wait3A_104 = tpu.memref_slice %arg4[%add3A_17, %dma_wait3A_103] : memref<16384x512xf32, #tpu.memory_space<hbm>> -> memref<64x512xf32, #tpu.memory_space<hbm>>
      tpu.wait_dma2 semaphore(%run_scoped3A : memref<!tpu.dma_semaphore, #tpu.memory_space<semaphore_mem>>) src(%arg6 : memref<64x512xf32, #tpu.memory_space<vmem>>) dst(%dma_wait3A_104 : memref<64x512xf32, #tpu.memory_space<hbm>>)
      tpu.yield
    }) : () -> ()
    %dma_start3A_18 = arith.constant 128 : i32
    %dma_start3A_19 = tpu.memref_slice %arg5[%dma_start3A_18] : memref<512xi32, #tpu.memory_space<vmem>> -> memref<64xi32, #tpu.memory_space<vmem>>
    %dma_start3A_20 = arith.constant 0 : i32
    %dma_start3A_21 = arith.constant 0 : i32
    %dma_start3A_22 = tpu.memref_slice %arg2[%dma_start3A_20, %dma_start3A_21] : memref<23040x512xf32, #tpu.memory_space<hbm>> -> memref<23040x512xf32, #tpu.memory_space<hbm>>
    tpu.enqueue_indirect_dma source(%dma_start3A_22 : memref<23040x512xf32, #tpu.memory_space<hbm>>) target(%arg6 : memref<64x512xf32, #tpu.memory_space<vmem>>) offsets(%dma_start3A_19 : memref<64xi32, #tpu.memory_space<vmem>>) semaphore(%arg8 : memref<!tpu.dma_semaphore, #tpu.memory_space<semaphore_mem>>)
    %dma_wait3A_23 = arith.constant 64 : i32
    %dma_wait3A_24 = tpu.memref_slice %arg5[%dma_wait3A_23] : memref<512xi32, #tpu.memory_space<vmem>> -> memref<64xi32, #tpu.memory_space<vmem>>
    %dma_wait3A_25 = arith.constant 0 : i32
    %dma_wait3A_26 = arith.constant 0 : i32
    %dma_wait3A_27 = tpu.memref_slice %arg2[%dma_wait3A_25, %dma_wait3A_26] : memref<23040x512xf32, #tpu.memory_space<hbm>> -> memref<23040x512xf32, #tpu.memory_space<hbm>>
    tpu.wait_indirect_dma semaphore(%arg9 : memref<!tpu.dma_semaphore, #tpu.memory_space<semaphore_mem>>) src(%dma_wait3A_27 : memref<23040x512xf32, #tpu.memory_space<hbm>>) dst(%arg7 : memref<64x512xf32, #tpu.memory_space<vmem>>)
    %add3A_28 = arith.constant 64 : i32
    %add3A_29 = arith.addi %mul3A_2, %add3A_28 : i32
    "tpu.region"() ({
      %run_scoped3A = tpu.sem_alloc : memref<!tpu.dma_semaphore, #tpu.memory_space<semaphore_mem>>
      %dma_start3A_97 = arith.constant 0 : i32
      %dma_start3A_98 = tpu.memref_slice %arg4[%add3A_29, %dma_start3A_97] : memref<16384x512xf32, #tpu.memory_space<hbm>> -> memref<64x512xf32, #tpu.memory_space<hbm>>
      %dma_start3A_99 = arith.constant 0 : i32
      %dma_start3A_100 = tpu.memref_slice %arg4[%add3A_29, %dma_start3A_99] : memref<16384x512xf32, #tpu.memory_space<hbm>> -> memref<64x512xf32, #tpu.memory_space<hbm>>
      tpu.enqueue_dma source(%arg7 : memref<64x512xf32, #tpu.memory_space<vmem>>) target(%dma_start3A_100 : memref<64x512xf32, #tpu.memory_space<hbm>>) target_semaphore(%run_scoped3A : memref<!tpu.dma_semaphore, #tpu.memory_space<semaphore_mem>>)
      %dma_wait3A_101 = arith.constant 0 : i32
      %dma_wait3A_102 = tpu.memref_slice %arg4[%add3A_29, %dma_wait3A_101] : memref<16384x512xf32, #tpu.memory_space<hbm>> -> memref<64x512xf32, #tpu.memory_space<hbm>>
      %dma_wait3A_103 = arith.constant 0 : i32
      %dma_wait3A_104 = tpu.memref_slice %arg4[%add3A_29, %dma_wait3A_103] : memref<16384x512xf32, #tpu.memory_space<hbm>> -> memref<64x512xf32, #tpu.memory_space<hbm>>
      tpu.wait_dma2 semaphore(%run_scoped3A : memref<!tpu.dma_semaphore, #tpu.memory_space<semaphore_mem>>) src(%arg7 : memref<64x512xf32, #tpu.memory_space<vmem>>) dst(%dma_wait3A_104 : memref<64x512xf32, #tpu.memory_space<hbm>>)
      tpu.yield
    }) : () -> ()
    %dma_start3A_30 = arith.constant 192 : i32
    %dma_start3A_31 = tpu.memref_slice %arg5[%dma_start3A_30] : memref<512xi32, #tpu.memory_space<vmem>> -> memref<64xi32, #tpu.memory_space<vmem>>
    %dma_start3A_32 = arith.constant 0 : i32
    %dma_start3A_33 = arith.constant 0 : i32
    %dma_start3A_34 = tpu.memref_slice %arg2[%dma_start3A_32, %dma_start3A_33] : memref<23040x512xf32, #tpu.memory_space<hbm>> -> memref<23040x512xf32, #tpu.memory_space<hbm>>
    tpu.enqueue_indirect_dma source(%dma_start3A_34 : memref<23040x512xf32, #tpu.memory_space<hbm>>) target(%arg7 : memref<64x512xf32, #tpu.memory_space<vmem>>) offsets(%dma_start3A_31 : memref<64xi32, #tpu.memory_space<vmem>>) semaphore(%arg9 : memref<!tpu.dma_semaphore, #tpu.memory_space<semaphore_mem>>)
    %dma_wait3A_35 = arith.constant 128 : i32
    %dma_wait3A_36 = tpu.memref_slice %arg5[%dma_wait3A_35] : memref<512xi32, #tpu.memory_space<vmem>> -> memref<64xi32, #tpu.memory_space<vmem>>
    %dma_wait3A_37 = arith.constant 0 : i32
    %dma_wait3A_38 = arith.constant 0 : i32
    %dma_wait3A_39 = tpu.memref_slice %arg2[%dma_wait3A_37, %dma_wait3A_38] : memref<23040x512xf32, #tpu.memory_space<hbm>> -> memref<23040x512xf32, #tpu.memory_space<hbm>>
    tpu.wait_indirect_dma semaphore(%arg8 : memref<!tpu.dma_semaphore, #tpu.memory_space<semaphore_mem>>) src(%dma_wait3A_39 : memref<23040x512xf32, #tpu.memory_space<hbm>>) dst(%arg6 : memref<64x512xf32, #tpu.memory_space<vmem>>)
    %add3A_40 = arith.constant 128 : i32
    %add3A_41 = arith.addi %mul3A_2, %add3A_40 : i32
    "tpu.region"() ({
      %run_scoped3A = tpu.sem_alloc : memref<!tpu.dma_semaphore, #tpu.memory_space<semaphore_mem>>
      %dma_start3A_97 = arith.constant 0 : i32
      %dma_start3A_98 = tpu.memref_slice %arg4[%add3A_41, %dma_start3A_97] : memref<16384x512xf32, #tpu.memory_space<hbm>> -> memref<64x512xf32, #tpu.memory_space<hbm>>
      %dma_start3A_99 = arith.constant 0 : i32
      %dma_start3A_100 = tpu.memref_slice %arg4[%add3A_41, %dma_start3A_99] : memref<16384x512xf32, #tpu.memory_space<hbm>> -> memref<64x512xf32, #tpu.memory_space<hbm>>
      tpu.enqueue_dma source(%arg6 : memref<64x512xf32, #tpu.memory_space<vmem>>) target(%dma_start3A_100 : memref<64x512xf32, #tpu.memory_space<hbm>>) target_semaphore(%run_scoped3A : memref<!tpu.dma_semaphore, #tpu.memory_space<semaphore_mem>>)
      %dma_wait3A_101 = arith.constant 0 : i32
      %dma_wait3A_102 = tpu.memref_slice %arg4[%add3A_41, %dma_wait3A_101] : memref<16384x512xf32, #tpu.memory_space<hbm>> -> memref<64x512xf32, #tpu.memory_space<hbm>>
      %dma_wait3A_103 = arith.constant 0 : i32
      %dma_wait3A_104 = tpu.memref_slice %arg4[%add3A_41, %dma_wait3A_103] : memref<16384x512xf32, #tpu.memory_space<hbm>> -> memref<64x512xf32, #tpu.memory_space<hbm>>
      tpu.wait_dma2 semaphore(%run_scoped3A : memref<!tpu.dma_semaphore, #tpu.memory_space<semaphore_mem>>) src(%arg6 : memref<64x512xf32, #tpu.memory_space<vmem>>) dst(%dma_wait3A_104 : memref<64x512xf32, #tpu.memory_space<hbm>>)
      tpu.yield
    }) : () -> ()
    %dma_start3A_42 = arith.constant 256 : i32
    %dma_start3A_43 = tpu.memref_slice %arg5[%dma_start3A_42] : memref<512xi32, #tpu.memory_space<vmem>> -> memref<64xi32, #tpu.memory_space<vmem>>
    %dma_start3A_44 = arith.constant 0 : i32
    %dma_start3A_45 = arith.constant 0 : i32
    %dma_start3A_46 = tpu.memref_slice %arg2[%dma_start3A_44, %dma_start3A_45] : memref<23040x512xf32, #tpu.memory_space<hbm>> -> memref<23040x512xf32, #tpu.memory_space<hbm>>
    tpu.enqueue_indirect_dma source(%dma_start3A_46 : memref<23040x512xf32, #tpu.memory_space<hbm>>) target(%arg6 : memref<64x512xf32, #tpu.memory_space<vmem>>) offsets(%dma_start3A_43 : memref<64xi32, #tpu.memory_space<vmem>>) semaphore(%arg8 : memref<!tpu.dma_semaphore, #tpu.memory_space<semaphore_mem>>)
    %dma_wait3A_47 = arith.constant 192 : i32
    %dma_wait3A_48 = tpu.memref_slice %arg5[%dma_wait3A_47] : memref<512xi32, #tpu.memory_space<vmem>> -> memref<64xi32, #tpu.memory_space<vmem>>
    %dma_wait3A_49 = arith.constant 0 : i32
    %dma_wait3A_50 = arith.constant 0 : i32
    %dma_wait3A_51 = tpu.memref_slice %arg2[%dma_wait3A_49, %dma_wait3A_50] : memref<23040x512xf32, #tpu.memory_space<hbm>> -> memref<23040x512xf32, #tpu.memory_space<hbm>>
    tpu.wait_indirect_dma semaphore(%arg9 : memref<!tpu.dma_semaphore, #tpu.memory_space<semaphore_mem>>) src(%dma_wait3A_51 : memref<23040x512xf32, #tpu.memory_space<hbm>>) dst(%arg7 : memref<64x512xf32, #tpu.memory_space<vmem>>)
    %add3A_52 = arith.constant 192 : i32
    %add3A_53 = arith.addi %mul3A_2, %add3A_52 : i32
    "tpu.region"() ({
      %run_scoped3A = tpu.sem_alloc : memref<!tpu.dma_semaphore, #tpu.memory_space<semaphore_mem>>
      %dma_start3A_97 = arith.constant 0 : i32
      %dma_start3A_98 = tpu.memref_slice %arg4[%add3A_53, %dma_start3A_97] : memref<16384x512xf32, #tpu.memory_space<hbm>> -> memref<64x512xf32, #tpu.memory_space<hbm>>
      %dma_start3A_99 = arith.constant 0 : i32
      %dma_start3A_100 = tpu.memref_slice %arg4[%add3A_53, %dma_start3A_99] : memref<16384x512xf32, #tpu.memory_space<hbm>> -> memref<64x512xf32, #tpu.memory_space<hbm>>
      tpu.enqueue_dma source(%arg7 : memref<64x512xf32, #tpu.memory_space<vmem>>) target(%dma_start3A_100 : memref<64x512xf32, #tpu.memory_space<hbm>>) target_semaphore(%run_scoped3A : memref<!tpu.dma_semaphore, #tpu.memory_space<semaphore_mem>>)
      %dma_wait3A_101 = arith.constant 0 : i32
      %dma_wait3A_102 = tpu.memref_slice %arg4[%add3A_53, %dma_wait3A_101] : memref<16384x512xf32, #tpu.memory_space<hbm>> -> memref<64x512xf32, #tpu.memory_space<hbm>>
      %dma_wait3A_103 = arith.constant 0 : i32
      %dma_wait3A_104 = tpu.memref_slice %arg4[%add3A_53, %dma_wait3A_103] : memref<16384x512xf32, #tpu.memory_space<hbm>> -> memref<64x512xf32, #tpu.memory_space<hbm>>
      tpu.wait_dma2 semaphore(%run_scoped3A : memref<!tpu.dma_semaphore, #tpu.memory_space<semaphore_mem>>) src(%arg7 : memref<64x512xf32, #tpu.memory_space<vmem>>) dst(%dma_wait3A_104 : memref<64x512xf32, #tpu.memory_space<hbm>>)
      tpu.yield
    }) : () -> ()
    %dma_start3A_54 = arith.constant 320 : i32
    %dma_start3A_55 = tpu.memref_slice %arg5[%dma_start3A_54] : memref<512xi32, #tpu.memory_space<vmem>> -> memref<64xi32, #tpu.memory_space<vmem>>
    %dma_start3A_56 = arith.constant 0 : i32
    %dma_start3A_57 = arith.constant 0 : i32
    %dma_start3A_58 = tpu.memref_slice %arg2[%dma_start3A_56, %dma_start3A_57] : memref<23040x512xf32, #tpu.memory_space<hbm>> -> memref<23040x512xf32, #tpu.memory_space<hbm>>
    tpu.enqueue_indirect_dma source(%dma_start3A_58 : memref<23040x512xf32, #tpu.memory_space<hbm>>) target(%arg7 : memref<64x512xf32, #tpu.memory_space<vmem>>) offsets(%dma_start3A_55 : memref<64xi32, #tpu.memory_space<vmem>>) semaphore(%arg9 : memref<!tpu.dma_semaphore, #tpu.memory_space<semaphore_mem>>)
    %dma_wait3A_59 = arith.constant 256 : i32
    %dma_wait3A_60 = tpu.memref_slice %arg5[%dma_wait3A_59] : memref<512xi32, #tpu.memory_space<vmem>> -> memref<64xi32, #tpu.memory_space<vmem>>
    %dma_wait3A_61 = arith.constant 0 : i32
    %dma_wait3A_62 = arith.constant 0 : i32
    %dma_wait3A_63 = tpu.memref_slice %arg2[%dma_wait3A_61, %dma_wait3A_62] : memref<23040x512xf32, #tpu.memory_space<hbm>> -> memref<23040x512xf32, #tpu.memory_space<hbm>>
    tpu.wait_indirect_dma semaphore(%arg8 : memref<!tpu.dma_semaphore, #tpu.memory_space<semaphore_mem>>) src(%dma_wait3A_63 : memref<23040x512xf32, #tpu.memory_space<hbm>>) dst(%arg6 : memref<64x512xf32, #tpu.memory_space<vmem>>)
    %add3A_64 = arith.constant 256 : i32
    %add3A_65 = arith.addi %mul3A_2, %add3A_64 : i32
    "tpu.region"() ({
      %run_scoped3A = tpu.sem_alloc : memref<!tpu.dma_semaphore, #tpu.memory_space<semaphore_mem>>
      %dma_start3A_97 = arith.constant 0 : i32
      %dma_start3A_98 = tpu.memref_slice %arg4[%add3A_65, %dma_start3A_97] : memref<16384x512xf32, #tpu.memory_space<hbm>> -> memref<64x512xf32, #tpu.memory_space<hbm>>
      %dma_start3A_99 = arith.constant 0 : i32
      %dma_start3A_100 = tpu.memref_slice %arg4[%add3A_65, %dma_start3A_99] : memref<16384x512xf32, #tpu.memory_space<hbm>> -> memref<64x512xf32, #tpu.memory_space<hbm>>
      tpu.enqueue_dma source(%arg6 : memref<64x512xf32, #tpu.memory_space<vmem>>) target(%dma_start3A_100 : memref<64x512xf32, #tpu.memory_space<hbm>>) target_semaphore(%run_scoped3A : memref<!tpu.dma_semaphore, #tpu.memory_space<semaphore_mem>>)
      %dma_wait3A_101 = arith.constant 0 : i32
      %dma_wait3A_102 = tpu.memref_slice %arg4[%add3A_65, %dma_wait3A_101] : memref<16384x512xf32, #tpu.memory_space<hbm>> -> memref<64x512xf32, #tpu.memory_space<hbm>>
      %dma_wait3A_103 = arith.constant 0 : i32
      %dma_wait3A_104 = tpu.memref_slice %arg4[%add3A_65, %dma_wait3A_103] : memref<16384x512xf32, #tpu.memory_space<hbm>> -> memref<64x512xf32, #tpu.memory_space<hbm>>
      tpu.wait_dma2 semaphore(%run_scoped3A : memref<!tpu.dma_semaphore, #tpu.memory_space<semaphore_mem>>) src(%arg6 : memref<64x512xf32, #tpu.memory_space<vmem>>) dst(%dma_wait3A_104 : memref<64x512xf32, #tpu.memory_space<hbm>>)
      tpu.yield
    }) : () -> ()
    %dma_start3A_66 = arith.constant 384 : i32
    %dma_start3A_67 = tpu.memref_slice %arg5[%dma_start3A_66] : memref<512xi32, #tpu.memory_space<vmem>> -> memref<64xi32, #tpu.memory_space<vmem>>
    %dma_start3A_68 = arith.constant 0 : i32
    %dma_start3A_69 = arith.constant 0 : i32
    %dma_start3A_70 = tpu.memref_slice %arg2[%dma_start3A_68, %dma_start3A_69] : memref<23040x512xf32, #tpu.memory_space<hbm>> -> memref<23040x512xf32, #tpu.memory_space<hbm>>
    tpu.enqueue_indirect_dma source(%dma_start3A_70 : memref<23040x512xf32, #tpu.memory_space<hbm>>) target(%arg6 : memref<64x512xf32, #tpu.memory_space<vmem>>) offsets(%dma_start3A_67 : memref<64xi32, #tpu.memory_space<vmem>>) semaphore(%arg8 : memref<!tpu.dma_semaphore, #tpu.memory_space<semaphore_mem>>)
    %dma_wait3A_71 = arith.constant 320 : i32
    %dma_wait3A_72 = tpu.memref_slice %arg5[%dma_wait3A_71] : memref<512xi32, #tpu.memory_space<vmem>> -> memref<64xi32, #tpu.memory_space<vmem>>
    %dma_wait3A_73 = arith.constant 0 : i32
    %dma_wait3A_74 = arith.constant 0 : i32
    %dma_wait3A_75 = tpu.memref_slice %arg2[%dma_wait3A_73, %dma_wait3A_74] : memref<23040x512xf32, #tpu.memory_space<hbm>> -> memref<23040x512xf32, #tpu.memory_space<hbm>>
    tpu.wait_indirect_dma semaphore(%arg9 : memref<!tpu.dma_semaphore, #tpu.memory_space<semaphore_mem>>) src(%dma_wait3A_75 : memref<23040x512xf32, #tpu.memory_space<hbm>>) dst(%arg7 : memref<64x512xf32, #tpu.memory_space<vmem>>)
    %add3A_76 = arith.constant 320 : i32
    %add3A_77 = arith.addi %mul3A_2, %add3A_76 : i32
    "tpu.region"() ({
      %run_scoped3A = tpu.sem_alloc : memref<!tpu.dma_semaphore, #tpu.memory_space<semaphore_mem>>
      %dma_start3A_97 = arith.constant 0 : i32
      %dma_start3A_98 = tpu.memref_slice %arg4[%add3A_77, %dma_start3A_97] : memref<16384x512xf32, #tpu.memory_space<hbm>> -> memref<64x512xf32, #tpu.memory_space<hbm>>
      %dma_start3A_99 = arith.constant 0 : i32
      %dma_start3A_100 = tpu.memref_slice %arg4[%add3A_77, %dma_start3A_99] : memref<16384x512xf32, #tpu.memory_space<hbm>> -> memref<64x512xf32, #tpu.memory_space<hbm>>
      tpu.enqueue_dma source(%arg7 : memref<64x512xf32, #tpu.memory_space<vmem>>) target(%dma_start3A_100 : memref<64x512xf32, #tpu.memory_space<hbm>>) target_semaphore(%run_scoped3A : memref<!tpu.dma_semaphore, #tpu.memory_space<semaphore_mem>>)
      %dma_wait3A_101 = arith.constant 0 : i32
      %dma_wait3A_102 = tpu.memref_slice %arg4[%add3A_77, %dma_wait3A_101] : memref<16384x512xf32, #tpu.memory_space<hbm>> -> memref<64x512xf32, #tpu.memory_space<hbm>>
      %dma_wait3A_103 = arith.constant 0 : i32
      %dma_wait3A_104 = tpu.memref_slice %arg4[%add3A_77, %dma_wait3A_103] : memref<16384x512xf32, #tpu.memory_space<hbm>> -> memref<64x512xf32, #tpu.memory_space<hbm>>
      tpu.wait_dma2 semaphore(%run_scoped3A : memref<!tpu.dma_semaphore, #tpu.memory_space<semaphore_mem>>) src(%arg7 : memref<64x512xf32, #tpu.memory_space<vmem>>) dst(%dma_wait3A_104 : memref<64x512xf32, #tpu.memory_space<hbm>>)
      tpu.yield
    }) : () -> ()
    %dma_start3A_78 = arith.constant 448 : i32
    %dma_start3A_79 = tpu.memref_slice %arg5[%dma_start3A_78] : memref<512xi32, #tpu.memory_space<vmem>> -> memref<64xi32, #tpu.memory_space<vmem>>
    %dma_start3A_80 = arith.constant 0 : i32
    %dma_start3A_81 = arith.constant 0 : i32
    %dma_start3A_82 = tpu.memref_slice %arg2[%dma_start3A_80, %dma_start3A_81] : memref<23040x512xf32, #tpu.memory_space<hbm>> -> memref<23040x512xf32, #tpu.memory_space<hbm>>
    tpu.enqueue_indirect_dma source(%dma_start3A_82 : memref<23040x512xf32, #tpu.memory_space<hbm>>) target(%arg7 : memref<64x512xf32, #tpu.memory_space<vmem>>) offsets(%dma_start3A_79 : memref<64xi32, #tpu.memory_space<vmem>>) semaphore(%arg9 : memref<!tpu.dma_semaphore, #tpu.memory_space<semaphore_mem>>)
    %dma_wait3A_83 = arith.constant 384 : i32
    %dma_wait3A_84 = tpu.memref_slice %arg5[%dma_wait3A_83] : memref<512xi32, #tpu.memory_space<vmem>> -> memref<64xi32, #tpu.memory_space<vmem>>
    %dma_wait3A_85 = arith.constant 0 : i32
    %dma_wait3A_86 = arith.constant 0 : i32
    %dma_wait3A_87 = tpu.memref_slice %arg2[%dma_wait3A_85, %dma_wait3A_86] : memref<23040x512xf32, #tpu.memory_space<hbm>> -> memref<23040x512xf32, #tpu.memory_space<hbm>>
    tpu.wait_indirect_dma semaphore(%arg8 : memref<!tpu.dma_semaphore, #tpu.memory_space<semaphore_mem>>) src(%dma_wait3A_87 : memref<23040x512xf32, #tpu.memory_space<hbm>>) dst(%arg6 : memref<64x512xf32, #tpu.memory_space<vmem>>)
    %add3A_88 = arith.constant 384 : i32
    %add3A_89 = arith.addi %mul3A_2, %add3A_88 : i32
    "tpu.region"() ({
      %run_scoped3A = tpu.sem_alloc : memref<!tpu.dma_semaphore, #tpu.memory_space<semaphore_mem>>
      %dma_start3A_97 = arith.constant 0 : i32
      %dma_start3A_98 = tpu.memref_slice %arg4[%add3A_89, %dma_start3A_97] : memref<16384x512xf32, #tpu.memory_space<hbm>> -> memref<64x512xf32, #tpu.memory_space<hbm>>
      %dma_start3A_99 = arith.constant 0 : i32
      %dma_start3A_100 = tpu.memref_slice %arg4[%add3A_89, %dma_start3A_99] : memref<16384x512xf32, #tpu.memory_space<hbm>> -> memref<64x512xf32, #tpu.memory_space<hbm>>
      tpu.enqueue_dma source(%arg6 : memref<64x512xf32, #tpu.memory_space<vmem>>) target(%dma_start3A_100 : memref<64x512xf32, #tpu.memory_space<hbm>>) target_semaphore(%run_scoped3A : memref<!tpu.dma_semaphore, #tpu.memory_space<semaphore_mem>>)
      %dma_wait3A_101 = arith.constant 0 : i32
      %dma_wait3A_102 = tpu.memref_slice %arg4[%add3A_89, %dma_wait3A_101] : memref<16384x512xf32, #tpu.memory_space<hbm>> -> memref<64x512xf32, #tpu.memory_space<hbm>>
      %dma_wait3A_103 = arith.constant 0 : i32
      %dma_wait3A_104 = tpu.memref_slice %arg4[%add3A_89, %dma_wait3A_103] : memref<16384x512xf32, #tpu.memory_space<hbm>> -> memref<64x512xf32, #tpu.memory_space<hbm>>
      tpu.wait_dma2 semaphore(%run_scoped3A : memref<!tpu.dma_semaphore, #tpu.memory_space<semaphore_mem>>) src(%arg6 : memref<64x512xf32, #tpu.memory_space<vmem>>) dst(%dma_wait3A_104 : memref<64x512xf32, #tpu.memory_space<hbm>>)
      tpu.yield
    }) : () -> ()
    %dma_wait3A_90 = arith.constant 448 : i32
    %dma_wait3A_91 = tpu.memref_slice %arg5[%dma_wait3A_90] : memref<512xi32, #tpu.memory_space<vmem>> -> memref<64xi32, #tpu.memory_space<vmem>>
    %dma_wait3A_92 = arith.constant 0 : i32
    %dma_wait3A_93 = arith.constant 0 : i32
    %dma_wait3A_94 = tpu.memref_slice %arg2[%dma_wait3A_92, %dma_wait3A_93] : memref<23040x512xf32, #tpu.memory_space<hbm>> -> memref<23040x512xf32, #tpu.memory_space<hbm>>
    tpu.wait_indirect_dma semaphore(%arg9 : memref<!tpu.dma_semaphore, #tpu.memory_space<semaphore_mem>>) src(%dma_wait3A_94 : memref<23040x512xf32, #tpu.memory_space<hbm>>) dst(%arg7 : memref<64x512xf32, #tpu.memory_space<vmem>>)
    %add3A_95 = arith.constant 448 : i32
    %add3A_96 = arith.addi %mul3A_2, %add3A_95 : i32
    "tpu.region"() ({
      %run_scoped3A = tpu.sem_alloc : memref<!tpu.dma_semaphore, #tpu.memory_space<semaphore_mem>>
      %dma_start3A_97 = arith.constant 0 : i32
      %dma_start3A_98 = tpu.memref_slice %arg4[%add3A_96, %dma_start3A_97] : memref<16384x512xf32, #tpu.memory_space<hbm>> -> memref<64x512xf32, #tpu.memory_space<hbm>>
      %dma_start3A_99 = arith.constant 0 : i32
      %dma_start3A_100 = tpu.memref_slice %arg4[%add3A_96, %dma_start3A_99] : memref<16384x512xf32, #tpu.memory_space<hbm>> -> memref<64x512xf32, #tpu.memory_space<hbm>>
      tpu.enqueue_dma source(%arg7 : memref<64x512xf32, #tpu.memory_space<vmem>>) target(%dma_start3A_100 : memref<64x512xf32, #tpu.memory_space<hbm>>) target_semaphore(%run_scoped3A : memref<!tpu.dma_semaphore, #tpu.memory_space<semaphore_mem>>)
      %dma_wait3A_101 = arith.constant 0 : i32
      %dma_wait3A_102 = tpu.memref_slice %arg4[%add3A_96, %dma_wait3A_101] : memref<16384x512xf32, #tpu.memory_space<hbm>> -> memref<64x512xf32, #tpu.memory_space<hbm>>
      %dma_wait3A_103 = arith.constant 0 : i32
      %dma_wait3A_104 = tpu.memref_slice %arg4[%add3A_96, %dma_wait3A_103] : memref<16384x512xf32, #tpu.memory_space<hbm>> -> memref<64x512xf32, #tpu.memory_space<hbm>>
      tpu.wait_dma2 semaphore(%run_scoped3A : memref<!tpu.dma_semaphore, #tpu.memory_space<semaphore_mem>>) src(%arg7 : memref<64x512xf32, #tpu.memory_space<vmem>>) dst(%dma_wait3A_104 : memref<64x512xf32, #tpu.memory_space<hbm>>)
      tpu.yield
    }) : () -> ()
    return
  }
}

#map = affine_map<(d0, d1) -> (0, 0)>
#map1 = affine_map<(d0, d1) -> (0, 0, 0)>
module attributes {stable_mosaic.version = 14 : i64} {
  func.func @scatter(%arg0: i32, %arg1: i32, %arg2: memref<16384x256xf32, #tpu.memory_space<hbm>>, %arg3: memref<32x4x128xi32, #tpu.memory_space<hbm>>, %arg4: memref<23040x256xf32, #tpu.memory_space<hbm>>, %arg5: memref<4x128xi32, #tpu.memory_space<vmem>>, %arg6: memref<128x256xf32, #tpu.memory_space<vmem>>, %arg7: memref<128x256xf32, #tpu.memory_space<vmem>>, %arg8: memref<!tpu.dma_semaphore, #tpu.memory_space<semaphore_mem>>, %arg9: memref<!tpu.dma_semaphore, #tpu.memory_space<semaphore_mem>>, %arg10: memref<!tpu.dma_semaphore, #tpu.memory_space<semaphore_mem>>, %arg11: memref<!tpu.dma_semaphore, #tpu.memory_space<semaphore_mem>>) attributes {dimension_semantics = [#tpu.dimension_semantics<core_parallel>, #tpu.dimension_semantics<subcore_parallel>], iteration_bounds = array<i64: 2, 16>, scalar_prefetch = 0 : i64, scratch_operands = 7 : i64, tpu.core_type = #tpu.core_type<sc_vector_subcore>, window_params = [{transform_indices = #map}, {transform_indices = #map1}, {transform_indices = #map}]} {
    %mul3A = arith.constant 2 : i32
    %mul3A_0 = arith.muli %arg1, %mul3A : i32
    %add3A = arith.addi %mul3A_0, %arg0 : i32
    %mul3A_1 = arith.constant 512 : i32
    %mul3A_2 = arith.muli %add3A, %mul3A_1 : i32
    "tpu.region"() ({
      %run_scoped3A = tpu.sem_alloc : memref<!tpu.dma_semaphore, #tpu.memory_space<semaphore_mem>>
      %dma_start3A_103 = arith.constant 0 : i32
      %dma_start3A_104 = arith.constant 0 : i32
      %dma_start3A_105 = tpu.memref_slice %arg3[%add3A, %dma_start3A_103, %dma_start3A_104] : memref<32x4x128xi32, #tpu.memory_space<hbm>> -> memref<1x4x128xi32, #tpu.memory_space<hbm>>
      %dma_start3A_106 = tpu.memref_squeeze %dma_start3A_105 : memref<1x4x128xi32, #tpu.memory_space<hbm>> -> memref<4x128xi32, #tpu.memory_space<hbm>>
      %dma_start3A_107 = arith.constant 0 : i32
      %dma_start3A_108 = arith.constant 0 : i32
      %dma_start3A_109 = tpu.memref_slice %arg3[%add3A, %dma_start3A_107, %dma_start3A_108] : memref<32x4x128xi32, #tpu.memory_space<hbm>> -> memref<1x4x128xi32, #tpu.memory_space<hbm>>
      %dma_start3A_110 = tpu.memref_squeeze %dma_start3A_109 : memref<1x4x128xi32, #tpu.memory_space<hbm>> -> memref<4x128xi32, #tpu.memory_space<hbm>>
      tpu.enqueue_dma source(%dma_start3A_110 : memref<4x128xi32, #tpu.memory_space<hbm>>) target(%arg5 : memref<4x128xi32, #tpu.memory_space<vmem>>) target_semaphore(%run_scoped3A : memref<!tpu.dma_semaphore, #tpu.memory_space<semaphore_mem>>)
      %dma_wait3A_111 = arith.constant 0 : i32
      %dma_wait3A_112 = arith.constant 0 : i32
      %dma_wait3A_113 = tpu.memref_slice %arg3[%add3A, %dma_wait3A_111, %dma_wait3A_112] : memref<32x4x128xi32, #tpu.memory_space<hbm>> -> memref<1x4x128xi32, #tpu.memory_space<hbm>>
      %dma_wait3A_114 = tpu.memref_squeeze %dma_wait3A_113 : memref<1x4x128xi32, #tpu.memory_space<hbm>> -> memref<4x128xi32, #tpu.memory_space<hbm>>
      %dma_wait3A_115 = arith.constant 0 : i32
      %dma_wait3A_116 = arith.constant 0 : i32
      %dma_wait3A_117 = tpu.memref_slice %arg3[%add3A, %dma_wait3A_115, %dma_wait3A_116] : memref<32x4x128xi32, #tpu.memory_space<hbm>> -> memref<1x4x128xi32, #tpu.memory_space<hbm>>
      %dma_wait3A_118 = tpu.memref_squeeze %dma_wait3A_117 : memref<1x4x128xi32, #tpu.memory_space<hbm>> -> memref<4x128xi32, #tpu.memory_space<hbm>>
      tpu.wait_dma2 semaphore(%run_scoped3A : memref<!tpu.dma_semaphore, #tpu.memory_space<semaphore_mem>>) src(%dma_wait3A_118 : memref<4x128xi32, #tpu.memory_space<hbm>>) dst(%arg5 : memref<4x128xi32, #tpu.memory_space<vmem>>)
      tpu.yield
    }) : () -> ()
    %dma_start3A = arith.constant 0 : i32
    %dma_start3A_3 = tpu.memref_slice %arg2[%mul3A_2, %dma_start3A] : memref<16384x256xf32, #tpu.memory_space<hbm>> -> memref<128x256xf32, #tpu.memory_space<hbm>>
    %dma_start3A_4 = arith.constant 0 : i32
    %dma_start3A_5 = tpu.memref_slice %arg2[%mul3A_2, %dma_start3A_4] : memref<16384x256xf32, #tpu.memory_space<hbm>> -> memref<128x256xf32, #tpu.memory_space<hbm>>
    tpu.enqueue_dma source(%dma_start3A_5 : memref<128x256xf32, #tpu.memory_space<hbm>>) target(%arg6 : memref<128x256xf32, #tpu.memory_space<vmem>>) target_semaphore(%arg8 : memref<!tpu.dma_semaphore, #tpu.memory_space<semaphore_mem>>)
    %add3A_6 = arith.constant 128 : i32
    %add3A_7 = arith.addi %mul3A_2, %add3A_6 : i32
    %dma_start3A_8 = arith.constant 0 : i32
    %dma_start3A_9 = tpu.memref_slice %arg2[%add3A_7, %dma_start3A_8] : memref<16384x256xf32, #tpu.memory_space<hbm>> -> memref<128x256xf32, #tpu.memory_space<hbm>>
    %dma_start3A_10 = arith.constant 0 : i32
    %dma_start3A_11 = tpu.memref_slice %arg2[%add3A_7, %dma_start3A_10] : memref<16384x256xf32, #tpu.memory_space<hbm>> -> memref<128x256xf32, #tpu.memory_space<hbm>>
    tpu.enqueue_dma source(%dma_start3A_11 : memref<128x256xf32, #tpu.memory_space<hbm>>) target(%arg7 : memref<128x256xf32, #tpu.memory_space<vmem>>) target_semaphore(%arg9 : memref<!tpu.dma_semaphore, #tpu.memory_space<semaphore_mem>>)
    %add3A_12 = arith.constant 0 : i32
    %add3A_13 = arith.addi %mul3A_2, %add3A_12 : i32
    %dma_wait3A = arith.constant 0 : i32
    %dma_wait3A_14 = tpu.memref_slice %arg2[%add3A_13, %dma_wait3A] : memref<16384x256xf32, #tpu.memory_space<hbm>> -> memref<128x256xf32, #tpu.memory_space<hbm>>
    %dma_wait3A_15 = arith.constant 0 : i32
    %dma_wait3A_16 = tpu.memref_slice %arg2[%add3A_13, %dma_wait3A_15] : memref<16384x256xf32, #tpu.memory_space<hbm>> -> memref<128x256xf32, #tpu.memory_space<hbm>>
    tpu.wait_dma2 semaphore(%arg8 : memref<!tpu.dma_semaphore, #tpu.memory_space<semaphore_mem>>) src(%dma_wait3A_16 : memref<128x256xf32, #tpu.memory_space<hbm>>) dst(%arg6 : memref<128x256xf32, #tpu.memory_space<vmem>>)
    %dma_start3A_17 = arith.constant 0 : i32
    %dma_start3A_18 = arith.constant 0 : i32
    %dma_start3A_19 = tpu.memref_slice %arg5[%dma_start3A_17, %dma_start3A_18] : memref<4x128xi32, #tpu.memory_space<vmem>> -> memref<1x128xi32, #tpu.memory_space<vmem>>
    %dma_start3A_20 = tpu.memref_squeeze %dma_start3A_19 : memref<1x128xi32, #tpu.memory_space<vmem>> -> memref<128xi32, #tpu.memory_space<vmem>>
    %dma_start3A_21 = arith.constant 0 : i32
    %dma_start3A_22 = arith.constant 0 : i32
    %dma_start3A_23 = tpu.memref_slice %arg4[%dma_start3A_21, %dma_start3A_22] : memref<23040x256xf32, #tpu.memory_space<hbm>> -> memref<23040x256xf32, #tpu.memory_space<hbm>>
    tpu.enqueue_indirect_dma source(%arg6 : memref<128x256xf32, #tpu.memory_space<vmem>>) target(%dma_start3A_23 : memref<23040x256xf32, #tpu.memory_space<hbm>>) offsets(%dma_start3A_20 : memref<128xi32, #tpu.memory_space<vmem>>) semaphore(%arg10 : memref<!tpu.dma_semaphore, #tpu.memory_space<semaphore_mem>>)
    %dma_wait3A_24 = arith.constant 0 : i32
    %dma_wait3A_25 = arith.constant 0 : i32
    %dma_wait3A_26 = tpu.memref_slice %arg5[%dma_wait3A_24, %dma_wait3A_25] : memref<4x128xi32, #tpu.memory_space<vmem>> -> memref<1x128xi32, #tpu.memory_space<vmem>>
    %dma_wait3A_27 = tpu.memref_squeeze %dma_wait3A_26 : memref<1x128xi32, #tpu.memory_space<vmem>> -> memref<128xi32, #tpu.memory_space<vmem>>
    %dma_wait3A_28 = arith.constant 0 : i32
    %dma_wait3A_29 = arith.constant 0 : i32
    %dma_wait3A_30 = tpu.memref_slice %arg4[%dma_wait3A_28, %dma_wait3A_29] : memref<23040x256xf32, #tpu.memory_space<hbm>> -> memref<23040x256xf32, #tpu.memory_space<hbm>>
    tpu.wait_indirect_dma semaphore(%arg10 : memref<!tpu.dma_semaphore, #tpu.memory_space<semaphore_mem>>) src(%arg6 : memref<128x256xf32, #tpu.memory_space<vmem>>) dst(%dma_wait3A_30 : memref<23040x256xf32, #tpu.memory_space<hbm>>)
    %add3A_31 = arith.constant 256 : i32
    %add3A_32 = arith.addi %mul3A_2, %add3A_31 : i32
    %dma_start3A_33 = arith.constant 0 : i32
    %dma_start3A_34 = tpu.memref_slice %arg2[%add3A_32, %dma_start3A_33] : memref<16384x256xf32, #tpu.memory_space<hbm>> -> memref<128x256xf32, #tpu.memory_space<hbm>>
    %dma_start3A_35 = arith.constant 0 : i32
    %dma_start3A_36 = tpu.memref_slice %arg2[%add3A_32, %dma_start3A_35] : memref<16384x256xf32, #tpu.memory_space<hbm>> -> memref<128x256xf32, #tpu.memory_space<hbm>>
    tpu.enqueue_dma source(%dma_start3A_36 : memref<128x256xf32, #tpu.memory_space<hbm>>) target(%arg6 : memref<128x256xf32, #tpu.memory_space<vmem>>) target_semaphore(%arg8 : memref<!tpu.dma_semaphore, #tpu.memory_space<semaphore_mem>>)
    %add3A_37 = arith.constant 128 : i32
    %add3A_38 = arith.addi %mul3A_2, %add3A_37 : i32
    %dma_wait3A_39 = arith.constant 0 : i32
    %dma_wait3A_40 = tpu.memref_slice %arg2[%add3A_38, %dma_wait3A_39] : memref<16384x256xf32, #tpu.memory_space<hbm>> -> memref<128x256xf32, #tpu.memory_space<hbm>>
    %dma_wait3A_41 = arith.constant 0 : i32
    %dma_wait3A_42 = tpu.memref_slice %arg2[%add3A_38, %dma_wait3A_41] : memref<16384x256xf32, #tpu.memory_space<hbm>> -> memref<128x256xf32, #tpu.memory_space<hbm>>
    tpu.wait_dma2 semaphore(%arg9 : memref<!tpu.dma_semaphore, #tpu.memory_space<semaphore_mem>>) src(%dma_wait3A_42 : memref<128x256xf32, #tpu.memory_space<hbm>>) dst(%arg7 : memref<128x256xf32, #tpu.memory_space<vmem>>)
    %dma_start3A_43 = arith.constant 1 : i32
    %dma_start3A_44 = arith.constant 0 : i32
    %dma_start3A_45 = tpu.memref_slice %arg5[%dma_start3A_43, %dma_start3A_44] : memref<4x128xi32, #tpu.memory_space<vmem>> -> memref<1x128xi32, #tpu.memory_space<vmem>>
    %dma_start3A_46 = tpu.memref_squeeze %dma_start3A_45 : memref<1x128xi32, #tpu.memory_space<vmem>> -> memref<128xi32, #tpu.memory_space<vmem>>
    %dma_start3A_47 = arith.constant 0 : i32
    %dma_start3A_48 = arith.constant 0 : i32
    %dma_start3A_49 = tpu.memref_slice %arg4[%dma_start3A_47, %dma_start3A_48] : memref<23040x256xf32, #tpu.memory_space<hbm>> -> memref<23040x256xf32, #tpu.memory_space<hbm>>
    tpu.enqueue_indirect_dma source(%arg7 : memref<128x256xf32, #tpu.memory_space<vmem>>) target(%dma_start3A_49 : memref<23040x256xf32, #tpu.memory_space<hbm>>) offsets(%dma_start3A_46 : memref<128xi32, #tpu.memory_space<vmem>>) semaphore(%arg11 : memref<!tpu.dma_semaphore, #tpu.memory_space<semaphore_mem>>)
    %dma_wait3A_50 = arith.constant 1 : i32
    %dma_wait3A_51 = arith.constant 0 : i32
    %dma_wait3A_52 = tpu.memref_slice %arg5[%dma_wait3A_50, %dma_wait3A_51] : memref<4x128xi32, #tpu.memory_space<vmem>> -> memref<1x128xi32, #tpu.memory_space<vmem>>
    %dma_wait3A_53 = tpu.memref_squeeze %dma_wait3A_52 : memref<1x128xi32, #tpu.memory_space<vmem>> -> memref<128xi32, #tpu.memory_space<vmem>>
    %dma_wait3A_54 = arith.constant 0 : i32
    %dma_wait3A_55 = arith.constant 0 : i32
    %dma_wait3A_56 = tpu.memref_slice %arg4[%dma_wait3A_54, %dma_wait3A_55] : memref<23040x256xf32, #tpu.memory_space<hbm>> -> memref<23040x256xf32, #tpu.memory_space<hbm>>
    tpu.wait_indirect_dma semaphore(%arg11 : memref<!tpu.dma_semaphore, #tpu.memory_space<semaphore_mem>>) src(%arg7 : memref<128x256xf32, #tpu.memory_space<vmem>>) dst(%dma_wait3A_56 : memref<23040x256xf32, #tpu.memory_space<hbm>>)
    %add3A_57 = arith.constant 384 : i32
    %add3A_58 = arith.addi %mul3A_2, %add3A_57 : i32
    %dma_start3A_59 = arith.constant 0 : i32
    %dma_start3A_60 = tpu.memref_slice %arg2[%add3A_58, %dma_start3A_59] : memref<16384x256xf32, #tpu.memory_space<hbm>> -> memref<128x256xf32, #tpu.memory_space<hbm>>
    %dma_start3A_61 = arith.constant 0 : i32
    %dma_start3A_62 = tpu.memref_slice %arg2[%add3A_58, %dma_start3A_61] : memref<16384x256xf32, #tpu.memory_space<hbm>> -> memref<128x256xf32, #tpu.memory_space<hbm>>
    tpu.enqueue_dma source(%dma_start3A_62 : memref<128x256xf32, #tpu.memory_space<hbm>>) target(%arg7 : memref<128x256xf32, #tpu.memory_space<vmem>>) target_semaphore(%arg9 : memref<!tpu.dma_semaphore, #tpu.memory_space<semaphore_mem>>)
    %add3A_63 = arith.constant 256 : i32
    %add3A_64 = arith.addi %mul3A_2, %add3A_63 : i32
    %dma_wait3A_65 = arith.constant 0 : i32
    %dma_wait3A_66 = tpu.memref_slice %arg2[%add3A_64, %dma_wait3A_65] : memref<16384x256xf32, #tpu.memory_space<hbm>> -> memref<128x256xf32, #tpu.memory_space<hbm>>
    %dma_wait3A_67 = arith.constant 0 : i32
    %dma_wait3A_68 = tpu.memref_slice %arg2[%add3A_64, %dma_wait3A_67] : memref<16384x256xf32, #tpu.memory_space<hbm>> -> memref<128x256xf32, #tpu.memory_space<hbm>>
    tpu.wait_dma2 semaphore(%arg8 : memref<!tpu.dma_semaphore, #tpu.memory_space<semaphore_mem>>) src(%dma_wait3A_68 : memref<128x256xf32, #tpu.memory_space<hbm>>) dst(%arg6 : memref<128x256xf32, #tpu.memory_space<vmem>>)
    %dma_start3A_69 = arith.constant 2 : i32
    %dma_start3A_70 = arith.constant 0 : i32
    %dma_start3A_71 = tpu.memref_slice %arg5[%dma_start3A_69, %dma_start3A_70] : memref<4x128xi32, #tpu.memory_space<vmem>> -> memref<1x128xi32, #tpu.memory_space<vmem>>
    %dma_start3A_72 = tpu.memref_squeeze %dma_start3A_71 : memref<1x128xi32, #tpu.memory_space<vmem>> -> memref<128xi32, #tpu.memory_space<vmem>>
    %dma_start3A_73 = arith.constant 0 : i32
    %dma_start3A_74 = arith.constant 0 : i32
    %dma_start3A_75 = tpu.memref_slice %arg4[%dma_start3A_73, %dma_start3A_74] : memref<23040x256xf32, #tpu.memory_space<hbm>> -> memref<23040x256xf32, #tpu.memory_space<hbm>>
    tpu.enqueue_indirect_dma source(%arg6 : memref<128x256xf32, #tpu.memory_space<vmem>>) target(%dma_start3A_75 : memref<23040x256xf32, #tpu.memory_space<hbm>>) offsets(%dma_start3A_72 : memref<128xi32, #tpu.memory_space<vmem>>) semaphore(%arg10 : memref<!tpu.dma_semaphore, #tpu.memory_space<semaphore_mem>>)
    %add3A_76 = arith.constant 384 : i32
    %add3A_77 = arith.addi %mul3A_2, %add3A_76 : i32
    %dma_wait3A_78 = arith.constant 0 : i32
    %dma_wait3A_79 = tpu.memref_slice %arg2[%add3A_77, %dma_wait3A_78] : memref<16384x256xf32, #tpu.memory_space<hbm>> -> memref<128x256xf32, #tpu.memory_space<hbm>>
    %dma_wait3A_80 = arith.constant 0 : i32
    %dma_wait3A_81 = tpu.memref_slice %arg2[%add3A_77, %dma_wait3A_80] : memref<16384x256xf32, #tpu.memory_space<hbm>> -> memref<128x256xf32, #tpu.memory_space<hbm>>
    tpu.wait_dma2 semaphore(%arg9 : memref<!tpu.dma_semaphore, #tpu.memory_space<semaphore_mem>>) src(%dma_wait3A_81 : memref<128x256xf32, #tpu.memory_space<hbm>>) dst(%arg7 : memref<128x256xf32, #tpu.memory_space<vmem>>)
    %dma_start3A_82 = arith.constant 3 : i32
    %dma_start3A_83 = arith.constant 0 : i32
    %dma_start3A_84 = tpu.memref_slice %arg5[%dma_start3A_82, %dma_start3A_83] : memref<4x128xi32, #tpu.memory_space<vmem>> -> memref<1x128xi32, #tpu.memory_space<vmem>>
    %dma_start3A_85 = tpu.memref_squeeze %dma_start3A_84 : memref<1x128xi32, #tpu.memory_space<vmem>> -> memref<128xi32, #tpu.memory_space<vmem>>
    %dma_start3A_86 = arith.constant 0 : i32
    %dma_start3A_87 = arith.constant 0 : i32
    %dma_start3A_88 = tpu.memref_slice %arg4[%dma_start3A_86, %dma_start3A_87] : memref<23040x256xf32, #tpu.memory_space<hbm>> -> memref<23040x256xf32, #tpu.memory_space<hbm>>
    tpu.enqueue_indirect_dma source(%arg7 : memref<128x256xf32, #tpu.memory_space<vmem>>) target(%dma_start3A_88 : memref<23040x256xf32, #tpu.memory_space<hbm>>) offsets(%dma_start3A_85 : memref<128xi32, #tpu.memory_space<vmem>>) semaphore(%arg11 : memref<!tpu.dma_semaphore, #tpu.memory_space<semaphore_mem>>)
    %dma_wait3A_89 = arith.constant 3 : i32
    %dma_wait3A_90 = arith.constant 0 : i32
    %dma_wait3A_91 = tpu.memref_slice %arg5[%dma_wait3A_89, %dma_wait3A_90] : memref<4x128xi32, #tpu.memory_space<vmem>> -> memref<1x128xi32, #tpu.memory_space<vmem>>
    %dma_wait3A_92 = tpu.memref_squeeze %dma_wait3A_91 : memref<1x128xi32, #tpu.memory_space<vmem>> -> memref<128xi32, #tpu.memory_space<vmem>>
    %dma_wait3A_93 = arith.constant 0 : i32
    %dma_wait3A_94 = arith.constant 0 : i32
    %dma_wait3A_95 = tpu.memref_slice %arg4[%dma_wait3A_93, %dma_wait3A_94] : memref<23040x256xf32, #tpu.memory_space<hbm>> -> memref<23040x256xf32, #tpu.memory_space<hbm>>
    tpu.wait_indirect_dma semaphore(%arg11 : memref<!tpu.dma_semaphore, #tpu.memory_space<semaphore_mem>>) src(%arg7 : memref<128x256xf32, #tpu.memory_space<vmem>>) dst(%dma_wait3A_95 : memref<23040x256xf32, #tpu.memory_space<hbm>>)
    %dma_wait3A_96 = arith.constant 2 : i32
    %dma_wait3A_97 = arith.constant 0 : i32
    %dma_wait3A_98 = tpu.memref_slice %arg5[%dma_wait3A_96, %dma_wait3A_97] : memref<4x128xi32, #tpu.memory_space<vmem>> -> memref<1x128xi32, #tpu.memory_space<vmem>>
    %dma_wait3A_99 = tpu.memref_squeeze %dma_wait3A_98 : memref<1x128xi32, #tpu.memory_space<vmem>> -> memref<128xi32, #tpu.memory_space<vmem>>
    %dma_wait3A_100 = arith.constant 0 : i32
    %dma_wait3A_101 = arith.constant 0 : i32
    %dma_wait3A_102 = tpu.memref_slice %arg4[%dma_wait3A_100, %dma_wait3A_101] : memref<23040x256xf32, #tpu.memory_space<hbm>> -> memref<23040x256xf32, #tpu.memory_space<hbm>>
    tpu.wait_indirect_dma semaphore(%arg10 : memref<!tpu.dma_semaphore, #tpu.memory_space<semaphore_mem>>) src(%arg6 : memref<128x256xf32, #tpu.memory_space<vmem>>) dst(%dma_wait3A_102 : memref<23040x256xf32, #tpu.memory_space<hbm>>)
    return
  }
}

module attributes {stable_mosaic.version = 14 : i64} {
  func.func @_mlp_body(%arg0: i32, %arg1: memref<128xi32, #tpu.memory_space<smem>>, %arg2: memref<1xi32, #tpu.memory_space<smem>>, %arg3: memref<512x256xf32, #tpu.memory_space<vmem>>, %arg4: memref<1x256x512xf32, #tpu.memory_space<vmem>>, %arg5: memref<1x1x512xf32, #tpu.memory_space<vmem>>, %arg6: memref<1x512x512xf32, #tpu.memory_space<vmem>>, %arg7: memref<1x1x512xf32, #tpu.memory_space<vmem>>, %arg8: memref<512x512xf32, #tpu.memory_space<vmem>>) attributes {dimension_semantics = [#tpu.dimension_semantics<arbitrary>], iteration_bounds = array<i64: 45>, scalar_prefetch = 2 : i64, scratch_operands = 0 : i64, tpu.core_type = #tpu.core_type<tc>, window_params = [{transform_indices = @transform_0, window_bounds = array<i64: 512, 256>}, {transform_indices = @transform_1, window_bounds = array<i64: 1, 256, 512>}, {transform_indices = @transform_2, window_bounds = array<i64: 1, 1, 512>}, {transform_indices = @transform_3, window_bounds = array<i64: 1, 512, 512>}, {transform_indices = @transform_4, window_bounds = array<i64: 1, 1, 512>}, {transform_indices = @transform_5, window_bounds = array<i64: 512, 512>}]} {
    %get3A = arith.constant 0 : index
    %get3A_0 = memref.load %arg2[%get3A] : memref<1xi32, #tpu.memory_space<smem>>
    %lt3A = arith.cmpi slt, %arg0, %get3A_0 : i32
    %convert_element_type3A = arith.extui %lt3A : i1 to i32
    %cond3A = arith.constant 0 : i32
    %cond3A_1 = arith.cmpi ne, %convert_element_type3A, %cond3A : i32
    scf.if %cond3A_1 {
      %get3A_2 = arith.constant 0 : index
      %get3A_3 = arith.constant 0 : index
      %get3A_4 = vector.load %arg3[%get3A_2, %get3A_3] : memref<512x256xf32, #tpu.memory_space<vmem>>, vector<512x256xf32>
      %get3A_5 = arith.constant 0 : index
      %get3A_6 = arith.constant 0 : index
      %get3A_7 = arith.constant 0 : index
      %get3A_8 = vector.load %arg4[%get3A_5, %get3A_6, %get3A_7] : memref<1x256x512xf32, #tpu.memory_space<vmem>>, vector<1x256x512xf32>
      %get3A_9 = vector.shape_cast %get3A_8 : vector<1x256x512xf32> to vector<256x512xf32>
      %dot_general3A = arith.constant dense<0.000000e+00> : vector<512x512xf32>
      %dot_general3A_10 = tpu.matmul %get3A_4, %get3A_9, %dot_general3A {dimension_numbers = #tpu.dot_dimension_numbers<[1], [0], [0], [1], [0, 0, 1, 1], [], []>, transpose_lhs_hint = false} : vector<512x256xf32>, vector<256x512xf32>, vector<512x512xf32> -> vector<512x512xf32>
      %get3A_11 = arith.constant 0 : index
      %get3A_12 = arith.constant 0 : index
      %get3A_13 = arith.constant 0 : index
      %get3A_14 = vector.load %arg5[%get3A_11, %get3A_12, %get3A_13] : memref<1x1x512xf32, #tpu.memory_space<vmem>>, vector<1x1x512xf32>
      %get3A_15 = vector.shape_cast %get3A_14 : vector<1x1x512xf32> to vector<1x512xf32>
      %add3A = vector.broadcast %get3A_15 : vector<1x512xf32> to vector<512x512xf32>
      %add3A_16 = arith.addf %dot_general3A_10, %add3A : vector<512x512xf32>
      %max3A = arith.constant 0.000000e+00 : f32
      %max3A_17 = vector.broadcast %max3A : f32 to vector<512x512xf32>
      %max3A_18 = arith.maximumf %add3A_16, %max3A_17 : vector<512x512xf32>
      %get3A_19 = arith.constant 0 : index
      %get3A_20 = arith.constant 0 : index
      %get3A_21 = arith.constant 0 : index
      %get3A_22 = vector.load %arg6[%get3A_19, %get3A_20, %get3A_21] : memref<1x512x512xf32, #tpu.memory_space<vmem>>, vector<1x512x512xf32>
      %get3A_23 = vector.shape_cast %get3A_22 : vector<1x512x512xf32> to vector<512x512xf32>
      %dot_general3A_24 = arith.constant dense<0.000000e+00> : vector<512x512xf32>
      %dot_general3A_25 = tpu.matmul %max3A_18, %get3A_23, %dot_general3A_24 {dimension_numbers = #tpu.dot_dimension_numbers<[1], [0], [0], [1], [0, 0, 1, 1], [], []>, transpose_lhs_hint = false} : vector<512x512xf32>, vector<512x512xf32>, vector<512x512xf32> -> vector<512x512xf32>
      %get3A_26 = arith.constant 0 : index
      %get3A_27 = arith.constant 0 : index
      %get3A_28 = arith.constant 0 : index
      %get3A_29 = vector.load %arg7[%get3A_26, %get3A_27, %get3A_28] : memref<1x1x512xf32, #tpu.memory_space<vmem>>, vector<1x1x512xf32>
      %get3A_30 = vector.shape_cast %get3A_29 : vector<1x1x512xf32> to vector<1x512xf32>
      %add3A_31 = vector.broadcast %get3A_30 : vector<1x512xf32> to vector<512x512xf32>
      %add3A_32 = arith.addf %dot_general3A_25, %add3A_31 : vector<512x512xf32>
      %mul3A = arith.mulf %add3A_32, %add3A_32 : vector<512x512xf32>
      %reduce_sum3A = arith.constant dense<0.000000e+00> : vector<512xf32>
      %reduce_sum3A_33 = vector.multi_reduction <add>, %mul3A, %reduce_sum3A [1] : vector<512x512xf32> to vector<512xf32>
      %broadcast_in_dim3A = vector.shape_cast %reduce_sum3A_33 : vector<512xf32> to vector<512x1xf32>
      %sqrt3A = math.sqrt %broadcast_in_dim3A : vector<512x1xf32>
      %max3A_34 = arith.constant 9.99999996E-13 : f32
      %max3A_35 = vector.broadcast %max3A_34 : f32 to vector<512x1xf32>
      %max3A_36 = arith.maximumf %sqrt3A, %max3A_35 : vector<512x1xf32>
      %div3A = vector.broadcast %max3A_36 : vector<512x1xf32> to vector<512x512xf32>
      %div3A_37 = arith.divf %add3A_32, %div3A : vector<512x512xf32>
      %swap3A = arith.constant 0 : index
      %swap3A_38 = arith.constant 0 : index
      %swap3A_39 = vector.load %arg8[%swap3A, %swap3A_38] : memref<512x512xf32, #tpu.memory_space<vmem>>, vector<512x512xf32>
      tpu.vector_store %arg8[%swap3A, %swap3A_38], %div3A_37 {strides = array<i32>} : memref<512x512xf32, #tpu.memory_space<vmem>>, vector<512x512xf32>,
    } else {
    }
    return
  }
  func.func @transform_0(%arg0: i32, %arg1: memref<128xi32, #tpu.memory_space<smem>>, %arg2: memref<1xi32, #tpu.memory_space<smem>>) -> (i32, i32) {
    %get3A = arith.constant 0 : index
    %get3A_0 = memref.load %arg2[%get3A] : memref<1xi32, #tpu.memory_space<smem>>
    %sub3A = arith.constant 1 : i32
    %sub3A_1 = arith.subi %get3A_0, %sub3A : i32
    %min3A = arith.minsi %arg0, %sub3A_1 : i32
    %c0_i32 = arith.constant 0 : i32
    %c0_i32_2 = arith.constant 0 : i32
    return %min3A, %c0_i32 : i32, i32
  }
  func.func @transform_1(%arg0: i32, %arg1: memref<128xi32, #tpu.memory_space<smem>>, %arg2: memref<1xi32, #tpu.memory_space<smem>>) -> (i32, i32, i32) {
    %get3A = arith.constant 0 : index
    %get3A_0 = memref.load %arg2[%get3A] : memref<1xi32, #tpu.memory_space<smem>>
    %sub3A = arith.constant 1 : i32
    %sub3A_1 = arith.subi %get3A_0, %sub3A : i32
    %min3A = arith.minsi %arg0, %sub3A_1 : i32
    %get3A_2 = arith.index_cast %min3A : i32 to index
    %get3A_3 = memref.load %arg1[%get3A_2] : memref<128xi32, #tpu.memory_space<smem>>
    %c0_i32 = arith.constant 0 : i32
    %c0_i32_4 = arith.constant 0 : i32
    %c0_i32_5 = arith.constant 0 : i32
    return %get3A_3, %c0_i32, %c0_i32_4 : i32, i32, i32
  }
  func.func @transform_2(%arg0: i32, %arg1: memref<128xi32, #tpu.memory_space<smem>>, %arg2: memref<1xi32, #tpu.memory_space<smem>>) -> (i32, i32, i32) {
    %get3A = arith.constant 0 : index
    %get3A_0 = memref.load %arg2[%get3A] : memref<1xi32, #tpu.memory_space<smem>>
    %sub3A = arith.constant 1 : i32
    %sub3A_1 = arith.subi %get3A_0, %sub3A : i32
    %min3A = arith.minsi %arg0, %sub3A_1 : i32
    %get3A_2 = arith.index_cast %min3A : i32 to index
    %get3A_3 = memref.load %arg1[%get3A_2] : memref<128xi32, #tpu.memory_space<smem>>
    %c0_i32 = arith.constant 0 : i32
    %c0_i32_4 = arith.constant 0 : i32
    %c0_i32_5 = arith.constant 0 : i32
    return %get3A_3, %c0_i32, %c0_i32_4 : i32, i32, i32
  }
  func.func @transform_3(%arg0: i32, %arg1: memref<128xi32, #tpu.memory_space<smem>>, %arg2: memref<1xi32, #tpu.memory_space<smem>>) -> (i32, i32, i32) {
    %get3A = arith.constant 0 : index
    %get3A_0 = memref.load %arg2[%get3A] : memref<1xi32, #tpu.memory_space<smem>>
    %sub3A = arith.constant 1 : i32
    %sub3A_1 = arith.subi %get3A_0, %sub3A : i32
    %min3A = arith.minsi %arg0, %sub3A_1 : i32
    %get3A_2 = arith.index_cast %min3A : i32 to index
    %get3A_3 = memref.load %arg1[%get3A_2] : memref<128xi32, #tpu.memory_space<smem>>
    %c0_i32 = arith.constant 0 : i32
    %c0_i32_4 = arith.constant 0 : i32
    %c0_i32_5 = arith.constant 0 : i32
    return %get3A_3, %c0_i32, %c0_i32_4 : i32, i32, i32
  }
  func.func @transform_4(%arg0: i32, %arg1: memref<128xi32, #tpu.memory_space<smem>>, %arg2: memref<1xi32, #tpu.memory_space<smem>>) -> (i32, i32, i32) {
    %get3A = arith.constant 0 : index
    %get3A_0 = memref.load %arg2[%get3A] : memref<1xi32, #tpu.memory_space<smem>>
    %sub3A = arith.constant 1 : i32
    %sub3A_1 = arith.subi %get3A_0, %sub3A : i32
    %min3A = arith.minsi %arg0, %sub3A_1 : i32
    %get3A_2 = arith.index_cast %min3A : i32 to index
    %get3A_3 = memref.load %arg1[%get3A_2] : memref<128xi32, #tpu.memory_space<smem>>
    %c0_i32 = arith.constant 0 : i32
    %c0_i32_4 = arith.constant 0 : i32
    %c0_i32_5 = arith.constant 0 : i32
    return %get3A_3, %c0_i32, %c0_i32_4 : i32, i32, i32
  }
  func.func @transform_5(%arg0: i32, %arg1: memref<128xi32, #tpu.memory_space<smem>>, %arg2: memref<1xi32, #tpu.memory_space<smem>>) -> (i32, i32) {
    %get3A = arith.constant 0 : index
    %get3A_0 = memref.load %arg2[%get3A] : memref<1xi32, #tpu.memory_space<smem>>
    %sub3A = arith.constant 1 : i32
    %sub3A_1 = arith.subi %get3A_0, %sub3A : i32
    %min3A = arith.minsi %arg0, %sub3A_1 : i32
    %c0_i32 = arith.constant 0 : i32
    %c0_i32_2 = arith.constant 0 : i32
    return %min3A, %c0_i32 : i32, i32
  }
}

module attributes {stable_mosaic.version = 14 : i64} {
  func.func @_routing_body(%arg0: memref<128x128xi32, #tpu.memory_space<vmem>>, %arg1: memref<128x128xi32, #tpu.memory_space<vmem>>, %arg2: memref<1x128xi32, #tpu.memory_space<vmem>>, %arg3: memref<1x1xi32, #tpu.memory_space<vmem>>) attributes {dimension_semantics = [], scalar_prefetch = 0 : i64, scratch_operands = 0 : i64, tpu.core_type = #tpu.core_type<tc>} {
    %get3A = arith.constant 0 : index
    %get3A_0 = arith.constant 0 : index
    %get3A_1 = vector.load %arg0[%get3A, %get3A_0] : memref<128x128xi32, #tpu.memory_space<vmem>>, vector<128x128xi32>
    %iota3A = tpu.iota {dimensions = array<i32: 0>} : vector<128x128xi32>
    %iota3A_2 = tpu.iota {dimensions = array<i32: 1>} : vector<128x128xi32>
    %lt3A = arith.cmpi slt, %iota3A_2, %iota3A : vector<128x128xi32>
    %convert_element_type3A = arith.extui %lt3A : vector<128x128xi1> to vector<128x128xi32>
    %convert_element_type3A_3 = arith.sitofp %convert_element_type3A : vector<128x128xi32> to vector<128x128xf32>
    %lt3A_4 = arith.cmpi slt, %iota3A, %iota3A_2 : vector<128x128xi32>
    %convert_element_type3A_5 = arith.extui %lt3A_4 : vector<128x128xi1> to vector<128x128xi32>
    %convert_element_type3A_6 = arith.sitofp %convert_element_type3A_5 : vector<128x128xi32> to vector<128x128xf32>
    %iota3A_7 = tpu.iota {dimensions = array<i32: 1>} : vector<1x128xi32>
    %broadcast_in_dim3A = arith.constant 0.000000e+00 : f32
    %broadcast_in_dim3A_8 = vector.broadcast %broadcast_in_dim3A : f32 to vector<128x128xf32>
    %broadcast_in_dim3A_9 = arith.constant 0 : i32
    %broadcast_in_dim3A_10 = vector.broadcast %broadcast_in_dim3A_9 : i32 to vector<1x128xi32>
    %eq3A = arith.constant 0 : i32
    %eq3A_11 = vector.broadcast %eq3A : i32 to vector<128x128xi32>
    %eq3A_12 = arith.cmpi eq, %get3A_1, %eq3A_11 : vector<128x128xi32>
    %convert_element_type3A_13 = arith.extui %eq3A_12 : vector<128x128xi1> to vector<128x128xi32>
    %convert_element_type3A_14 = arith.sitofp %convert_element_type3A_13 : vector<128x128xi32> to vector<128x128xf32>
    %reduce_sum3A = vector.shape_cast %convert_element_type3A_14 : vector<128x128xf32> to vector<1x128x128xf32>
    %reduce_sum3A_15 = arith.constant dense<0.000000e+00> : vector<1xf32>
    %reduce_sum3A_16 = vector.multi_reduction <add>, %reduce_sum3A, %reduce_sum3A_15 [1, 2] : vector<1x128x128xf32> to vector<1xf32>
    %reduce_sum3A_17 = vector.shape_cast %reduce_sum3A_16 : vector<1xf32> to vector<1x1x1xf32>
    %reduce_sum3A_18 = vector.extract %reduce_sum3A_17[0, 0, 0] : f32 from vector<1x1x1xf32>
    %convert_element_type3A_19 = arith.fptosi %reduce_sum3A_18 : f32 to i32
    %dot_general3A = arith.constant dense<0.000000e+00> : vector<128x128xf32>
    %dot_general3A_20 = tpu.matmul %convert_element_type3A_14, %convert_element_type3A_6, %dot_general3A {dimension_numbers = #tpu.dot_dimension_numbers<[1], [0], [0], [1], [0, 0, 1, 1], [], []>, transpose_lhs_hint = false} : vector<128x128xf32>, vector<128x128xf32>, vector<128x128xf32> -> vector<128x128xf32>
    %reduce_sum3A_21 = arith.constant dense<0.000000e+00> : vector<128xf32>
    %reduce_sum3A_22 = vector.multi_reduction <add>, %convert_element_type3A_14, %reduce_sum3A_21 [1] : vector<128x128xf32> to vector<128xf32>
    %broadcast_in_dim3A_23 = vector.shape_cast %reduce_sum3A_22 : vector<128xf32> to vector<128x1xf32>
    %dot_general3A_24 = arith.constant dense<0.000000e+00> : vector<128x1xf32>
    %dot_general3A_25 = tpu.matmul %convert_element_type3A_3, %broadcast_in_dim3A_23, %dot_general3A_24 {dimension_numbers = #tpu.dot_dimension_numbers<[1], [0], [0], [1], [0, 0, 1, 1], [], []>, transpose_lhs_hint = false} : vector<128x128xf32>, vector<128x1xf32>, vector<128x1xf32> -> vector<128x1xf32>
    %mul3A = arith.constant 0 : i32
    %mul3A_26 = arith.constant 512 : i32
    %mul3A_27 = arith.muli %mul3A, %mul3A_26 : i32
    %convert_element_type3A_28 = arith.sitofp %mul3A_27 : i32 to f32
    %add3A = vector.broadcast %dot_general3A_25 : vector<128x1xf32> to vector<128x128xf32>
    %add3A_29 = arith.addf %dot_general3A_20, %add3A : vector<128x128xf32>
    %add3A_30 = vector.broadcast %convert_element_type3A_28 : f32 to vector<128x128xf32>
    %add3A_31 = arith.addf %add3A_29, %add3A_30 : vector<128x128xf32>
    %mul3A_32 = arith.mulf %convert_element_type3A_14, %add3A_31 : vector<128x128xf32>
    %add3A_33 = arith.addf %broadcast_in_dim3A_8, %mul3A_32 : vector<128x128xf32>
    %add3A_34 = arith.constant 512 : i32
    %add3A_35 = arith.addi %convert_element_type3A_19, %add3A_34 : i32
    %sub3A = arith.constant 1 : i32
    %sub3A_36 = arith.subi %add3A_35, %sub3A : i32
    %jit3A = arith.constant 512 : i32
    %div3A = arith.divsi %sub3A_36, %jit3A : i32
    %sign3A = arith.constant 0 : i32
    %sign3A_37 = arith.cmpi sgt, %sub3A_36, %sign3A : i32
    %sign3A_38 = arith.extui %sign3A_37 : i1 to i32
    %sign3A_39 = arith.constant 0 : i32
    %sign3A_40 = arith.cmpi slt, %sub3A_36, %sign3A_39 : i32
    %sign3A_41 = arith.extui %sign3A_40 : i1 to i32
    %sign3A_42 = arith.subi %sign3A_38, %sign3A_41 : i32
    %sign3A_43 = arith.constant 0 : i32
    %sign3A_44 = arith.cmpi sgt, %jit3A, %sign3A_43 : i32
    %sign3A_45 = arith.extui %sign3A_44 : i1 to i32
    %sign3A_46 = arith.constant 0 : i32
    %sign3A_47 = arith.cmpi slt, %jit3A, %sign3A_46 : i32
    %sign3A_48 = arith.extui %sign3A_47 : i1 to i32
    %sign3A_49 = arith.subi %sign3A_45, %sign3A_48 : i32
    %ne3A = arith.cmpi ne, %sign3A_42, %sign3A_49 : i32
    %rem3A = arith.remsi %sub3A_36, %jit3A : i32
    %ne3A_50 = arith.constant 0 : i32
    %ne3A_51 = arith.cmpi ne, %rem3A, %ne3A_50 : i32
    %and3A = arith.andi %ne3A, %ne3A_51 : i1
    %sub3A_52 = arith.constant 1 : i32
    %sub3A_53 = arith.subi %div3A, %sub3A_52 : i32
    %select_n3A = arith.select %and3A, %sub3A_53, %div3A : i32
    %add3A_54 = arith.constant 0 : i32
    %add3A_55 = arith.addi %add3A_54, %select_n3A : i32
    %ge3A = vector.broadcast %add3A_55 : i32 to vector<1x128xi32>
    %ge3A_56 = arith.cmpi sge, %iota3A_7, %ge3A : vector<1x128xi32>
    %convert_element_type3A_57 = arith.extui %ge3A_56 : vector<1x128xi1> to vector<1x128xi32>
    %add3A_58 = arith.addi %broadcast_in_dim3A_10, %convert_element_type3A_57 : vector<1x128xi32>
    %eq3A_59 = arith.constant 1 : i32
    %eq3A_60 = vector.broadcast %eq3A_59 : i32 to vector<128x128xi32>
    %eq3A_61 = arith.cmpi eq, %get3A_1, %eq3A_60 : vector<128x128xi32>
    %convert_element_type3A_62 = arith.extui %eq3A_61 : vector<128x128xi1> to vector<128x128xi32>
    %convert_element_type3A_63 = arith.sitofp %convert_element_type3A_62 : vector<128x128xi32> to vector<128x128xf32>
    %reduce_sum3A_64 = vector.shape_cast %convert_element_type3A_63 : vector<128x128xf32> to vector<1x128x128xf32>
    %reduce_sum3A_65 = arith.constant dense<0.000000e+00> : vector<1xf32>
    %reduce_sum3A_66 = vector.multi_reduction <add>, %reduce_sum3A_64, %reduce_sum3A_65 [1, 2] : vector<1x128x128xf32> to vector<1xf32>
    %reduce_sum3A_67 = vector.shape_cast %reduce_sum3A_66 : vector<1xf32> to vector<1x1x1xf32>
    %reduce_sum3A_68 = vector.extract %reduce_sum3A_67[0, 0, 0] : f32 from vector<1x1x1xf32>
    %convert_element_type3A_69 = arith.fptosi %reduce_sum3A_68 : f32 to i32
    %dot_general3A_70 = arith.constant dense<0.000000e+00> : vector<128x128xf32>
    %dot_general3A_71 = tpu.matmul %convert_element_type3A_63, %convert_element_type3A_6, %dot_general3A_70 {dimension_numbers = #tpu.dot_dimension_numbers<[1], [0], [0], [1], [0, 0, 1, 1], [], []>, transpose_lhs_hint = false} : vector<128x128xf32>, vector<128x128xf32>, vector<128x128xf32> -> vector<128x128xf32>
    %reduce_sum3A_72 = arith.constant dense<0.000000e+00> : vector<128xf32>
    %reduce_sum3A_73 = vector.multi_reduction <add>, %convert_element_type3A_63, %reduce_sum3A_72 [1] : vector<128x128xf32> to vector<128xf32>
    %broadcast_in_dim3A_74 = vector.shape_cast %reduce_sum3A_73 : vector<128xf32> to vector<128x1xf32>
    %dot_general3A_75 = arith.constant dense<0.000000e+00> : vector<128x1xf32>
    %dot_general3A_76 = tpu.matmul %convert_element_type3A_3, %broadcast_in_dim3A_74, %dot_general3A_75 {dimension_numbers = #tpu.dot_dimension_numbers<[1], [0], [0], [1], [0, 0, 1, 1], [], []>, transpose_lhs_hint = false} : vector<128x128xf32>, vector<128x1xf32>, vector<128x1xf32> -> vector<128x1xf32>
    %mul3A_77 = arith.constant 512 : i32
    %mul3A_78 = arith.muli %add3A_55, %mul3A_77 : i32
    %convert_element_type3A_79 = arith.sitofp %mul3A_78 : i32 to f32
    %add3A_80 = vector.broadcast %dot_general3A_76 : vector<128x1xf32> to vector<128x128xf32>
    %add3A_81 = arith.addf %dot_general3A_71, %add3A_80 : vector<128x128xf32>
    %add3A_82 = vector.broadcast %convert_element_type3A_79 : f32 to vector<128x128xf32>
    %add3A_83 = arith.addf %add3A_81, %add3A_82 : vector<128x128xf32>
    %mul3A_84 = arith.mulf %convert_element_type3A_63, %add3A_83 : vector<128x128xf32>
    %add3A_85 = arith.addf %add3A_33, %mul3A_84 : vector<128x128xf32>
    %add3A_86 = arith.constant 512 : i32
    %add3A_87 = arith.addi %convert_element_type3A_69, %add3A_86 : i32
    %sub3A_88 = arith.constant 1 : i32
    %sub3A_89 = arith.subi %add3A_87, %sub3A_88 : i32
    %jit3A_90 = arith.constant 512 : i32
    %div3A_91 = arith.divsi %sub3A_89, %jit3A_90 : i32
    %sign3A_92 = arith.constant 0 : i32
    %sign3A_93 = arith.cmpi sgt, %sub3A_89, %sign3A_92 : i32
    %sign3A_94 = arith.extui %sign3A_93 : i1 to i32
    %sign3A_95 = arith.constant 0 : i32
    %sign3A_96 = arith.cmpi slt, %sub3A_89, %sign3A_95 : i32
    %sign3A_97 = arith.extui %sign3A_96 : i1 to i32
    %sign3A_98 = arith.subi %sign3A_94, %sign3A_97 : i32
    %sign3A_99 = arith.constant 0 : i32
    %sign3A_100 = arith.cmpi sgt, %jit3A_90, %sign3A_99 : i32
    %sign3A_101 = arith.extui %sign3A_100 : i1 to i32
    %sign3A_102 = arith.constant 0 : i32
    %sign3A_103 = arith.cmpi slt, %jit3A_90, %sign3A_102 : i32
    %sign3A_104 = arith.extui %sign3A_103 : i1 to i32
    %sign3A_105 = arith.subi %sign3A_101, %sign3A_104 : i32
    %ne3A_106 = arith.cmpi ne, %sign3A_98, %sign3A_105 : i32
    %rem3A_107 = arith.remsi %sub3A_89, %jit3A_90 : i32
    %ne3A_108 = arith.constant 0 : i32
    %ne3A_109 = arith.cmpi ne, %rem3A_107, %ne3A_108 : i32
    %and3A_110 = arith.andi %ne3A_106, %ne3A_109 : i1
    %sub3A_111 = arith.constant 1 : i32
    %sub3A_112 = arith.subi %div3A_91, %sub3A_111 : i32
    %select_n3A_113 = arith.select %and3A_110, %sub3A_112, %div3A_91 : i32
    %add3A_114 = arith.addi %add3A_55, %select_n3A_113 : i32
    %ge3A_115 = vector.broadcast %add3A_114 : i32 to vector<1x128xi32>
    %ge3A_116 = arith.cmpi sge, %iota3A_7, %ge3A_115 : vector<1x128xi32>
    %convert_element_type3A_117 = arith.extui %ge3A_116 : vector<1x128xi1> to vector<1x128xi32>
    %add3A_118 = arith.addi %add3A_58, %convert_element_type3A_117 : vector<1x128xi32>
    %eq3A_119 = arith.constant 2 : i32
    %eq3A_120 = vector.broadcast %eq3A_119 : i32 to vector<128x128xi32>
    %eq3A_121 = arith.cmpi eq, %get3A_1, %eq3A_120 : vector<128x128xi32>
    %convert_element_type3A_122 = arith.extui %eq3A_121 : vector<128x128xi1> to vector<128x128xi32>
    %convert_element_type3A_123 = arith.sitofp %convert_element_type3A_122 : vector<128x128xi32> to vector<128x128xf32>
    %reduce_sum3A_124 = vector.shape_cast %convert_element_type3A_123 : vector<128x128xf32> to vector<1x128x128xf32>
    %reduce_sum3A_125 = arith.constant dense<0.000000e+00> : vector<1xf32>
    %reduce_sum3A_126 = vector.multi_reduction <add>, %reduce_sum3A_124, %reduce_sum3A_125 [1, 2] : vector<1x128x128xf32> to vector<1xf32>
    %reduce_sum3A_127 = vector.shape_cast %reduce_sum3A_126 : vector<1xf32> to vector<1x1x1xf32>
    %reduce_sum3A_128 = vector.extract %reduce_sum3A_127[0, 0, 0] : f32 from vector<1x1x1xf32>
    %convert_element_type3A_129 = arith.fptosi %reduce_sum3A_128 : f32 to i32
    %dot_general3A_130 = arith.constant dense<0.000000e+00> : vector<128x128xf32>
    %dot_general3A_131 = tpu.matmul %convert_element_type3A_123, %convert_element_type3A_6, %dot_general3A_130 {dimension_numbers = #tpu.dot_dimension_numbers<[1], [0], [0], [1], [0, 0, 1, 1], [], []>, transpose_lhs_hint = false} : vector<128x128xf32>, vector<128x128xf32>, vector<128x128xf32> -> vector<128x128xf32>
    %reduce_sum3A_132 = arith.constant dense<0.000000e+00> : vector<128xf32>
    %reduce_sum3A_133 = vector.multi_reduction <add>, %convert_element_type3A_123, %reduce_sum3A_132 [1] : vector<128x128xf32> to vector<128xf32>
    %broadcast_in_dim3A_134 = vector.shape_cast %reduce_sum3A_133 : vector<128xf32> to vector<128x1xf32>
    %dot_general3A_135 = arith.constant dense<0.000000e+00> : vector<128x1xf32>
    %dot_general3A_136 = tpu.matmul %convert_element_type3A_3, %broadcast_in_dim3A_134, %dot_general3A_135 {dimension_numbers = #tpu.dot_dimension_numbers<[1], [0], [0], [1], [0, 0, 1, 1], [], []>, transpose_lhs_hint = false} : vector<128x128xf32>, vector<128x1xf32>, vector<128x1xf32> -> vector<128x1xf32>
    %mul3A_137 = arith.constant 512 : i32
    %mul3A_138 = arith.muli %add3A_114, %mul3A_137 : i32
    %convert_element_type3A_139 = arith.sitofp %mul3A_138 : i32 to f32
    %add3A_140 = vector.broadcast %dot_general3A_136 : vector<128x1xf32> to vector<128x128xf32>
    %add3A_141 = arith.addf %dot_general3A_131, %add3A_140 : vector<128x128xf32>
    %add3A_142 = vector.broadcast %convert_element_type3A_139 : f32 to vector<128x128xf32>
    %add3A_143 = arith.addf %add3A_141, %add3A_142 : vector<128x128xf32>
    %mul3A_144 = arith.mulf %convert_element_type3A_123, %add3A_143 : vector<128x128xf32>
    %add3A_145 = arith.addf %add3A_85, %mul3A_144 : vector<128x128xf32>
    %add3A_146 = arith.constant 512 : i32
    %add3A_147 = arith.addi %convert_element_type3A_129, %add3A_146 : i32
    %sub3A_148 = arith.constant 1 : i32
    %sub3A_149 = arith.subi %add3A_147, %sub3A_148 : i32
    %jit3A_150 = arith.constant 512 : i32
    %div3A_151 = arith.divsi %sub3A_149, %jit3A_150 : i32
    %sign3A_152 = arith.constant 0 : i32
    %sign3A_153 = arith.cmpi sgt, %sub3A_149, %sign3A_152 : i32
    %sign3A_154 = arith.extui %sign3A_153 : i1 to i32
    %sign3A_155 = arith.constant 0 : i32
    %sign3A_156 = arith.cmpi slt, %sub3A_149, %sign3A_155 : i32
    %sign3A_157 = arith.extui %sign3A_156 : i1 to i32
    %sign3A_158 = arith.subi %sign3A_154, %sign3A_157 : i32
    %sign3A_159 = arith.constant 0 : i32
    %sign3A_160 = arith.cmpi sgt, %jit3A_150, %sign3A_159 : i32
    %sign3A_161 = arith.extui %sign3A_160 : i1 to i32
    %sign3A_162 = arith.constant 0 : i32
    %sign3A_163 = arith.cmpi slt, %jit3A_150, %sign3A_162 : i32
    %sign3A_164 = arith.extui %sign3A_163 : i1 to i32
    %sign3A_165 = arith.subi %sign3A_161, %sign3A_164 : i32
    %ne3A_166 = arith.cmpi ne, %sign3A_158, %sign3A_165 : i32
    %rem3A_167 = arith.remsi %sub3A_149, %jit3A_150 : i32
    %ne3A_168 = arith.constant 0 : i32
    %ne3A_169 = arith.cmpi ne, %rem3A_167, %ne3A_168 : i32
    %and3A_170 = arith.andi %ne3A_166, %ne3A_169 : i1
    %sub3A_171 = arith.constant 1 : i32
    %sub3A_172 = arith.subi %div3A_151, %sub3A_171 : i32
    %select_n3A_173 = arith.select %and3A_170, %sub3A_172, %div3A_151 : i32
    %add3A_174 = arith.addi %add3A_114, %select_n3A_173 : i32
    %ge3A_175 = vector.broadcast %add3A_174 : i32 to vector<1x128xi32>
    %ge3A_176 = arith.cmpi sge, %iota3A_7, %ge3A_175 : vector<1x128xi32>
    %convert_element_type3A_177 = arith.extui %ge3A_176 : vector<1x128xi1> to vector<1x128xi32>
    %add3A_178 = arith.addi %add3A_118, %convert_element_type3A_177 : vector<1x128xi32>
    %eq3A_179 = arith.constant 3 : i32
    %eq3A_180 = vector.broadcast %eq3A_179 : i32 to vector<128x128xi32>
    %eq3A_181 = arith.cmpi eq, %get3A_1, %eq3A_180 : vector<128x128xi32>
    %convert_element_type3A_182 = arith.extui %eq3A_181 : vector<128x128xi1> to vector<128x128xi32>
    %convert_element_type3A_183 = arith.sitofp %convert_element_type3A_182 : vector<128x128xi32> to vector<128x128xf32>
    %reduce_sum3A_184 = vector.shape_cast %convert_element_type3A_183 : vector<128x128xf32> to vector<1x128x128xf32>
    %reduce_sum3A_185 = arith.constant dense<0.000000e+00> : vector<1xf32>
    %reduce_sum3A_186 = vector.multi_reduction <add>, %reduce_sum3A_184, %reduce_sum3A_185 [1, 2] : vector<1x128x128xf32> to vector<1xf32>
    %reduce_sum3A_187 = vector.shape_cast %reduce_sum3A_186 : vector<1xf32> to vector<1x1x1xf32>
    %reduce_sum3A_188 = vector.extract %reduce_sum3A_187[0, 0, 0] : f32 from vector<1x1x1xf32>
    %convert_element_type3A_189 = arith.fptosi %reduce_sum3A_188 : f32 to i32
    %dot_general3A_190 = arith.constant dense<0.000000e+00> : vector<128x128xf32>
    %dot_general3A_191 = tpu.matmul %convert_element_type3A_183, %convert_element_type3A_6, %dot_general3A_190 {dimension_numbers = #tpu.dot_dimension_numbers<[1], [0], [0], [1], [0, 0, 1, 1], [], []>, transpose_lhs_hint = false} : vector<128x128xf32>, vector<128x128xf32>, vector<128x128xf32> -> vector<128x128xf32>
    %reduce_sum3A_192 = arith.constant dense<0.000000e+00> : vector<128xf32>
    %reduce_sum3A_193 = vector.multi_reduction <add>, %convert_element_type3A_183, %reduce_sum3A_192 [1] : vector<128x128xf32> to vector<128xf32>
    %broadcast_in_dim3A_194 = vector.shape_cast %reduce_sum3A_193 : vector<128xf32> to vector<128x1xf32>
    %dot_general3A_195 = arith.constant dense<0.000000e+00> : vector<128x1xf32>
    %dot_general3A_196 = tpu.matmul %convert_element_type3A_3, %broadcast_in_dim3A_194, %dot_general3A_195 {dimension_numbers = #tpu.dot_dimension_numbers<[1], [0], [0], [1], [0, 0, 1, 1], [], []>, transpose_lhs_hint = false} : vector<128x128xf32>, vector<128x1xf32>, vector<128x1xf32> -> vector<128x1xf32>
    %mul3A_197 = arith.constant 512 : i32
    %mul3A_198 = arith.muli %add3A_174, %mul3A_197 : i32
    %convert_element_type3A_199 = arith.sitofp %mul3A_198 : i32 to f32
    %add3A_200 = vector.broadcast %dot_general3A_196 : vector<128x1xf32> to vector<128x128xf32>
    %add3A_201 = arith.addf %dot_general3A_191, %add3A_200 : vector<128x128xf32>
    %add3A_202 = vector.broadcast %convert_element_type3A_199 : f32 to vector<128x128xf32>
    %add3A_203 = arith.addf %add3A_201, %add3A_202 : vector<128x128xf32>
    %mul3A_204 = arith.mulf %convert_element_type3A_183, %add3A_203 : vector<128x128xf32>
    %add3A_205 = arith.addf %add3A_145, %mul3A_204 : vector<128x128xf32>
    %add3A_206 = arith.constant 512 : i32
    %add3A_207 = arith.addi %convert_element_type3A_189, %add3A_206 : i32
    %sub3A_208 = arith.constant 1 : i32
    %sub3A_209 = arith.subi %add3A_207, %sub3A_208 : i32
    %jit3A_210 = arith.constant 512 : i32
    %div3A_211 = arith.divsi %sub3A_209, %jit3A_210 : i32
    %sign3A_212 = arith.constant 0 : i32
    %sign3A_213 = arith.cmpi sgt, %sub3A_209, %sign3A_212 : i32
    %sign3A_214 = arith.extui %sign3A_213 : i1 to i32
    %sign3A_215 = arith.constant 0 : i32
    %sign3A_216 = arith.cmpi slt, %sub3A_209, %sign3A_215 : i32
    %sign3A_217 = arith.extui %sign3A_216 : i1 to i32
    %sign3A_218 = arith.subi %sign3A_214, %sign3A_217 : i32
    %sign3A_219 = arith.constant 0 : i32
    %sign3A_220 = arith.cmpi sgt, %jit3A_210, %sign3A_219 : i32
    %sign3A_221 = arith.extui %sign3A_220 : i1 to i32
    %sign3A_222 = arith.constant 0 : i32
    %sign3A_223 = arith.cmpi slt, %jit3A_210, %sign3A_222 : i32
    %sign3A_224 = arith.extui %sign3A_223 : i1 to i32
    %sign3A_225 = arith.subi %sign3A_221, %sign3A_224 : i32
    %ne3A_226 = arith.cmpi ne, %sign3A_218, %sign3A_225 : i32
    %rem3A_227 = arith.remsi %sub3A_209, %jit3A_210 : i32
    %ne3A_228 = arith.constant 0 : i32
    %ne3A_229 = arith.cmpi ne, %rem3A_227, %ne3A_228 : i32
    %and3A_230 = arith.andi %ne3A_226, %ne3A_229 : i1
    %sub3A_231 = arith.constant 1 : i32
    %sub3A_232 = arith.subi %div3A_211, %sub3A_231 : i32
    %select_n3A_233 = arith.select %and3A_230, %sub3A_232, %div3A_211 : i32
    %add3A_234 = arith.addi %add3A_174, %select_n3A_233 : i32
    %ge3A_235 = vector.broadcast %add3A_234 : i32 to vector<1x128xi32>
    %ge3A_236 = arith.cmpi sge, %iota3A_7, %ge3A_235 : vector<1x128xi32>
    %convert_element_type3A_237 = arith.extui %ge3A_236 : vector<1x128xi1> to vector<1x128xi32>
    %add3A_238 = arith.addi %add3A_178, %convert_element_type3A_237 : vector<1x128xi32>
    %eq3A_239 = arith.constant 4 : i32
    %eq3A_240 = vector.broadcast %eq3A_239 : i32 to vector<128x128xi32>
    %eq3A_241 = arith.cmpi eq, %get3A_1, %eq3A_240 : vector<128x128xi32>
    %convert_element_type3A_242 = arith.extui %eq3A_241 : vector<128x128xi1> to vector<128x128xi32>
    %convert_element_type3A_243 = arith.sitofp %convert_element_type3A_242 : vector<128x128xi32> to vector<128x128xf32>
    %reduce_sum3A_244 = vector.shape_cast %convert_element_type3A_243 : vector<128x128xf32> to vector<1x128x128xf32>
    %reduce_sum3A_245 = arith.constant dense<0.000000e+00> : vector<1xf32>
    %reduce_sum3A_246 = vector.multi_reduction <add>, %reduce_sum3A_244, %reduce_sum3A_245 [1, 2] : vector<1x128x128xf32> to vector<1xf32>
    %reduce_sum3A_247 = vector.shape_cast %reduce_sum3A_246 : vector<1xf32> to vector<1x1x1xf32>
    %reduce_sum3A_248 = vector.extract %reduce_sum3A_247[0, 0, 0] : f32 from vector<1x1x1xf32>
    %convert_element_type3A_249 = arith.fptosi %reduce_sum3A_248 : f32 to i32
    %dot_general3A_250 = arith.constant dense<0.000000e+00> : vector<128x128xf32>
    %dot_general3A_251 = tpu.matmul %convert_element_type3A_243, %convert_element_type3A_6, %dot_general3A_250 {dimension_numbers = #tpu.dot_dimension_numbers<[1], [0], [0], [1], [0, 0, 1, 1], [], []>, transpose_lhs_hint = false} : vector<128x128xf32>, vector<128x128xf32>, vector<128x128xf32> -> vector<128x128xf32>
    %reduce_sum3A_252 = arith.constant dense<0.000000e+00> : vector<128xf32>
    %reduce_sum3A_253 = vector.multi_reduction <add>, %convert_element_type3A_243, %reduce_sum3A_252 [1] : vector<128x128xf32> to vector<128xf32>
    %broadcast_in_dim3A_254 = vector.shape_cast %reduce_sum3A_253 : vector<128xf32> to vector<128x1xf32>
    %dot_general3A_255 = arith.constant dense<0.000000e+00> : vector<128x1xf32>
    %dot_general3A_256 = tpu.matmul %convert_element_type3A_3, %broadcast_in_dim3A_254, %dot_general3A_255 {dimension_numbers = #tpu.dot_dimension_numbers<[1], [0], [0], [1], [0, 0, 1, 1], [], []>, transpose_lhs_hint = false} : vector<128x128xf32>, vector<128x1xf32>, vector<128x1xf32> -> vector<128x1xf32>
    %mul3A_257 = arith.constant 512 : i32
    %mul3A_258 = arith.muli %add3A_234, %mul3A_257 : i32
    %convert_element_type3A_259 = arith.sitofp %mul3A_258 : i32 to f32
    %add3A_260 = vector.broadcast %dot_general3A_256 : vector<128x1xf32> to vector<128x128xf32>
    %add3A_261 = arith.addf %dot_general3A_251, %add3A_260 : vector<128x128xf32>
    %add3A_262 = vector.broadcast %convert_element_type3A_259 : f32 to vector<128x128xf32>
    %add3A_263 = arith.addf %add3A_261, %add3A_262 : vector<128x128xf32>
    %mul3A_264 = arith.mulf %convert_element_type3A_243, %add3A_263 : vector<128x128xf32>
    %add3A_265 = arith.addf %add3A_205, %mul3A_264 : vector<128x128xf32>
    %add3A_266 = arith.constant 512 : i32
    %add3A_267 = arith.addi %convert_element_type3A_249, %add3A_266 : i32
    %sub3A_268 = arith.constant 1 : i32
    %sub3A_269 = arith.subi %add3A_267, %sub3A_268 : i32
    %jit3A_270 = arith.constant 512 : i32
    %div3A_271 = arith.divsi %sub3A_269, %jit3A_270 : i32
    %sign3A_272 = arith.constant 0 : i32
    %sign3A_273 = arith.cmpi sgt, %sub3A_269, %sign3A_272 : i32
    %sign3A_274 = arith.extui %sign3A_273 : i1 to i32
    %sign3A_275 = arith.constant 0 : i32
    %sign3A_276 = arith.cmpi slt, %sub3A_269, %sign3A_275 : i32
    %sign3A_277 = arith.extui %sign3A_276 : i1 to i32
    %sign3A_278 = arith.subi %sign3A_274, %sign3A_277 : i32
    %sign3A_279 = arith.constant 0 : i32
    %sign3A_280 = arith.cmpi sgt, %jit3A_270, %sign3A_279 : i32
    %sign3A_281 = arith.extui %sign3A_280 : i1 to i32
    %sign3A_282 = arith.constant 0 : i32
    %sign3A_283 = arith.cmpi slt, %jit3A_270, %sign3A_282 : i32
    %sign3A_284 = arith.extui %sign3A_283 : i1 to i32
    %sign3A_285 = arith.subi %sign3A_281, %sign3A_284 : i32
    %ne3A_286 = arith.cmpi ne, %sign3A_278, %sign3A_285 : i32
    %rem3A_287 = arith.remsi %sub3A_269, %jit3A_270 : i32
    %ne3A_288 = arith.constant 0 : i32
    %ne3A_289 = arith.cmpi ne, %rem3A_287, %ne3A_288 : i32
    %and3A_290 = arith.andi %ne3A_286, %ne3A_289 : i1
    %sub3A_291 = arith.constant 1 : i32
    %sub3A_292 = arith.subi %div3A_271, %sub3A_291 : i32
    %select_n3A_293 = arith.select %and3A_290, %sub3A_292, %div3A_271 : i32
    %add3A_294 = arith.addi %add3A_234, %select_n3A_293 : i32
    %ge3A_295 = vector.broadcast %add3A_294 : i32 to vector<1x128xi32>
    %ge3A_296 = arith.cmpi sge, %iota3A_7, %ge3A_295 : vector<1x128xi32>
    %convert_element_type3A_297 = arith.extui %ge3A_296 : vector<1x128xi1> to vector<1x128xi32>
    %add3A_298 = arith.addi %add3A_238, %convert_element_type3A_297 : vector<1x128xi32>
    %eq3A_299 = arith.constant 5 : i32
    %eq3A_300 = vector.broadcast %eq3A_299 : i32 to vector<128x128xi32>
    %eq3A_301 = arith.cmpi eq, %get3A_1, %eq3A_300 : vector<128x128xi32>
    %convert_element_type3A_302 = arith.extui %eq3A_301 : vector<128x128xi1> to vector<128x128xi32>
    %convert_element_type3A_303 = arith.sitofp %convert_element_type3A_302 : vector<128x128xi32> to vector<128x128xf32>
    %reduce_sum3A_304 = vector.shape_cast %convert_element_type3A_303 : vector<128x128xf32> to vector<1x128x128xf32>
    %reduce_sum3A_305 = arith.constant dense<0.000000e+00> : vector<1xf32>
    %reduce_sum3A_306 = vector.multi_reduction <add>, %reduce_sum3A_304, %reduce_sum3A_305 [1, 2] : vector<1x128x128xf32> to vector<1xf32>
    %reduce_sum3A_307 = vector.shape_cast %reduce_sum3A_306 : vector<1xf32> to vector<1x1x1xf32>
    %reduce_sum3A_308 = vector.extract %reduce_sum3A_307[0, 0, 0] : f32 from vector<1x1x1xf32>
    %convert_element_type3A_309 = arith.fptosi %reduce_sum3A_308 : f32 to i32
    %dot_general3A_310 = arith.constant dense<0.000000e+00> : vector<128x128xf32>
    %dot_general3A_311 = tpu.matmul %convert_element_type3A_303, %convert_element_type3A_6, %dot_general3A_310 {dimension_numbers = #tpu.dot_dimension_numbers<[1], [0], [0], [1], [0, 0, 1, 1], [], []>, transpose_lhs_hint = false} : vector<128x128xf32>, vector<128x128xf32>, vector<128x128xf32> -> vector<128x128xf32>
    %reduce_sum3A_312 = arith.constant dense<0.000000e+00> : vector<128xf32>
    %reduce_sum3A_313 = vector.multi_reduction <add>, %convert_element_type3A_303, %reduce_sum3A_312 [1] : vector<128x128xf32> to vector<128xf32>
    %broadcast_in_dim3A_314 = vector.shape_cast %reduce_sum3A_313 : vector<128xf32> to vector<128x1xf32>
    %dot_general3A_315 = arith.constant dense<0.000000e+00> : vector<128x1xf32>
    %dot_general3A_316 = tpu.matmul %convert_element_type3A_3, %broadcast_in_dim3A_314, %dot_general3A_315 {dimension_numbers = #tpu.dot_dimension_numbers<[1], [0], [0], [1], [0, 0, 1, 1], [], []>, transpose_lhs_hint = false} : vector<128x128xf32>, vector<128x1xf32>, vector<128x1xf32> -> vector<128x1xf32>
    %mul3A_317 = arith.constant 512 : i32
    %mul3A_318 = arith.muli %add3A_294, %mul3A_317 : i32
    %convert_element_type3A_319 = arith.sitofp %mul3A_318 : i32 to f32
    %add3A_320 = vector.broadcast %dot_general3A_316 : vector<128x1xf32> to vector<128x128xf32>
    %add3A_321 = arith.addf %dot_general3A_311, %add3A_320 : vector<128x128xf32>
    %add3A_322 = vector.broadcast %convert_element_type3A_319 : f32 to vector<128x128xf32>
    %add3A_323 = arith.addf %add3A_321, %add3A_322 : vector<128x128xf32>
    %mul3A_324 = arith.mulf %convert_element_type3A_303, %add3A_323 : vector<128x128xf32>
    %add3A_325 = arith.addf %add3A_265, %mul3A_324 : vector<128x128xf32>
    %add3A_326 = arith.constant 512 : i32
    %add3A_327 = arith.addi %convert_element_type3A_309, %add3A_326 : i32
    %sub3A_328 = arith.constant 1 : i32
    %sub3A_329 = arith.subi %add3A_327, %sub3A_328 : i32
    %jit3A_330 = arith.constant 512 : i32
    %div3A_331 = arith.divsi %sub3A_329, %jit3A_330 : i32
    %sign3A_332 = arith.constant 0 : i32
    %sign3A_333 = arith.cmpi sgt, %sub3A_329, %sign3A_332 : i32
    %sign3A_334 = arith.extui %sign3A_333 : i1 to i32
    %sign3A_335 = arith.constant 0 : i32
    %sign3A_336 = arith.cmpi slt, %sub3A_329, %sign3A_335 : i32
    %sign3A_337 = arith.extui %sign3A_336 : i1 to i32
    %sign3A_338 = arith.subi %sign3A_334, %sign3A_337 : i32
    %sign3A_339 = arith.constant 0 : i32
    %sign3A_340 = arith.cmpi sgt, %jit3A_330, %sign3A_339 : i32
    %sign3A_341 = arith.extui %sign3A_340 : i1 to i32
    %sign3A_342 = arith.constant 0 : i32
    %sign3A_343 = arith.cmpi slt, %jit3A_330, %sign3A_342 : i32
    %sign3A_344 = arith.extui %sign3A_343 : i1 to i32
    %sign3A_345 = arith.subi %sign3A_341, %sign3A_344 : i32
    %ne3A_346 = arith.cmpi ne, %sign3A_338, %sign3A_345 : i32
    %rem3A_347 = arith.remsi %sub3A_329, %jit3A_330 : i32
    %ne3A_348 = arith.constant 0 : i32
    %ne3A_349 = arith.cmpi ne, %rem3A_347, %ne3A_348 : i32
    %and3A_350 = arith.andi %ne3A_346, %ne3A_349 : i1
    %sub3A_351 = arith.constant 1 : i32
    %sub3A_352 = arith.subi %div3A_331, %sub3A_351 : i32
    %select_n3A_353 = arith.select %and3A_350, %sub3A_352, %div3A_331 : i32
    %add3A_354 = arith.addi %add3A_294, %select_n3A_353 : i32
    %ge3A_355 = vector.broadcast %add3A_354 : i32 to vector<1x128xi32>
    %ge3A_356 = arith.cmpi sge, %iota3A_7, %ge3A_355 : vector<1x128xi32>
    %convert_element_type3A_357 = arith.extui %ge3A_356 : vector<1x128xi1> to vector<1x128xi32>
    %add3A_358 = arith.addi %add3A_298, %convert_element_type3A_357 : vector<1x128xi32>
    %eq3A_359 = arith.constant 6 : i32
    %eq3A_360 = vector.broadcast %eq3A_359 : i32 to vector<128x128xi32>
    %eq3A_361 = arith.cmpi eq, %get3A_1, %eq3A_360 : vector<128x128xi32>
    %convert_element_type3A_362 = arith.extui %eq3A_361 : vector<128x128xi1> to vector<128x128xi32>
    %convert_element_type3A_363 = arith.sitofp %convert_element_type3A_362 : vector<128x128xi32> to vector<128x128xf32>
    %reduce_sum3A_364 = vector.shape_cast %convert_element_type3A_363 : vector<128x128xf32> to vector<1x128x128xf32>
    %reduce_sum3A_365 = arith.constant dense<0.000000e+00> : vector<1xf32>
    %reduce_sum3A_366 = vector.multi_reduction <add>, %reduce_sum3A_364, %reduce_sum3A_365 [1, 2] : vector<1x128x128xf32> to vector<1xf32>
    %reduce_sum3A_367 = vector.shape_cast %reduce_sum3A_366 : vector<1xf32> to vector<1x1x1xf32>
    %reduce_sum3A_368 = vector.extract %reduce_sum3A_367[0, 0, 0] : f32 from vector<1x1x1xf32>
    %convert_element_type3A_369 = arith.fptosi %reduce_sum3A_368 : f32 to i32
    %dot_general3A_370 = arith.constant dense<0.000000e+00> : vector<128x128xf32>
    %dot_general3A_371 = tpu.matmul %convert_element_type3A_363, %convert_element_type3A_6, %dot_general3A_370 {dimension_numbers = #tpu.dot_dimension_numbers<[1], [0], [0], [1], [0, 0, 1, 1], [], []>, transpose_lhs_hint = false} : vector<128x128xf32>, vector<128x128xf32>, vector<128x128xf32> -> vector<128x128xf32>
    %reduce_sum3A_372 = arith.constant dense<0.000000e+00> : vector<128xf32>
    %reduce_sum3A_373 = vector.multi_reduction <add>, %convert_element_type3A_363, %reduce_sum3A_372 [1] : vector<128x128xf32> to vector<128xf32>
    %broadcast_in_dim3A_374 = vector.shape_cast %reduce_sum3A_373 : vector<128xf32> to vector<128x1xf32>
    %dot_general3A_375 = arith.constant dense<0.000000e+00> : vector<128x1xf32>
    %dot_general3A_376 = tpu.matmul %convert_element_type3A_3, %broadcast_in_dim3A_374, %dot_general3A_375 {dimension_numbers = #tpu.dot_dimension_numbers<[1], [0], [0], [1], [0, 0, 1, 1], [], []>, transpose_lhs_hint = false} : vector<128x128xf32>, vector<128x1xf32>, vector<128x1xf32> -> vector<128x1xf32>
    %mul3A_377 = arith.constant 512 : i32
    %mul3A_378 = arith.muli %add3A_354, %mul3A_377 : i32
    %convert_element_type3A_379 = arith.sitofp %mul3A_378 : i32 to f32
    %add3A_380 = vector.broadcast %dot_general3A_376 : vector<128x1xf32> to vector<128x128xf32>
    %add3A_381 = arith.addf %dot_general3A_371, %add3A_380 : vector<128x128xf32>
    %add3A_382 = vector.broadcast %convert_element_type3A_379 : f32 to vector<128x128xf32>
    %add3A_383 = arith.addf %add3A_381, %add3A_382 : vector<128x128xf32>
    %mul3A_384 = arith.mulf %convert_element_type3A_363, %add3A_383 : vector<128x128xf32>
    %add3A_385 = arith.addf %add3A_325, %mul3A_384 : vector<128x128xf32>
    %add3A_386 = arith.constant 512 : i32
    %add3A_387 = arith.addi %convert_element_type3A_369, %add3A_386 : i32
    %sub3A_388 = arith.constant 1 : i32
    %sub3A_389 = arith.subi %add3A_387, %sub3A_388 : i32
    %jit3A_390 = arith.constant 512 : i32
    %div3A_391 = arith.divsi %sub3A_389, %jit3A_390 : i32
    %sign3A_392 = arith.constant 0 : i32
    %sign3A_393 = arith.cmpi sgt, %sub3A_389, %sign3A_392 : i32
    %sign3A_394 = arith.extui %sign3A_393 : i1 to i32
    %sign3A_395 = arith.constant 0 : i32
    %sign3A_396 = arith.cmpi slt, %sub3A_389, %sign3A_395 : i32
    %sign3A_397 = arith.extui %sign3A_396 : i1 to i32
    %sign3A_398 = arith.subi %sign3A_394, %sign3A_397 : i32
    %sign3A_399 = arith.constant 0 : i32
    %sign3A_400 = arith.cmpi sgt, %jit3A_390, %sign3A_399 : i32
    %sign3A_401 = arith.extui %sign3A_400 : i1 to i32
    %sign3A_402 = arith.constant 0 : i32
    %sign3A_403 = arith.cmpi slt, %jit3A_390, %sign3A_402 : i32
    %sign3A_404 = arith.extui %sign3A_403 : i1 to i32
    %sign3A_405 = arith.subi %sign3A_401, %sign3A_404 : i32
    %ne3A_406 = arith.cmpi ne, %sign3A_398, %sign3A_405 : i32
    %rem3A_407 = arith.remsi %sub3A_389, %jit3A_390 : i32
    %ne3A_408 = arith.constant 0 : i32
    %ne3A_409 = arith.cmpi ne, %rem3A_407, %ne3A_408 : i32
    %and3A_410 = arith.andi %ne3A_406, %ne3A_409 : i1
    %sub3A_411 = arith.constant 1 : i32
    %sub3A_412 = arith.subi %div3A_391, %sub3A_411 : i32
    %select_n3A_413 = arith.select %and3A_410, %sub3A_412, %div3A_391 : i32
    %add3A_414 = arith.addi %add3A_354, %select_n3A_413 : i32
    %ge3A_415 = vector.broadcast %add3A_414 : i32 to vector<1x128xi32>
    %ge3A_416 = arith.cmpi sge, %iota3A_7, %ge3A_415 : vector<1x128xi32>
    %convert_element_type3A_417 = arith.extui %ge3A_416 : vector<1x128xi1> to vector<1x128xi32>
    %add3A_418 = arith.addi %add3A_358, %convert_element_type3A_417 : vector<1x128xi32>
    %eq3A_419 = arith.constant 7 : i32
    %eq3A_420 = vector.broadcast %eq3A_419 : i32 to vector<128x128xi32>
    %eq3A_421 = arith.cmpi eq, %get3A_1, %eq3A_420 : vector<128x128xi32>
    %convert_element_type3A_422 = arith.extui %eq3A_421 : vector<128x128xi1> to vector<128x128xi32>
    %convert_element_type3A_423 = arith.sitofp %convert_element_type3A_422 : vector<128x128xi32> to vector<128x128xf32>
    %reduce_sum3A_424 = vector.shape_cast %convert_element_type3A_423 : vector<128x128xf32> to vector<1x128x128xf32>
    %reduce_sum3A_425 = arith.constant dense<0.000000e+00> : vector<1xf32>
    %reduce_sum3A_426 = vector.multi_reduction <add>, %reduce_sum3A_424, %reduce_sum3A_425 [1, 2] : vector<1x128x128xf32> to vector<1xf32>
    %reduce_sum3A_427 = vector.shape_cast %reduce_sum3A_426 : vector<1xf32> to vector<1x1x1xf32>
    %reduce_sum3A_428 = vector.extract %reduce_sum3A_427[0, 0, 0] : f32 from vector<1x1x1xf32>
    %convert_element_type3A_429 = arith.fptosi %reduce_sum3A_428 : f32 to i32
    %dot_general3A_430 = arith.constant dense<0.000000e+00> : vector<128x128xf32>
    %dot_general3A_431 = tpu.matmul %convert_element_type3A_423, %convert_element_type3A_6, %dot_general3A_430 {dimension_numbers = #tpu.dot_dimension_numbers<[1], [0], [0], [1], [0, 0, 1, 1], [], []>, transpose_lhs_hint = false} : vector<128x128xf32>, vector<128x128xf32>, vector<128x128xf32> -> vector<128x128xf32>
    %reduce_sum3A_432 = arith.constant dense<0.000000e+00> : vector<128xf32>
    %reduce_sum3A_433 = vector.multi_reduction <add>, %convert_element_type3A_423, %reduce_sum3A_432 [1] : vector<128x128xf32> to vector<128xf32>
    %broadcast_in_dim3A_434 = vector.shape_cast %reduce_sum3A_433 : vector<128xf32> to vector<128x1xf32>
    %dot_general3A_435 = arith.constant dense<0.000000e+00> : vector<128x1xf32>
    %dot_general3A_436 = tpu.matmul %convert_element_type3A_3, %broadcast_in_dim3A_434, %dot_general3A_435 {dimension_numbers = #tpu.dot_dimension_numbers<[1], [0], [0], [1], [0, 0, 1, 1], [], []>, transpose_lhs_hint = false} : vector<128x128xf32>, vector<128x1xf32>, vector<128x1xf32> -> vector<128x1xf32>
    %mul3A_437 = arith.constant 512 : i32
    %mul3A_438 = arith.muli %add3A_414, %mul3A_437 : i32
    %convert_element_type3A_439 = arith.sitofp %mul3A_438 : i32 to f32
    %add3A_440 = vector.broadcast %dot_general3A_436 : vector<128x1xf32> to vector<128x128xf32>
    %add3A_441 = arith.addf %dot_general3A_431, %add3A_440 : vector<128x128xf32>
    %add3A_442 = vector.broadcast %convert_element_type3A_439 : f32 to vector<128x128xf32>
    %add3A_443 = arith.addf %add3A_441, %add3A_442 : vector<128x128xf32>
    %mul3A_444 = arith.mulf %convert_element_type3A_423, %add3A_443 : vector<128x128xf32>
    %add3A_445 = arith.addf %add3A_385, %mul3A_444 : vector<128x128xf32>
    %add3A_446 = arith.constant 512 : i32
    %add3A_447 = arith.addi %convert_element_type3A_429, %add3A_446 : i32
    %sub3A_448 = arith.constant 1 : i32
    %sub3A_449 = arith.subi %add3A_447, %sub3A_448 : i32
    %jit3A_450 = arith.constant 512 : i32
    %div3A_451 = arith.divsi %sub3A_449, %jit3A_450 : i32
    %sign3A_452 = arith.constant 0 : i32
    %sign3A_453 = arith.cmpi sgt, %sub3A_449, %sign3A_452 : i32
    %sign3A_454 = arith.extui %sign3A_453 : i1 to i32
    %sign3A_455 = arith.constant 0 : i32
    %sign3A_456 = arith.cmpi slt, %sub3A_449, %sign3A_455 : i32
    %sign3A_457 = arith.extui %sign3A_456 : i1 to i32
    %sign3A_458 = arith.subi %sign3A_454, %sign3A_457 : i32
    %sign3A_459 = arith.constant 0 : i32
    %sign3A_460 = arith.cmpi sgt, %jit3A_450, %sign3A_459 : i32
    %sign3A_461 = arith.extui %sign3A_460 : i1 to i32
    %sign3A_462 = arith.constant 0 : i32
    %sign3A_463 = arith.cmpi slt, %jit3A_450, %sign3A_462 : i32
    %sign3A_464 = arith.extui %sign3A_463 : i1 to i32
    %sign3A_465 = arith.subi %sign3A_461, %sign3A_464 : i32
    %ne3A_466 = arith.cmpi ne, %sign3A_458, %sign3A_465 : i32
    %rem3A_467 = arith.remsi %sub3A_449, %jit3A_450 : i32
    %ne3A_468 = arith.constant 0 : i32
    %ne3A_469 = arith.cmpi ne, %rem3A_467, %ne3A_468 : i32
    %and3A_470 = arith.andi %ne3A_466, %ne3A_469 : i1
    %sub3A_471 = arith.constant 1 : i32
    %sub3A_472 = arith.subi %div3A_451, %sub3A_471 : i32
    %select_n3A_473 = arith.select %and3A_470, %sub3A_472, %div3A_451 : i32
    %add3A_474 = arith.addi %add3A_414, %select_n3A_473 : i32
    %ge3A_475 = vector.broadcast %add3A_474 : i32 to vector<1x128xi32>
    %ge3A_476 = arith.cmpi sge, %iota3A_7, %ge3A_475 : vector<1x128xi32>
    %convert_element_type3A_477 = arith.extui %ge3A_476 : vector<1x128xi1> to vector<1x128xi32>
    %add3A_478 = arith.addi %add3A_418, %convert_element_type3A_477 : vector<1x128xi32>
    %eq3A_479 = arith.constant 8 : i32
    %eq3A_480 = vector.broadcast %eq3A_479 : i32 to vector<128x128xi32>
    %eq3A_481 = arith.cmpi eq, %get3A_1, %eq3A_480 : vector<128x128xi32>
    %convert_element_type3A_482 = arith.extui %eq3A_481 : vector<128x128xi1> to vector<128x128xi32>
    %convert_element_type3A_483 = arith.sitofp %convert_element_type3A_482 : vector<128x128xi32> to vector<128x128xf32>
    %reduce_sum3A_484 = vector.shape_cast %convert_element_type3A_483 : vector<128x128xf32> to vector<1x128x128xf32>
    %reduce_sum3A_485 = arith.constant dense<0.000000e+00> : vector<1xf32>
    %reduce_sum3A_486 = vector.multi_reduction <add>, %reduce_sum3A_484, %reduce_sum3A_485 [1, 2] : vector<1x128x128xf32> to vector<1xf32>
    %reduce_sum3A_487 = vector.shape_cast %reduce_sum3A_486 : vector<1xf32> to vector<1x1x1xf32>
    %reduce_sum3A_488 = vector.extract %reduce_sum3A_487[0, 0, 0] : f32 from vector<1x1x1xf32>
    %convert_element_type3A_489 = arith.fptosi %reduce_sum3A_488 : f32 to i32
    %dot_general3A_490 = arith.constant dense<0.000000e+00> : vector<128x128xf32>
    %dot_general3A_491 = tpu.matmul %convert_element_type3A_483, %convert_element_type3A_6, %dot_general3A_490 {dimension_numbers = #tpu.dot_dimension_numbers<[1], [0], [0], [1], [0, 0, 1, 1], [], []>, transpose_lhs_hint = false} : vector<128x128xf32>, vector<128x128xf32>, vector<128x128xf32> -> vector<128x128xf32>
    %reduce_sum3A_492 = arith.constant dense<0.000000e+00> : vector<128xf32>
    %reduce_sum3A_493 = vector.multi_reduction <add>, %convert_element_type3A_483, %reduce_sum3A_492 [1] : vector<128x128xf32> to vector<128xf32>
    %broadcast_in_dim3A_494 = vector.shape_cast %reduce_sum3A_493 : vector<128xf32> to vector<128x1xf32>
    %dot_general3A_495 = arith.constant dense<0.000000e+00> : vector<128x1xf32>
    %dot_general3A_496 = tpu.matmul %convert_element_type3A_3, %broadcast_in_dim3A_494, %dot_general3A_495 {dimension_numbers = #tpu.dot_dimension_numbers<[1], [0], [0], [1], [0, 0, 1, 1], [], []>, transpose_lhs_hint = false} : vector<128x128xf32>, vector<128x1xf32>, vector<128x1xf32> -> vector<128x1xf32>
    %mul3A_497 = arith.constant 512 : i32
    %mul3A_498 = arith.muli %add3A_474, %mul3A_497 : i32
    %convert_element_type3A_499 = arith.sitofp %mul3A_498 : i32 to f32
    %add3A_500 = vector.broadcast %dot_general3A_496 : vector<128x1xf32> to vector<128x128xf32>
    %add3A_501 = arith.addf %dot_general3A_491, %add3A_500 : vector<128x128xf32>
    %add3A_502 = vector.broadcast %convert_element_type3A_499 : f32 to vector<128x128xf32>
    %add3A_503 = arith.addf %add3A_501, %add3A_502 : vector<128x128xf32>
    %mul3A_504 = arith.mulf %convert_element_type3A_483, %add3A_503 : vector<128x128xf32>
    %add3A_505 = arith.addf %add3A_445, %mul3A_504 : vector<128x128xf32>
    %add3A_506 = arith.constant 512 : i32
    %add3A_507 = arith.addi %convert_element_type3A_489, %add3A_506 : i32
    %sub3A_508 = arith.constant 1 : i32
    %sub3A_509 = arith.subi %add3A_507, %sub3A_508 : i32
    %jit3A_510 = arith.constant 512 : i32
    %div3A_511 = arith.divsi %sub3A_509, %jit3A_510 : i32
    %sign3A_512 = arith.constant 0 : i32
    %sign3A_513 = arith.cmpi sgt, %sub3A_509, %sign3A_512 : i32
    %sign3A_514 = arith.extui %sign3A_513 : i1 to i32
    %sign3A_515 = arith.constant 0 : i32
    %sign3A_516 = arith.cmpi slt, %sub3A_509, %sign3A_515 : i32
    %sign3A_517 = arith.extui %sign3A_516 : i1 to i32
    %sign3A_518 = arith.subi %sign3A_514, %sign3A_517 : i32
    %sign3A_519 = arith.constant 0 : i32
    %sign3A_520 = arith.cmpi sgt, %jit3A_510, %sign3A_519 : i32
    %sign3A_521 = arith.extui %sign3A_520 : i1 to i32
    %sign3A_522 = arith.constant 0 : i32
    %sign3A_523 = arith.cmpi slt, %jit3A_510, %sign3A_522 : i32
    %sign3A_524 = arith.extui %sign3A_523 : i1 to i32
    %sign3A_525 = arith.subi %sign3A_521, %sign3A_524 : i32
    %ne3A_526 = arith.cmpi ne, %sign3A_518, %sign3A_525 : i32
    %rem3A_527 = arith.remsi %sub3A_509, %jit3A_510 : i32
    %ne3A_528 = arith.constant 0 : i32
    %ne3A_529 = arith.cmpi ne, %rem3A_527, %ne3A_528 : i32
    %and3A_530 = arith.andi %ne3A_526, %ne3A_529 : i1
    %sub3A_531 = arith.constant 1 : i32
    %sub3A_532 = arith.subi %div3A_511, %sub3A_531 : i32
    %select_n3A_533 = arith.select %and3A_530, %sub3A_532, %div3A_511 : i32
    %add3A_534 = arith.addi %add3A_474, %select_n3A_533 : i32
    %ge3A_535 = vector.broadcast %add3A_534 : i32 to vector<1x128xi32>
    %ge3A_536 = arith.cmpi sge, %iota3A_7, %ge3A_535 : vector<1x128xi32>
    %convert_element_type3A_537 = arith.extui %ge3A_536 : vector<1x128xi1> to vector<1x128xi32>
    %add3A_538 = arith.addi %add3A_478, %convert_element_type3A_537 : vector<1x128xi32>
    %eq3A_539 = arith.constant 9 : i32
    %eq3A_540 = vector.broadcast %eq3A_539 : i32 to vector<128x128xi32>
    %eq3A_541 = arith.cmpi eq, %get3A_1, %eq3A_540 : vector<128x128xi32>
    %convert_element_type3A_542 = arith.extui %eq3A_541 : vector<128x128xi1> to vector<128x128xi32>
    %convert_element_type3A_543 = arith.sitofp %convert_element_type3A_542 : vector<128x128xi32> to vector<128x128xf32>
    %reduce_sum3A_544 = vector.shape_cast %convert_element_type3A_543 : vector<128x128xf32> to vector<1x128x128xf32>
    %reduce_sum3A_545 = arith.constant dense<0.000000e+00> : vector<1xf32>
    %reduce_sum3A_546 = vector.multi_reduction <add>, %reduce_sum3A_544, %reduce_sum3A_545 [1, 2] : vector<1x128x128xf32> to vector<1xf32>
    %reduce_sum3A_547 = vector.shape_cast %reduce_sum3A_546 : vector<1xf32> to vector<1x1x1xf32>
    %reduce_sum3A_548 = vector.extract %reduce_sum3A_547[0, 0, 0] : f32 from vector<1x1x1xf32>
    %convert_element_type3A_549 = arith.fptosi %reduce_sum3A_548 : f32 to i32
    %dot_general3A_550 = arith.constant dense<0.000000e+00> : vector<128x128xf32>
    %dot_general3A_551 = tpu.matmul %convert_element_type3A_543, %convert_element_type3A_6, %dot_general3A_550 {dimension_numbers = #tpu.dot_dimension_numbers<[1], [0], [0], [1], [0, 0, 1, 1], [], []>, transpose_lhs_hint = false} : vector<128x128xf32>, vector<128x128xf32>, vector<128x128xf32> -> vector<128x128xf32>
    %reduce_sum3A_552 = arith.constant dense<0.000000e+00> : vector<128xf32>
    %reduce_sum3A_553 = vector.multi_reduction <add>, %convert_element_type3A_543, %reduce_sum3A_552 [1] : vector<128x128xf32> to vector<128xf32>
    %broadcast_in_dim3A_554 = vector.shape_cast %reduce_sum3A_553 : vector<128xf32> to vector<128x1xf32>
    %dot_general3A_555 = arith.constant dense<0.000000e+00> : vector<128x1xf32>
    %dot_general3A_556 = tpu.matmul %convert_element_type3A_3, %broadcast_in_dim3A_554, %dot_general3A_555 {dimension_numbers = #tpu.dot_dimension_numbers<[1], [0], [0], [1], [0, 0, 1, 1], [], []>, transpose_lhs_hint = false} : vector<128x128xf32>, vector<128x1xf32>, vector<128x1xf32> -> vector<128x1xf32>
    %mul3A_557 = arith.constant 512 : i32
    %mul3A_558 = arith.muli %add3A_534, %mul3A_557 : i32
    %convert_element_type3A_559 = arith.sitofp %mul3A_558 : i32 to f32
    %add3A_560 = vector.broadcast %dot_general3A_556 : vector<128x1xf32> to vector<128x128xf32>
    %add3A_561 = arith.addf %dot_general3A_551, %add3A_560 : vector<128x128xf32>
    %add3A_562 = vector.broadcast %convert_element_type3A_559 : f32 to vector<128x128xf32>
    %add3A_563 = arith.addf %add3A_561, %add3A_562 : vector<128x128xf32>
    %mul3A_564 = arith.mulf %convert_element_type3A_543, %add3A_563 : vector<128x128xf32>
    %add3A_565 = arith.addf %add3A_505, %mul3A_564 : vector<128x128xf32>
    %add3A_566 = arith.constant 512 : i32
    %add3A_567 = arith.addi %convert_element_type3A_549, %add3A_566 : i32
    %sub3A_568 = arith.constant 1 : i32
    %sub3A_569 = arith.subi %add3A_567, %sub3A_568 : i32
    %jit3A_570 = arith.constant 512 : i32
    %div3A_571 = arith.divsi %sub3A_569, %jit3A_570 : i32
    %sign3A_572 = arith.constant 0 : i32
    %sign3A_573 = arith.cmpi sgt, %sub3A_569, %sign3A_572 : i32
    %sign3A_574 = arith.extui %sign3A_573 : i1 to i32
    %sign3A_575 = arith.constant 0 : i32
    %sign3A_576 = arith.cmpi slt, %sub3A_569, %sign3A_575 : i32
    %sign3A_577 = arith.extui %sign3A_576 : i1 to i32
    %sign3A_578 = arith.subi %sign3A_574, %sign3A_577 : i32
    %sign3A_579 = arith.constant 0 : i32
    %sign3A_580 = arith.cmpi sgt, %jit3A_570, %sign3A_579 : i32
    %sign3A_581 = arith.extui %sign3A_580 : i1 to i32
    %sign3A_582 = arith.constant 0 : i32
    %sign3A_583 = arith.cmpi slt, %jit3A_570, %sign3A_582 : i32
    %sign3A_584 = arith.extui %sign3A_583 : i1 to i32
    %sign3A_585 = arith.subi %sign3A_581, %sign3A_584 : i32
    %ne3A_586 = arith.cmpi ne, %sign3A_578, %sign3A_585 : i32
    %rem3A_587 = arith.remsi %sub3A_569, %jit3A_570 : i32
    %ne3A_588 = arith.constant 0 : i32
    %ne3A_589 = arith.cmpi ne, %rem3A_587, %ne3A_588 : i32
    %and3A_590 = arith.andi %ne3A_586, %ne3A_589 : i1
    %sub3A_591 = arith.constant 1 : i32
    %sub3A_592 = arith.subi %div3A_571, %sub3A_591 : i32
    %select_n3A_593 = arith.select %and3A_590, %sub3A_592, %div3A_571 : i32
    %add3A_594 = arith.addi %add3A_534, %select_n3A_593 : i32
    %ge3A_595 = vector.broadcast %add3A_594 : i32 to vector<1x128xi32>
    %ge3A_596 = arith.cmpi sge, %iota3A_7, %ge3A_595 : vector<1x128xi32>
    %convert_element_type3A_597 = arith.extui %ge3A_596 : vector<1x128xi1> to vector<1x128xi32>
    %add3A_598 = arith.addi %add3A_538, %convert_element_type3A_597 : vector<1x128xi32>
    %eq3A_599 = arith.constant 10 : i32
    %eq3A_600 = vector.broadcast %eq3A_599 : i32 to vector<128x128xi32>
    %eq3A_601 = arith.cmpi eq, %get3A_1, %eq3A_600 : vector<128x128xi32>
    %convert_element_type3A_602 = arith.extui %eq3A_601 : vector<128x128xi1> to vector<128x128xi32>
    %convert_element_type3A_603 = arith.sitofp %convert_element_type3A_602 : vector<128x128xi32> to vector<128x128xf32>
    %reduce_sum3A_604 = vector.shape_cast %convert_element_type3A_603 : vector<128x128xf32> to vector<1x128x128xf32>
    %reduce_sum3A_605 = arith.constant dense<0.000000e+00> : vector<1xf32>
    %reduce_sum3A_606 = vector.multi_reduction <add>, %reduce_sum3A_604, %reduce_sum3A_605 [1, 2] : vector<1x128x128xf32> to vector<1xf32>
    %reduce_sum3A_607 = vector.shape_cast %reduce_sum3A_606 : vector<1xf32> to vector<1x1x1xf32>
    %reduce_sum3A_608 = vector.extract %reduce_sum3A_607[0, 0, 0] : f32 from vector<1x1x1xf32>
    %convert_element_type3A_609 = arith.fptosi %reduce_sum3A_608 : f32 to i32
    %dot_general3A_610 = arith.constant dense<0.000000e+00> : vector<128x128xf32>
    %dot_general3A_611 = tpu.matmul %convert_element_type3A_603, %convert_element_type3A_6, %dot_general3A_610 {dimension_numbers = #tpu.dot_dimension_numbers<[1], [0], [0], [1], [0, 0, 1, 1], [], []>, transpose_lhs_hint = false} : vector<128x128xf32>, vector<128x128xf32>, vector<128x128xf32> -> vector<128x128xf32>
    %reduce_sum3A_612 = arith.constant dense<0.000000e+00> : vector<128xf32>
    %reduce_sum3A_613 = vector.multi_reduction <add>, %convert_element_type3A_603, %reduce_sum3A_612 [1] : vector<128x128xf32> to vector<128xf32>
    %broadcast_in_dim3A_614 = vector.shape_cast %reduce_sum3A_613 : vector<128xf32> to vector<128x1xf32>
    %dot_general3A_615 = arith.constant dense<0.000000e+00> : vector<128x1xf32>
    %dot_general3A_616 = tpu.matmul %convert_element_type3A_3, %broadcast_in_dim3A_614, %dot_general3A_615 {dimension_numbers = #tpu.dot_dimension_numbers<[1], [0], [0], [1], [0, 0, 1, 1], [], []>, transpose_lhs_hint = false} : vector<128x128xf32>, vector<128x1xf32>, vector<128x1xf32> -> vector<128x1xf32>
    %mul3A_617 = arith.constant 512 : i32
    %mul3A_618 = arith.muli %add3A_594, %mul3A_617 : i32
    %convert_element_type3A_619 = arith.sitofp %mul3A_618 : i32 to f32
    %add3A_620 = vector.broadcast %dot_general3A_616 : vector<128x1xf32> to vector<128x128xf32>
    %add3A_621 = arith.addf %dot_general3A_611, %add3A_620 : vector<128x128xf32>
    %add3A_622 = vector.broadcast %convert_element_type3A_619 : f32 to vector<128x128xf32>
    %add3A_623 = arith.addf %add3A_621, %add3A_622 : vector<128x128xf32>
    %mul3A_624 = arith.mulf %convert_element_type3A_603, %add3A_623 : vector<128x128xf32>
    %add3A_625 = arith.addf %add3A_565, %mul3A_624 : vector<128x128xf32>
    %add3A_626 = arith.constant 512 : i32
    %add3A_627 = arith.addi %convert_element_type3A_609, %add3A_626 : i32
    %sub3A_628 = arith.constant 1 : i32
    %sub3A_629 = arith.subi %add3A_627, %sub3A_628 : i32
    %jit3A_630 = arith.constant 512 : i32
    %div3A_631 = arith.divsi %sub3A_629, %jit3A_630 : i32
    %sign3A_632 = arith.constant 0 : i32
    %sign3A_633 = arith.cmpi sgt, %sub3A_629, %sign3A_632 : i32
    %sign3A_634 = arith.extui %sign3A_633 : i1 to i32
    %sign3A_635 = arith.constant 0 : i32
    %sign3A_636 = arith.cmpi slt, %sub3A_629, %sign3A_635 : i32
    %sign3A_637 = arith.extui %sign3A_636 : i1 to i32
    %sign3A_638 = arith.subi %sign3A_634, %sign3A_637 : i32
    %sign3A_639 = arith.constant 0 : i32
    %sign3A_640 = arith.cmpi sgt, %jit3A_630, %sign3A_639 : i32
    %sign3A_641 = arith.extui %sign3A_640 : i1 to i32
    %sign3A_642 = arith.constant 0 : i32
    %sign3A_643 = arith.cmpi slt, %jit3A_630, %sign3A_642 : i32
    %sign3A_644 = arith.extui %sign3A_643 : i1 to i32
    %sign3A_645 = arith.subi %sign3A_641, %sign3A_644 : i32
    %ne3A_646 = arith.cmpi ne, %sign3A_638, %sign3A_645 : i32
    %rem3A_647 = arith.remsi %sub3A_629, %jit3A_630 : i32
    %ne3A_648 = arith.constant 0 : i32
    %ne3A_649 = arith.cmpi ne, %rem3A_647, %ne3A_648 : i32
    %and3A_650 = arith.andi %ne3A_646, %ne3A_649 : i1
    %sub3A_651 = arith.constant 1 : i32
    %sub3A_652 = arith.subi %div3A_631, %sub3A_651 : i32
    %select_n3A_653 = arith.select %and3A_650, %sub3A_652, %div3A_631 : i32
    %add3A_654 = arith.addi %add3A_594, %select_n3A_653 : i32
    %ge3A_655 = vector.broadcast %add3A_654 : i32 to vector<1x128xi32>
    %ge3A_656 = arith.cmpi sge, %iota3A_7, %ge3A_655 : vector<1x128xi32>
    %convert_element_type3A_657 = arith.extui %ge3A_656 : vector<1x128xi1> to vector<1x128xi32>
    %add3A_658 = arith.addi %add3A_598, %convert_element_type3A_657 : vector<1x128xi32>
    %eq3A_659 = arith.constant 11 : i32
    %eq3A_660 = vector.broadcast %eq3A_659 : i32 to vector<128x128xi32>
    %eq3A_661 = arith.cmpi eq, %get3A_1, %eq3A_660 : vector<128x128xi32>
    %convert_element_type3A_662 = arith.extui %eq3A_661 : vector<128x128xi1> to vector<128x128xi32>
    %convert_element_type3A_663 = arith.sitofp %convert_element_type3A_662 : vector<128x128xi32> to vector<128x128xf32>
    %reduce_sum3A_664 = vector.shape_cast %convert_element_type3A_663 : vector<128x128xf32> to vector<1x128x128xf32>
    %reduce_sum3A_665 = arith.constant dense<0.000000e+00> : vector<1xf32>
    %reduce_sum3A_666 = vector.multi_reduction <add>, %reduce_sum3A_664, %reduce_sum3A_665 [1, 2] : vector<1x128x128xf32> to vector<1xf32>
    %reduce_sum3A_667 = vector.shape_cast %reduce_sum3A_666 : vector<1xf32> to vector<1x1x1xf32>
    %reduce_sum3A_668 = vector.extract %reduce_sum3A_667[0, 0, 0] : f32 from vector<1x1x1xf32>
    %convert_element_type3A_669 = arith.fptosi %reduce_sum3A_668 : f32 to i32
    %dot_general3A_670 = arith.constant dense<0.000000e+00> : vector<128x128xf32>
    %dot_general3A_671 = tpu.matmul %convert_element_type3A_663, %convert_element_type3A_6, %dot_general3A_670 {dimension_numbers = #tpu.dot_dimension_numbers<[1], [0], [0], [1], [0, 0, 1, 1], [], []>, transpose_lhs_hint = false} : vector<128x128xf32>, vector<128x128xf32>, vector<128x128xf32> -> vector<128x128xf32>
    %reduce_sum3A_672 = arith.constant dense<0.000000e+00> : vector<128xf32>
    %reduce_sum3A_673 = vector.multi_reduction <add>, %convert_element_type3A_663, %reduce_sum3A_672 [1] : vector<128x128xf32> to vector<128xf32>
    %broadcast_in_dim3A_674 = vector.shape_cast %reduce_sum3A_673 : vector<128xf32> to vector<128x1xf32>
    %dot_general3A_675 = arith.constant dense<0.000000e+00> : vector<128x1xf32>
    %dot_general3A_676 = tpu.matmul %convert_element_type3A_3, %broadcast_in_dim3A_674, %dot_general3A_675 {dimension_numbers = #tpu.dot_dimension_numbers<[1], [0], [0], [1], [0, 0, 1, 1], [], []>, transpose_lhs_hint = false} : vector<128x128xf32>, vector<128x1xf32>, vector<128x1xf32> -> vector<128x1xf32>
    %mul3A_677 = arith.constant 512 : i32
    %mul3A_678 = arith.muli %add3A_654, %mul3A_677 : i32
    %convert_element_type3A_679 = arith.sitofp %mul3A_678 : i32 to f32
    %add3A_680 = vector.broadcast %dot_general3A_676 : vector<128x1xf32> to vector<128x128xf32>
    %add3A_681 = arith.addf %dot_general3A_671, %add3A_680 : vector<128x128xf32>
    %add3A_682 = vector.broadcast %convert_element_type3A_679 : f32 to vector<128x128xf32>
    %add3A_683 = arith.addf %add3A_681, %add3A_682 : vector<128x128xf32>
    %mul3A_684 = arith.mulf %convert_element_type3A_663, %add3A_683 : vector<128x128xf32>
    %add3A_685 = arith.addf %add3A_625, %mul3A_684 : vector<128x128xf32>
    %add3A_686 = arith.constant 512 : i32
    %add3A_687 = arith.addi %convert_element_type3A_669, %add3A_686 : i32
    %sub3A_688 = arith.constant 1 : i32
    %sub3A_689 = arith.subi %add3A_687, %sub3A_688 : i32
    %jit3A_690 = arith.constant 512 : i32
    %div3A_691 = arith.divsi %sub3A_689, %jit3A_690 : i32
    %sign3A_692 = arith.constant 0 : i32
    %sign3A_693 = arith.cmpi sgt, %sub3A_689, %sign3A_692 : i32
    %sign3A_694 = arith.extui %sign3A_693 : i1 to i32
    %sign3A_695 = arith.constant 0 : i32
    %sign3A_696 = arith.cmpi slt, %sub3A_689, %sign3A_695 : i32
    %sign3A_697 = arith.extui %sign3A_696 : i1 to i32
    %sign3A_698 = arith.subi %sign3A_694, %sign3A_697 : i32
    %sign3A_699 = arith.constant 0 : i32
    %sign3A_700 = arith.cmpi sgt, %jit3A_690, %sign3A_699 : i32
    %sign3A_701 = arith.extui %sign3A_700 : i1 to i32
    %sign3A_702 = arith.constant 0 : i32
    %sign3A_703 = arith.cmpi slt, %jit3A_690, %sign3A_702 : i32
    %sign3A_704 = arith.extui %sign3A_703 : i1 to i32
    %sign3A_705 = arith.subi %sign3A_701, %sign3A_704 : i32
    %ne3A_706 = arith.cmpi ne, %sign3A_698, %sign3A_705 : i32
    %rem3A_707 = arith.remsi %sub3A_689, %jit3A_690 : i32
    %ne3A_708 = arith.constant 0 : i32
    %ne3A_709 = arith.cmpi ne, %rem3A_707, %ne3A_708 : i32
    %and3A_710 = arith.andi %ne3A_706, %ne3A_709 : i1
    %sub3A_711 = arith.constant 1 : i32
    %sub3A_712 = arith.subi %div3A_691, %sub3A_711 : i32
    %select_n3A_713 = arith.select %and3A_710, %sub3A_712, %div3A_691 : i32
    %add3A_714 = arith.addi %add3A_654, %select_n3A_713 : i32
    %ge3A_715 = vector.broadcast %add3A_714 : i32 to vector<1x128xi32>
    %ge3A_716 = arith.cmpi sge, %iota3A_7, %ge3A_715 : vector<1x128xi32>
    %convert_element_type3A_717 = arith.extui %ge3A_716 : vector<1x128xi1> to vector<1x128xi32>
    %add3A_718 = arith.addi %add3A_658, %convert_element_type3A_717 : vector<1x128xi32>
    %eq3A_719 = arith.constant 12 : i32
    %eq3A_720 = vector.broadcast %eq3A_719 : i32 to vector<128x128xi32>
    %eq3A_721 = arith.cmpi eq, %get3A_1, %eq3A_720 : vector<128x128xi32>
    %convert_element_type3A_722 = arith.extui %eq3A_721 : vector<128x128xi1> to vector<128x128xi32>
    %convert_element_type3A_723 = arith.sitofp %convert_element_type3A_722 : vector<128x128xi32> to vector<128x128xf32>
    %reduce_sum3A_724 = vector.shape_cast %convert_element_type3A_723 : vector<128x128xf32> to vector<1x128x128xf32>
    %reduce_sum3A_725 = arith.constant dense<0.000000e+00> : vector<1xf32>
    %reduce_sum3A_726 = vector.multi_reduction <add>, %reduce_sum3A_724, %reduce_sum3A_725 [1, 2] : vector<1x128x128xf32> to vector<1xf32>
    %reduce_sum3A_727 = vector.shape_cast %reduce_sum3A_726 : vector<1xf32> to vector<1x1x1xf32>
    %reduce_sum3A_728 = vector.extract %reduce_sum3A_727[0, 0, 0] : f32 from vector<1x1x1xf32>
    %convert_element_type3A_729 = arith.fptosi %reduce_sum3A_728 : f32 to i32
    %dot_general3A_730 = arith.constant dense<0.000000e+00> : vector<128x128xf32>
    %dot_general3A_731 = tpu.matmul %convert_element_type3A_723, %convert_element_type3A_6, %dot_general3A_730 {dimension_numbers = #tpu.dot_dimension_numbers<[1], [0], [0], [1], [0, 0, 1, 1], [], []>, transpose_lhs_hint = false} : vector<128x128xf32>, vector<128x128xf32>, vector<128x128xf32> -> vector<128x128xf32>
    %reduce_sum3A_732 = arith.constant dense<0.000000e+00> : vector<128xf32>
    %reduce_sum3A_733 = vector.multi_reduction <add>, %convert_element_type3A_723, %reduce_sum3A_732 [1] : vector<128x128xf32> to vector<128xf32>
    %broadcast_in_dim3A_734 = vector.shape_cast %reduce_sum3A_733 : vector<128xf32> to vector<128x1xf32>
    %dot_general3A_735 = arith.constant dense<0.000000e+00> : vector<128x1xf32>
    %dot_general3A_736 = tpu.matmul %convert_element_type3A_3, %broadcast_in_dim3A_734, %dot_general3A_735 {dimension_numbers = #tpu.dot_dimension_numbers<[1], [0], [0], [1], [0, 0, 1, 1], [], []>, transpose_lhs_hint = false} : vector<128x128xf32>, vector<128x1xf32>, vector<128x1xf32> -> vector<128x1xf32>
    %mul3A_737 = arith.constant 512 : i32
    %mul3A_738 = arith.muli %add3A_714, %mul3A_737 : i32
    %convert_element_type3A_739 = arith.sitofp %mul3A_738 : i32 to f32
    %add3A_740 = vector.broadcast %dot_general3A_736 : vector<128x1xf32> to vector<128x128xf32>
    %add3A_741 = arith.addf %dot_general3A_731, %add3A_740 : vector<128x128xf32>
    %add3A_742 = vector.broadcast %convert_element_type3A_739 : f32 to vector<128x128xf32>
    %add3A_743 = arith.addf %add3A_741, %add3A_742 : vector<128x128xf32>
    %mul3A_744 = arith.mulf %convert_element_type3A_723, %add3A_743 : vector<128x128xf32>
    %add3A_745 = arith.addf %add3A_685, %mul3A_744 : vector<128x128xf32>
    %add3A_746 = arith.constant 512 : i32
    %add3A_747 = arith.addi %convert_element_type3A_729, %add3A_746 : i32
    %sub3A_748 = arith.constant 1 : i32
    %sub3A_749 = arith.subi %add3A_747, %sub3A_748 : i32
    %jit3A_750 = arith.constant 512 : i32
    %div3A_751 = arith.divsi %sub3A_749, %jit3A_750 : i32
    %sign3A_752 = arith.constant 0 : i32
    %sign3A_753 = arith.cmpi sgt, %sub3A_749, %sign3A_752 : i32
    %sign3A_754 = arith.extui %sign3A_753 : i1 to i32
    %sign3A_755 = arith.constant 0 : i32
    %sign3A_756 = arith.cmpi slt, %sub3A_749, %sign3A_755 : i32
    %sign3A_757 = arith.extui %sign3A_756 : i1 to i32
    %sign3A_758 = arith.subi %sign3A_754, %sign3A_757 : i32
    %sign3A_759 = arith.constant 0 : i32
    %sign3A_760 = arith.cmpi sgt, %jit3A_750, %sign3A_759 : i32
    %sign3A_761 = arith.extui %sign3A_760 : i1 to i32
    %sign3A_762 = arith.constant 0 : i32
    %sign3A_763 = arith.cmpi slt, %jit3A_750, %sign3A_762 : i32
    %sign3A_764 = arith.extui %sign3A_763 : i1 to i32
    %sign3A_765 = arith.subi %sign3A_761, %sign3A_764 : i32
    %ne3A_766 = arith.cmpi ne, %sign3A_758, %sign3A_765 : i32
    %rem3A_767 = arith.remsi %sub3A_749, %jit3A_750 : i32
    %ne3A_768 = arith.constant 0 : i32
    %ne3A_769 = arith.cmpi ne, %rem3A_767, %ne3A_768 : i32
    %and3A_770 = arith.andi %ne3A_766, %ne3A_769 : i1
    %sub3A_771 = arith.constant 1 : i32
    %sub3A_772 = arith.subi %div3A_751, %sub3A_771 : i32
    %select_n3A_773 = arith.select %and3A_770, %sub3A_772, %div3A_751 : i32
    %add3A_774 = arith.addi %add3A_714, %select_n3A_773 : i32
    %ge3A_775 = vector.broadcast %add3A_774 : i32 to vector<1x128xi32>
    %ge3A_776 = arith.cmpi sge, %iota3A_7, %ge3A_775 : vector<1x128xi32>
    %convert_element_type3A_777 = arith.extui %ge3A_776 : vector<1x128xi1> to vector<1x128xi32>
    %add3A_778 = arith.addi %add3A_718, %convert_element_type3A_777 : vector<1x128xi32>
    %convert_element_type3A_779 = arith.fptosi %add3A_745 : vector<128x128xf32> to vector<128x128xi32>
    %swap3A = arith.constant 0 : index
    %swap3A_780 = arith.constant 0 : index
    %swap3A_781 = vector.load %arg1[%swap3A, %swap3A_780] : memref<128x128xi32, #tpu.memory_space<vmem>>, vector<128x128xi32>
    tpu.vector_store %arg1[%swap3A, %swap3A_780], %convert_element_type3A_779 {strides = array<i32>} : memref<128x128xi32, #tpu.memory_space<vmem>>, vector<128x128xi32>,
    %min3A = arith.constant 12 : i32
    %min3A_782 = vector.broadcast %min3A : i32 to vector<1x128xi32>
    %min3A_783 = arith.minsi %add3A_778, %min3A_782 : vector<1x128xi32>
    %swap3A_784 = arith.constant 0 : index
    %swap3A_785 = arith.constant 0 : index
    %swap3A_786 = vector.load %arg2[%swap3A_784, %swap3A_785] : memref<1x128xi32, #tpu.memory_space<vmem>>, vector<1x128xi32>
    tpu.vector_store %arg2[%swap3A_784, %swap3A_785], %min3A_783 {strides = array<i32>} : memref<1x128xi32, #tpu.memory_space<vmem>>, vector<1x128xi32>,
    %broadcast_in_dim3A_787 = vector.broadcast %add3A_774 : i32 to vector<1x1xi32>
    %swap3A_788 = arith.constant 0 : index
    %swap3A_789 = arith.constant 0 : index
    %swap3A_790 = vector.load %arg3[%swap3A_788, %swap3A_789] : memref<1x1xi32, #tpu.memory_space<vmem>>, vector<1x1xi32>
    tpu.vector_store %arg3[%swap3A_788, %swap3A_789], %broadcast_in_dim3A_787 {strides = array<i32>} : memref<1x1xi32, #tpu.memory_space<vmem>>, vector<1x1xi32>,
    return
  }
}

</mosaic_0001>

<sc_bundles>
// kernel: kernel.6.cloned.1.call-start
scs
__scs_entry_jumppad:
0x0: {  	(pc) =	sbr.rel $0x88, $3  }
0x1: {  	(tag) =	ssettag $0x0;
	lr =	simm.s32 $0x1  }
0x2: {  	[smem:$0x3F9B] =	sst lr;
	_ =	strace $0xD0000000  }
0x3: {  	_ = 	snop  }
0x4: {  	_ = 	snop  }
0x5: {  	_ = 	snop  }
0x6: {  	_ = 	snop  }
0x7: {  	_ = 	snop  }
__scs_overlays_trampoline_lowered:
0x8: {  	[smem:$0x3FAA] =	sst s0  }
0x9: {  	[smem:$0x3FAB] =	sst s1  }
0xa: {  	[smem:$0x3FAC] =	sst s2  }
0xb: {  	[smem:$0x3FAD] =	sst s3  }
0xc: {  	[smem:$0x3FAE] =	sst s4  }
0xd: {  	[smem:$0x3FAF] =	sst s5  }
0xe: {  	[smem:$0x3FB0] =	sst s6  }
0xf: {  	[smem:$0x3FB1] =	sst s7  }
0x10: {  	[smem:$0x3FB2] =	sst s8  }
0x11: {  	[smem:$0x3FB3] =	sst s9;
	s0 =	simm.s32 @!p0 $0x0  }
0x12: {  	s1 =	sld [smem:$0x3F99];
	s0 =	simm.s32 @p0 $0x1  }
0x13: {  	[smem:$0x3FB4] =	sst s0;
	s0 =	simm.s32 @!p1 $0x0  }
0x14: {  	s2 =	sld [smem:$0x3F98];
	s0 =	simm.s32 @p1 $0x1  }
0x15: {  	[smem:$0x3FB5] =	sst s0;
	s0 =	simm.s32 @!p2 $0x0  }
0x16: {  	s3 =	sld [smem:$0x3FDB];
	s0 =	simm.s32 @p2 $0x1  }
0x17: {  	s4 =	simm.s32 $0x1BF5;
	[smem:$0x3FB7] =	sst s0  }
0x18: {  	s0 =	sld [smem:$0x3F9A];
	_ =	swait.ge [sflag:s4], $0x0  }
0x19: {  	s7 =	sld [smem:$0x3F9B]  }
0x1a: {  	s8 =	sadd.s32 $0xFFFFE003, lr  }
0x1b: {  	s9 =	sadd.s32 $0xFFFFFEF7, lr;
	s5 =	simm.s32 $0xFFFFFFFF;
	p2 =	slt.u32 s8, $0xFFFFF086  }
0x1c: {  	p1 =	slt.u32 s9, $0xF7A;
	s5 =	simm.s32 @!p2 $0x0  }
0x1d: {  	s5 =	simm.s32 @p1 $0x1;
	p0 =	seq.s32 s7, s2  }
0x1e: {  	s7 =	smul.u32 @!p0 $0xF7A, s2;
	p2 =	seq.s32 @!p0 s5, $0x0  }
0x1f: {  	s9 =	smul.u32 $0xF7A, s1;
	s8 =	simm.s32 @!p0 $0x1BF5;
	p2 =	por !p2, p0  }
0x20: {  	[sflag:s8] =	ssyncset.s32 @!p0 $0xFFFFF086;
	s6 =	sadd.s32 @!p0 s3, s7;
	s7 =	simm.s32 @!p0 $0x108  }
0x21: {  	s3 =	sadd.s32 s3, s9;
	s6 =	sadd.s32 @!p0 $0x88, s6;
	s7 =	simm.s32 @p2 $0x1082  }
0x22: {  	[simem:s7], [sflag:s8] =	dma.local @!p0 [hbm:s6], $0xF7A  }
0x23: {  	s9 =	sor.u32 $0xD0000000, s2;
	s6 =	simm.s32 $0x108;
	_ =	swait.ge @!p0 [sflag:s8], $0x0  }
0x24: {  	s3 =	sadd.s32 $0x88, s3;
	s6 =	simm.s32 @!p1 $0x1082;
	[sflag:s4] =	ssyncset.s32 $0xFFFFF086  }
0x25: {  	[simem:s6], [sflag:s4] =	dma.local [hbm:s3], $0xF7A  }
0x26: {  	[smem:$0x3F9B] =	sst s1;
	(tag) =	ssettag s2;
	_ =	strace s9  }
0x27: {  	s1 =	sld [smem:$0x3FAB]  }
0x28: {  	s2 =	sld [smem:$0x3FAC]  }
0x29: {  	s4 =	sld [smem:$0x3FAE]  }
0x2a: {  	p0 =	seq.s32 s5, $0x0;
	s5 =	sld [smem:$0x3FAF]  }
0x2b: {  	s6 =	sld [smem:$0x3FB0]  }
0x2c: {  	s7 =	sld [smem:$0x3FB1]  }
0x2d: {  	s3 =	simm.s32 $0x108;
	s8 =	sld [smem:$0x3FB2]  }
0x2e: {  	s3 =	simm.s32 @!p0 $0x1082;
	s9 =	sld [smem:$0x3FB3]  }
0x2f: {  	lr =	sadd.s32 s0, s3;
	s0 =	sld [smem:$0x3FAA]  }
0x30: {  	s3 =	sld [smem:$0x3FAD]  }
0x31: {  	[smem:$0x3FB6] =	sst s10  }
0x32: {  	s10 =	sld [smem:$0x3FB4];
	_ =	sdelay $0x3  }
0x33: {  	p0 =	seq.s32 s10, $0x1;
	s10 =	sld [smem:$0x3FB6];
	_ =	sdelay $0x3  }
0x34: {  	[smem:$0x3FB6] =	sst s10  }
0x35: {  	s10 =	sld [smem:$0x3FB5];
	_ =	sdelay $0x3  }
0x36: {  	p1 =	seq.s32 s10, $0x1;
	s10 =	sld [smem:$0x3FB6];
	_ =	sdelay $0x3  }
0x37: {  	[smem:$0x3FB6] =	sst s10  }
0x38: {  	s10 =	sld [smem:$0x3FB7]  }
0x39: {  	_ = 	snop;
	(pc) =	sbr.ind lr, $3  }
0x3a: {  	_ = 	snop  }
0x3b: {  	_ = 	snop  }
0x3c: {  	p2 =	seq.s32 s10, $0x1;
	s10 =	sld [smem:$0x3FB6]  }
0x3d: {  	_ =	shalt  }
0x3e: {  	_ =	shalt  }
0x3f: {  	_ =	shalt  }
0x40: {  	_ =	shalt  }
0x41: {  	_ =	shalt  }
0x42: {  	_ =	shalt  }
0x43: {  	_ =	shalt  }
0x44: {  	_ =	shalt  }
0x45: {  	_ =	shalt  }
0x46: {  	_ =	shalt  }
0x47: {  	_ =	shalt  }
0x48: {  	_ =	shalt  }
0x49: {  	_ =	shalt  }
0x4a: {  	_ =	shalt  }
0x4b: {  	_ =	shalt  }
0x4c: {  	_ =	shalt  }
0x4d: {  	_ =	shalt  }
0x4e: {  	_ =	shalt  }
0x4f: {  	_ =	shalt  }
0x50: {  	_ =	shalt  }
0x51: {  	_ =	shalt  }
0x52: {  	_ =	shalt  }
0x53: {  	_ =	shalt  }
0x54: {  	_ =	shalt  }
0x55: {  	_ =	shalt  }
0x56: {  	_ =	shalt  }
0x57: {  	_ =	shalt  }
0x58: {  	_ =	shalt  }
0x59: {  	_ =	shalt  }
0x5a: {  	_ =	shalt  }
0x5b: {  	_ =	shalt  }
0x5c: {  	_ =	shalt  }
0x5d: {  	_ =	shalt  }
0x5e: {  	_ =	shalt  }
0x5f: {  	_ =	shalt  }
0x60: {  	_ =	shalt  }
0x61: {  	_ =	shalt  }
0x62: {  	_ =	shalt  }
0x63: {  	_ =	shalt  }
0x64: {  	_ =	shalt  }
0x65: {  	_ =	shalt  }
0x66: {  	_ =	shalt  }
0x67: {  	_ =	shalt  }
0x68: {  	_ =	shalt  }
0x69: {  	_ =	shalt  }
0x6a: {  	_ =	shalt  }
0x6b: {  	_ =	shalt  }
0x6c: {  	_ =	shalt  }
0x6d: {  	_ =	shalt  }
0x6e: {  	_ =	shalt  }
0x6f: {  	_ =	shalt  }
0x70: {  	_ =	shalt  }
0x71: {  	_ =	shalt  }
0x72: {  	_ =	shalt  }
0x73: {  	_ =	shalt  }
0x74: {  	_ =	shalt  }
0x75: {  	_ =	shalt  }
0x76: {  	_ =	shalt  }
0x77: {  	_ =	shalt  }
0x78: {  	_ =	shalt  }
0x79: {  	_ =	shalt  }
0x7a: {  	_ =	shalt  }
0x7b: {  	_ =	shalt  }
0x7c: {  	_ =	shalt  }
0x7d: {  	_ =	shalt  }
0x7e: {  	_ =	shalt  }
0x7f: {  	_ =	shalt  }
0x80: {  	_ =	shalt  }
0x81: {  	_ =	shalt  }
0x82: {  	_ =	shalt  }
0x83: {  	_ =	shalt  }
0x84: {  	_ =	shalt  }
0x85: {  	_ =	shalt  }
0x86: {  	_ =	shalt  }
0x87: {  	_ =	shalt  }
.Lfunc_end0:
.L_simem_size_0:
called_computation_lowered:
.L_overlay_start_0:
0x88: {  	s2 =	sld [smem:$0x3FD9]  }
0x89: {  	s3 =	sld [smem:$0x3FFE];
	_ =	sdelay $0x1  }
0x8a: {  	s1 =	srdreg.scid  }
0x8b: {  	s0 =	sand.u32 $0x1, s1  }
0x8c: {  	s17 =	sshll.u32 s0, $0xA;
	s2 =	sadd.s32 s3, s2  }
0x8d: {  	s2 =	sadd.s32 s2, s17  }
0x8e: {  	[smem:$0x3FC2] =	sst s2  }
0x8f: {  	_ = 	snop  }
0x90: {  	s2 =	sld [smem:$0x3FC9]  }
0x91: {  	s18 =	sld [smem:$0x3FD0];
	(tm) =	ssettm $0x1  }
0x92: {  	s4 =	sld [smem:$0x3FFB];
	_ =	sdelay $0x3  }
0x93: {  	_ =	strace s4  }
0x94: {  	s4 =	sld [smem:$0x3FFC];
	_ =	sdelay $0x3  }
0x95: {  	_ =	strace s4  }
0x96: {  	s4 =	sld [smem:$0x3FFD];
	_ =	sdelay $0x3  }
0x97: {  	_ =	strace s4  }
0x98: {  	_ =	strace $0x8FFFFFFF  }
0x99: {  	s19 =	sld [smem:$0x3FDB];
	_ =	sdelay $0x1  }
0x9a: {  	s5 =	simm.s32 $_scs_section_size  }
0x9b: {  	s6 =	simm.s32 $_size__tile_overlayer_lowered;
	s7 =	simm.s32 $_tile_overlayer_lowered  }
0x9c: {  	s22 =	simm.s32 $0x1BFF;
	s21 =	sshll.u32 s7, $0x1;
	s4 =	sadd.s32 s5, s19  }
0x9d: {  	s8 =	simm.s32 $0x0;
	s20 =	sshll.u32 s6, $0x1;
	s6 =	sadd.s32 s21, s4  }
0x9e: {  	[timem:s8], [sflag:s22] =	dma.local [hbm:s6], s20  }
0x9f: {  	_ =	swait.ge [sflag:s22], s20  }
0xa0: {  	s5 =	ssub.s32 $0x0, s20;
	[sflag:s22] =	ssyncset.done $0x0  }
0xa1: {  	[sflag:s22] =	ssyncadd.s32 s5;
	_ =	sdelay $0x1  }
0xa2: {  	s23 =	simm.s32 $0x1B8B  }
0xa3: {  	_ =	swait.ge [sflag:s23], $0x1  }
0xa4: {  	[sflag:s23] =	ssyncset.done $0x0  }
0xa5: {  	s25 =	simm.s32 $0x1B8E;
	s24 =	sld [smem:$0x3FFE];
	[sflag:s23] =	ssyncadd.s32 $0xFFFFFFFF  }
0xa6: {  	s26 =	simm.s32 $execute0_lowered;
	[smem:$0x3FD2] =	sst s25  }
0xa7: {  	s6 =	sshll.u32 s26, $0x1;
	_ =	strace $0x80000046;
	[dreg:$0x1] =	wrdreg $0xFFFFFFFF  }
0xa8: {  	s28 =	simm.s32 $_size_execute0_lowered;
	s4 =	sadd.s32 s4, s6;
	[dreg:$0x0] =	wrdreg $0x0  }
0xa9: {  	s6 =	sshll.u32 s28, $0x1;
	[dreg:$0x2] =	wrdreg s4  }
0xaa: {  	[dreg:$0x3] =	wrdreg s6  }
0xab: {  	[dreg:$0x4] =	wrdreg $0xC0  }
0xac: {  	_ =	task [dreg:s8], $0x5FFFF  }
0xad: {  	[dreg:$0x1] =	wrdreg $0xFFFFFFFF  }
0xae: {  	[dreg:$0x0] =	wrdreg $0x60  }
0xaf: {  	[dreg:$0x2] =	wrdreg s2  }
0xb0: {  	[dreg:$0x3] =	wrdreg s24  }
0xb1: {  	[dreg:$0x4] =	wrdreg s18  }
0xb2: {  	[dreg:$0x5] =	wrdreg $0x9  }
0xb3: {  	_ =	task.clear_ibuf [dreg:s8], $0x6FFFF;
	_ =	strace $0x90000046  }
0xb4: {  	s29 =	simm.s32 $0x9;
	_ =	strace $0x80000048  }
0xb5: {  	_ =	swait.ge [sflag:s29], $0x1  }
0xb6: {  	[sflag:s29] =	ssyncadd.s32 $0xFFFFFFFF  }
0xb7: {  	_ =	strace $0x90000048  }
0xb8: {  	_ =	sfence  }
0xb9: {  	s30 =	sld [smem:$0x0];
	_ =	sdelay $0x2  }
0xba: {  	s31 =	sshll.u32 s1, $0xD;
	s1 =	sshrl.u32 s1, $0x2  }
0xbb: {  	s3 =	sand.u32 $0x4000, s31;
	s1 =	sadd.s32 s1, s30  }
0xbc: {  	s0 =	sor.u32 s3, s0;
	s1 =	sshll.u32 s1, $0x11  }
0xbd: {  	s0 =	sor.u32 s1, s0  }
0xbe: {  	s0 =	sadd.s32 $0x8F2B, s0  }
0xbf: {  	[sflag:s0] =	ssyncadd.remote.s32 $0x1  }
0xc0: {  	_ =	sfence.sel $0xFFFF  }
0xc1: {  	[dreg:$0x0] =	wrdreg $0xFFFFFFFF;
	(pc) =	sbr.abs _section_cstart, $3  }
0xc2: {  	[dreg:$0x1] =	wrdreg $0xFFFFFFFF  }
0xc3: {  	_ =	task.clear_ibuf [dreg:s8], $0x2FFFF;
	_ =	strace $0x9FFFFFFF  }
0xc4: {  	(tm) =	ssettm $0x7FFFFFFF  }
0xc5: {  	_ =	shalt  }
tec
execute0_lowered:
.L_overlay_start_1:
0x0: {  	(tag) =	ssettag $0x1  }
0x1: {  	s0 =	srdreg.scid  }
0x2: {  	s1 =	rddreg [dreg:$0x0];
	s2 =	stileid.u32  }
0x3: {  	s4 =	rddreg [dreg:$0x1];
	s19 =	simm.s32 $0x4;
	s9 =	simm.s32 $0x8200  }
0x4: {  	s28 =	simm.s32 $0x2A00;
	s29 =	simm.s32 $0x3200;
	s30 =	simm.s32 $0x3A00  }
0x5: {  	s31 =	simm.s32 $0x4200;
	s14 =	simm.s32 $0x8A00;
	s15 =	simm.s32 $0x9200  }
0x6: {  	s16 =	simm.s32 $0x9A00;
	s17 =	simm.s32 $0xA200;
	s18 =	simm.s32 $0xAA00  }
0x7: {  	s7 =	simm.s32 $0xBA00;
	s10 =	simm.s32 $0xD200;
	s11 =	simm.s32 $0xDA00  }
0x8: {  	s12 =	simm.s32 $0xE200;
	s13 =	simm.s32 $0xEA00;
	s21 =	simm.s32 $0xF200  }
0x9: {  	s22 =	simm.s32 $0xFA00;
	s0 =	sand.u32 $0x1, s0;
	s3 =	sshll.u32 s2, $0xA  }
0xa: {  	s2 =	rddreg [dreg:$0x2];
	s5 =	sshll.u32 s0, $0x9;
	s0 =	ssub.s32 $0x2, s0  }
0xb: {  	s5 =	sor.u32 s5, s3;
	s3 =	simm.s32 $0x0;
	s24 =	sshrl.u32 s0, $0x1  }
0xc: {  	s6 =	sshrl.u32 s5, $0x3;
	[smem:$0x7FF] =	sst s3;
	s5 =	sshll.u32 s5, $0x5  }
0xd: {  	s0 =	ssub.s32 s0, s24;
	s4 =	sadd.s32 s6, s4;
	s23 =	sadd.s32 s1, s5  }
0xe: {  	_ =	strace $0x80000047;
	s6 =	sadd.s32 $0x1800, s4;
	[dreg:$0x8] =	wrdreg s23  }
0xf: {  	s24 =	simm.s32 $0x2200;
	s1 =	sadd.s32 $0x1000, s23;
	[dreg:$0x4] =	wrdreg s6  }
0x10: {  	s5 =	smax.u32 s0, $0x1;
	s25 =	sadd.s32 $0x2000, s23;
	[dreg:$0x5] =	wrdreg s1  }
0x11: {  	v2 =	vlaneseq.u32;
	s26 =	sadd.s32 $0x3000, s23;
	s23 =	simm.s32 $0x1A00;
	[dreg:$0x6] =	wrdreg s25  }
0x12: {  	vm0 =	vmmov $0xffff;
	v1 =	vshrl.u32 v2, $0x3;
	s4 =	simm.s32 $0xCA00;
	[dreg:$0x7] =	wrdreg s26;
	s25 =	simm.s32 $0x1  }
0x13: {  	v0 =	vand.u32 $0x7, v2;
	v2 =	vor.u32 $0x8, v2;
	v1 =	vmul.u32 $0x8, v1;
	s26 =	simm.s32 $0x3;
	s6 =	simm.s32 $0xB200;
	s1 =	simm.s32 $0xC200  }
.LBB2_1:
0x14: {  	s20 =	rddreg [dreg:$0x4];
	s0 =	simm.s32 $0x5  }
0x15: {  	[tilespmem:s3], [sflag:$0x5] =	stream.linear.gather [hbm4b:s20+s3], $0x200, $0x38;
	[tilespmem:$0x10200] =	vst v63  }
0x16: {  	_ =	swait.ge [sflag:s0], $0x200  }
0x17: {  	[sflag:s0] =	ssyncset.done $0x0  }
0x18: {  	s8 =	simm.s32 $0x200;
	[sflag:s0] =	ssyncadd.s32 $0xFFFFFE00;
	s0 =	rddreg [dreg:$0x8]  }
0x19: {  	[tilespmem:s8], [sflag:$0x1] =	stream.linear.gather [hbm4b:s0+s3], $0x8000, $0x38;
	[tilespmem:$0x10200] =	vst v63  }
0x1a: {  	s20 =	rddreg [dreg:$0x5]  }
0x1b: {  	[tilespmem:s9], [sflag:$0x2] =	stream.linear.gather [hbm4b:s20+s3], $0x8000, $0x38;
	[tilespmem:$0x10200] =	vst v63  }
0x1c: {  	_ =	swait.ge [sflag:s25], $0x8000  }
0x1d: {  	[sflag:s25] =	ssyncset.done $0x0  }
0x1e: {  	[sflag:s25] =	ssyncadd.s32 $0xFFFF8000  }
0x1f: {  	v3 =	vld [tilespmem:$0x0];
	_ =	sdelay $0x4  }
0x20: {  	v4 =	vshll.u32 v3, $0x1  }
0x21: {  	v3 =	vand.u32 $0x7, v3;
	v4 =	vand.u32 $0xFFFFFFF0, v4  }
0x22: {  	v3 =	vor.u32 v3, v4  }
0x23: {  	v4 =	vperm.xlane v3, v0;
	_ =	sdelay $0x1  }
0x24: {  	v3 =	vperm.xlane v3, v2;
	v4 =	vadd.s32 v1, v4;
	_ =	sdelay $0x1  }
0x25: {  	v3 =	vadd.s32 v1, v3;
	_ =	sdelay $0x2  }
0x26: {  	[hbm4b:s2+s3] =	stream.indirect_vreg.scatter [tilespmem:s8], [sflag:$0x3], $0x80, v4, vm0, $0xb8;
	[tilespmem:$0x10200] =	vst v63  }
0x27: {  	s20 =	simm.s32 $0xA00  }
0x28: {  	[hbm4b:s2+s3] =	stream.indirect_vreg.scatter [tilespmem:s20], [sflag:$0x3], $0x80, v3, vm0, $0xb8;
	[tilespmem:$0x10200] =	vst v63  }
0x29: {  	v3 =	vld [tilespmem:$0x10];
	_ =	sdelay $0x4  }
0x2a: {  	v33 =	vshll.u32 v3, $0x1  }
0x2b: {  	v3 =	vand.u32 $0x7, v3;
	v4 =	vand.u32 $0xFFFFFFF0, v33  }
0x2c: {  	v3 =	vor.u32 v3, v4  }
0x2d: {  	v4 =	vperm.xlane v3, v0;
	_ =	sdelay $0x1  }
0x2e: {  	v3 =	vperm.xlane v3, v2;
	v4 =	vadd.s32 v1, v4;
	_ =	sdelay $0x1  }
0x2f: {  	v3 =	vadd.s32 v1, v3;
	_ =	sdelay $0x1  }
0x30: {  	s20 =	simm.s32 $0x1200  }
0x31: {  	[hbm4b:s2+s3] =	stream.indirect_vreg.scatter [tilespmem:s20], [sflag:$0x3], $0x80, v4, vm0, $0xb8;
	[tilespmem:$0x10200] =	vst v63  }
0x32: {  	_ = 	snop  }
0x33: {  	[hbm4b:s2+s3] =	stream.indirect_vreg.scatter [tilespmem:s23], [sflag:$0x3], $0x80, v3, vm0, $0xb8;
	[tilespmem:$0x10200] =	vst v63  }
0x34: {  	v3 =	vld [tilespmem:$0x20];
	_ =	sdelay $0x4  }
0x35: {  	v34 =	vshll.u32 v3, $0x1  }
0x36: {  	v3 =	vand.u32 $0x7, v3;
	v4 =	vand.u32 $0xFFFFFFF0, v34  }
0x37: {  	v3 =	vor.u32 v3, v4  }
0x38: {  	v4 =	vperm.xlane v3, v0;
	_ =	sdelay $0x1  }
0x39: {  	v3 =	vperm.xlane v3, v2;
	v4 =	vadd.s32 v1, v4;
	_ =	sdelay $0x1  }
0x3a: {  	v3 =	vadd.s32 v1, v3;
	_ =	sdelay $0x2  }
0x3b: {  	[hbm4b:s2+s3] =	stream.indirect_vreg.scatter [tilespmem:s24], [sflag:$0x3], $0x80, v4, vm0, $0xb8;
	[tilespmem:$0x10200] =	vst v63  }
0x3c: {  	_ = 	snop  }
0x3d: {  	[hbm4b:s2+s3] =	stream.indirect_vreg.scatter [tilespmem:s28], [sflag:$0x3], $0x80, v3, vm0, $0xb8;
	[tilespmem:$0x10200] =	vst v63  }
0x3e: {  	v3 =	vld [tilespmem:$0x30];
	_ =	sdelay $0x4  }
0x3f: {  	v35 =	vshll.u32 v3, $0x1  }
0x40: {  	v3 =	vand.u32 $0x7, v3;
	v4 =	vand.u32 $0xFFFFFFF0, v35  }
0x41: {  	v3 =	vor.u32 v3, v4  }
0x42: {  	v4 =	vperm.xlane v3, v0;
	_ =	sdelay $0x1  }
0x43: {  	v3 =	vperm.xlane v3, v2;
	v4 =	vadd.s32 v1, v4;
	_ =	sdelay $0x1  }
0x44: {  	v3 =	vadd.s32 v1, v3;
	_ =	sdelay $0x2  }
0x45: {  	[hbm4b:s2+s3] =	stream.indirect_vreg.scatter [tilespmem:s29], [sflag:$0x3], $0x80, v4, vm0, $0xb8;
	[tilespmem:$0x10200] =	vst v63  }
0x46: {  	_ = 	snop  }
0x47: {  	[hbm4b:s2+s3] =	stream.indirect_vreg.scatter [tilespmem:s30], [sflag:$0x3], $0x80, v3, vm0, $0xb8;
	[tilespmem:$0x10200] =	vst v63  }
0x48: {  	v3 =	vld [tilespmem:$0x40];
	_ =	sdelay $0x4  }
0x49: {  	v36 =	vshll.u32 v3, $0x1  }
0x4a: {  	v3 =	vand.u32 $0x7, v3;
	v4 =	vand.u32 $0xFFFFFFF0, v36  }
0x4b: {  	v3 =	vor.u32 v3, v4  }
0x4c: {  	v4 =	vperm.xlane v3, v0;
	_ =	sdelay $0x1  }
0x4d: {  	v3 =	vperm.xlane v3, v2;
	v4 =	vadd.s32 v1, v4;
	_ =	sdelay $0x1  }
0x4e: {  	v3 =	vadd.s32 v1, v3;
	_ =	sdelay $0x2  }
0x4f: {  	[hbm4b:s2+s3] =	stream.indirect_vreg.scatter [tilespmem:s31], [sflag:$0x3], $0x80, v4, vm0, $0xb8;
	[tilespmem:$0x10200] =	vst v63  }
0x50: {  	s20 =	simm.s32 $0x4A00  }
0x51: {  	[hbm4b:s2+s3] =	stream.indirect_vreg.scatter [tilespmem:s20], [sflag:$0x3], $0x80, v3, vm0, $0xb8;
	[tilespmem:$0x10200] =	vst v63  }
0x52: {  	v3 =	vld [tilespmem:$0x50];
	_ =	sdelay $0x4  }
0x53: {  	v37 =	vshll.u32 v3, $0x1  }
0x54: {  	v3 =	vand.u32 $0x7, v3;
	v4 =	vand.u32 $0xFFFFFFF0, v37  }
0x55: {  	v3 =	vor.u32 v3, v4  }
0x56: {  	v4 =	vperm.xlane v3, v0;
	_ =	sdelay $0x1  }
0x57: {  	v3 =	vperm.xlane v3, v2;
	v4 =	vadd.s32 v1, v4;
	_ =	sdelay $0x1  }
0x58: {  	v3 =	vadd.s32 v1, v3;
	_ =	sdelay $0x1  }
0x59: {  	s20 =	simm.s32 $0x5200  }
0x5a: {  	[hbm4b:s2+s3] =	stream.indirect_vreg.scatter [tilespmem:s20], [sflag:$0x3], $0x80, v4, vm0, $0xb8;
	[tilespmem:$0x10200] =	vst v63  }
0x5b: {  	s20 =	simm.s32 $0x5A00  }
0x5c: {  	[hbm4b:s2+s3] =	stream.indirect_vreg.scatter [tilespmem:s20], [sflag:$0x3], $0x80, v3, vm0, $0xb8;
	[tilespmem:$0x10200] =	vst v63  }
0x5d: {  	v3 =	vld [tilespmem:$0x60];
	_ =	sdelay $0x4  }
0x5e: {  	v38 =	vshll.u32 v3, $0x1  }
0x5f: {  	v3 =	vand.u32 $0x7, v3;
	v4 =	vand.u32 $0xFFFFFFF0, v38  }
0x60: {  	v3 =	vor.u32 v3, v4  }
0x61: {  	v4 =	vperm.xlane v3, v0;
	_ =	sdelay $0x1  }
0x62: {  	v3 =	vperm.xlane v3, v2;
	v4 =	vadd.s32 v1, v4;
	_ =	sdelay $0x1  }
0x63: {  	v3 =	vadd.s32 v1, v3;
	_ =	sdelay $0x1  }
0x64: {  	s20 =	simm.s32 $0x6200  }
0x65: {  	[hbm4b:s2+s3] =	stream.indirect_vreg.scatter [tilespmem:s20], [sflag:$0x3], $0x80, v4, vm0, $0xb8;
	[tilespmem:$0x10200] =	vst v63  }
0x66: {  	s20 =	simm.s32 $0x6A00  }
0x67: {  	[hbm4b:s2+s3] =	stream.indirect_vreg.scatter [tilespmem:s20], [sflag:$0x3], $0x80, v3, vm0, $0xb8;
	[tilespmem:$0x10200] =	vst v63  }
0x68: {  	v3 =	vld [tilespmem:$0x70];
	_ =	sdelay $0x4  }
0x69: {  	v39 =	vshll.u32 v3, $0x1  }
0x6a: {  	v3 =	vand.u32 $0x7, v3;
	v4 =	vand.u32 $0xFFFFFFF0, v39  }
0x6b: {  	v3 =	vor.u32 v3, v4  }
0x6c: {  	v4 =	vperm.xlane v3, v0;
	_ =	sdelay $0x1  }
0x6d: {  	v3 =	vperm.xlane v3, v2;
	v4 =	vadd.s32 v1, v4;
	_ =	sdelay $0x1  }
0x6e: {  	v3 =	vadd.s32 v1, v3;
	_ =	sdelay $0x1  }
0x6f: {  	s20 =	simm.s32 $0x7200  }
0x70: {  	[hbm4b:s2+s3] =	stream.indirect_vreg.scatter [tilespmem:s20], [sflag:$0x3], $0x80, v4, vm0, $0xb8;
	[tilespmem:$0x10200] =	vst v63  }
0x71: {  	s20 =	simm.s32 $0x7A00  }
0x72: {  	[hbm4b:s2+s3] =	stream.indirect_vreg.scatter [tilespmem:s20], [sflag:$0x3], $0x80, v3, vm0, $0xb8;
	[tilespmem:$0x10200] =	vst v63  }
0x73: {  	_ =	swait.ge [sflag:s26], $0x8000  }
0x74: {  	[sflag:s26] =	ssyncset.done $0x0  }
0x75: {  	s0 =	rddreg [dreg:$0x6];
	[sflag:s26] =	ssyncadd.s32 $0xFFFF8000  }
0x76: {  	[tilespmem:s8], [sflag:$0x1] =	stream.linear.gather [hbm4b:s0+s3], $0x8000, $0x38;
	[tilespmem:$0x10200] =	vst v63  }
0x77: {  	s0 =	simm.s32 $0x2  }
0x78: {  	_ =	swait.ge [sflag:s0], $0x8000  }
0x79: {  	[sflag:s0] =	ssyncset.done $0x0  }
0x7a: {  	[sflag:s0] =	ssyncadd.s32 $0xFFFF8000  }
0x7b: {  	v3 =	vld [tilespmem:$0x80];
	_ =	sdelay $0x4  }
0x7c: {  	v40 =	vshll.u32 v3, $0x1  }
0x7d: {  	v3 =	vand.u32 $0x7, v3;
	v4 =	vand.u32 $0xFFFFFFF0, v40  }
0x7e: {  	v3 =	vor.u32 v3, v4  }
0x7f: {  	v4 =	vperm.xlane v3, v0;
	_ =	sdelay $0x1  }
0x80: {  	v3 =	vperm.xlane v3, v2;
	v4 =	vadd.s32 v1, v4;
	_ =	sdelay $0x1  }
0x81: {  	v3 =	vadd.s32 v1, v3;
	_ =	sdelay $0x2  }
0x82: {  	[hbm4b:s2+s3] =	stream.indirect_vreg.scatter [tilespmem:s9], [sflag:$0x4], $0x80, v4, vm0, $0xb8;
	[tilespmem:$0x10200] =	vst v63  }
0x83: {  	_ = 	snop  }
0x84: {  	[hbm4b:s2+s3] =	stream.indirect_vreg.scatter [tilespmem:s14], [sflag:$0x4], $0x80, v3, vm0, $0xb8;
	[tilespmem:$0x10200] =	vst v63  }
0x85: {  	v3 =	vld [tilespmem:$0x90];
	_ =	sdelay $0x4  }
0x86: {  	v41 =	vshll.u32 v3, $0x1  }
0x87: {  	v3 =	vand.u32 $0x7, v3;
	v4 =	vand.u32 $0xFFFFFFF0, v41  }
0x88: {  	v3 =	vor.u32 v3, v4  }
0x89: {  	v4 =	vperm.xlane v3, v0;
	_ =	sdelay $0x1  }
0x8a: {  	v3 =	vperm.xlane v3, v2;
	v4 =	vadd.s32 v1, v4;
	_ =	sdelay $0x1  }
0x8b: {  	v3 =	vadd.s32 v1, v3;
	_ =	sdelay $0x2  }
0x8c: {  	[hbm4b:s2+s3] =	stream.indirect_vreg.scatter [tilespmem:s15], [sflag:$0x4], $0x80, v4, vm0, $0xb8;
	[tilespmem:$0x10200] =	vst v63  }
0x8d: {  	_ = 	snop  }
0x8e: {  	[hbm4b:s2+s3] =	stream.indirect_vreg.scatter [tilespmem:s16], [sflag:$0x4], $0x80, v3, vm0, $0xb8;
	[tilespmem:$0x10200] =	vst v63  }
0x8f: {  	v3 =	vld [tilespmem:$0xA0];
	_ =	sdelay $0x4  }
0x90: {  	v42 =	vshll.u32 v3, $0x1  }
0x91: {  	v3 =	vand.u32 $0x7, v3;
	v4 =	vand.u32 $0xFFFFFFF0, v42  }
0x92: {  	v3 =	vor.u32 v3, v4  }
0x93: {  	v4 =	vperm.xlane v3, v0;
	_ =	sdelay $0x1  }
0x94: {  	v3 =	vperm.xlane v3, v2;
	v4 =	vadd.s32 v1, v4;
	_ =	sdelay $0x1  }
0x95: {  	v3 =	vadd.s32 v1, v3;
	_ =	sdelay $0x2  }
0x96: {  	[hbm4b:s2+s3] =	stream.indirect_vreg.scatter [tilespmem:s17], [sflag:$0x4], $0x80, v4, vm0, $0xb8;
	[tilespmem:$0x10200] =	vst v63  }
0x97: {  	_ = 	snop  }
0x98: {  	[hbm4b:s2+s3] =	stream.indirect_vreg.scatter [tilespmem:s18], [sflag:$0x4], $0x80, v3, vm0, $0xb8;
	[tilespmem:$0x10200] =	vst v63  }
0x99: {  	v3 =	vld [tilespmem:$0xB0];
	_ =	sdelay $0x4  }
0x9a: {  	v43 =	vshll.u32 v3, $0x1  }
0x9b: {  	v3 =	vand.u32 $0x7, v3;
	v4 =	vand.u32 $0xFFFFFFF0, v43  }
0x9c: {  	v3 =	vor.u32 v3, v4  }
0x9d: {  	v4 =	vperm.xlane v3, v0;
	_ =	sdelay $0x1  }
0x9e: {  	v3 =	vperm.xlane v3, v2;
	v4 =	vadd.s32 v1, v4;
	_ =	sdelay $0x1  }
0x9f: {  	v3 =	vadd.s32 v1, v3;
	_ =	sdelay $0x2  }
0xa0: {  	[hbm4b:s2+s3] =	stream.indirect_vreg.scatter [tilespmem:s6], [sflag:$0x4], $0x80, v4, vm0, $0xb8;
	[tilespmem:$0x10200] =	vst v63  }
0xa1: {  	_ = 	snop  }
0xa2: {  	[hbm4b:s2+s3] =	stream.indirect_vreg.scatter [tilespmem:s7], [sflag:$0x4], $0x80, v3, vm0, $0xb8;
	[tilespmem:$0x10200] =	vst v63  }
0xa3: {  	v3 =	vld [tilespmem:$0xC0];
	_ =	sdelay $0x4  }
0xa4: {  	v44 =	vshll.u32 v3, $0x1  }
0xa5: {  	v3 =	vand.u32 $0x7, v3;
	v4 =	vand.u32 $0xFFFFFFF0, v44  }
0xa6: {  	v3 =	vor.u32 v3, v4  }
0xa7: {  	v4 =	vperm.xlane v3, v0;
	_ =	sdelay $0x1  }
0xa8: {  	v3 =	vperm.xlane v3, v2;
	v4 =	vadd.s32 v1, v4;
	_ =	sdelay $0x1  }
0xa9: {  	v3 =	vadd.s32 v1, v3;
	_ =	sdelay $0x2  }
0xaa: {  	[hbm4b:s2+s3] =	stream.indirect_vreg.scatter [tilespmem:s1], [sflag:$0x4], $0x80, v4, vm0, $0xb8;
	[tilespmem:$0x10200] =	vst v63  }
0xab: {  	_ = 	snop  }
0xac: {  	[hbm4b:s2+s3] =	stream.indirect_vreg.scatter [tilespmem:s4], [sflag:$0x4], $0x80, v3, vm0, $0xb8;
	[tilespmem:$0x10200] =	vst v63  }
0xad: {  	v3 =	vld [tilespmem:$0xD0];
	_ =	sdelay $0x4  }
0xae: {  	v45 =	vshll.u32 v3, $0x1  }
0xaf: {  	v3 =	vand.u32 $0x7, v3;
	v4 =	vand.u32 $0xFFFFFFF0, v45  }
0xb0: {  	v3 =	vor.u32 v3, v4  }
0xb1: {  	v4 =	vperm.xlane v3, v0;
	_ =	sdelay $0x1  }
0xb2: {  	v3 =	vperm.xlane v3, v2;
	v4 =	vadd.s32 v1, v4;
	_ =	sdelay $0x1  }
0xb3: {  	v3 =	vadd.s32 v1, v3;
	_ =	sdelay $0x2  }
0xb4: {  	[hbm4b:s2+s3] =	stream.indirect_vreg.scatter [tilespmem:s10], [sflag:$0x4], $0x80, v4, vm0, $0xb8;
	[tilespmem:$0x10200] =	vst v63  }
0xb5: {  	_ = 	snop  }
0xb6: {  	[hbm4b:s2+s3] =	stream.indirect_vreg.scatter [tilespmem:s11], [sflag:$0x4], $0x80, v3, vm0, $0xb8;
	[tilespmem:$0x10200] =	vst v63  }
0xb7: {  	v3 =	vld [tilespmem:$0xE0];
	_ =	sdelay $0x4  }
0xb8: {  	v46 =	vshll.u32 v3, $0x1  }
0xb9: {  	v3 =	vand.u32 $0x7, v3;
	v4 =	vand.u32 $0xFFFFFFF0, v46  }
0xba: {  	v3 =	vor.u32 v3, v4  }
0xbb: {  	v4 =	vperm.xlane v3, v0;
	_ =	sdelay $0x1  }
0xbc: {  	v3 =	vperm.xlane v3, v2;
	v4 =	vadd.s32 v1, v4;
	_ =	sdelay $0x1  }
0xbd: {  	v3 =	vadd.s32 v1, v3;
	_ =	sdelay $0x2  }
0xbe: {  	[hbm4b:s2+s3] =	stream.indirect_vreg.scatter [tilespmem:s12], [sflag:$0x4], $0x80, v4, vm0, $0xb8;
	[tilespmem:$0x10200] =	vst v63  }
0xbf: {  	_ = 	snop  }
0xc0: {  	[hbm4b:s2+s3] =	stream.indirect_vreg.scatter [tilespmem:s13], [sflag:$0x4], $0x80, v3, vm0, $0xb8;
	[tilespmem:$0x10200] =	vst v63  }
0xc1: {  	v3 =	vld [tilespmem:$0xF0];
	_ =	sdelay $0x4  }
0xc2: {  	v47 =	vshll.u32 v3, $0x1  }
0xc3: {  	v3 =	vand.u32 $0x7, v3;
	v4 =	vand.u32 $0xFFFFFFF0, v47  }
0xc4: {  	v3 =	vor.u32 v3, v4  }
0xc5: {  	v4 =	vperm.xlane v3, v0;
	_ =	sdelay $0x1  }
0xc6: {  	v3 =	vperm.xlane v3, v2;
	v4 =	vadd.s32 v1, v4;
	_ =	sdelay $0x1  }
0xc7: {  	v3 =	vadd.s32 v1, v3;
	_ =	sdelay $0x2  }
0xc8: {  	[hbm4b:s2+s3] =	stream.indirect_vreg.scatter [tilespmem:s21], [sflag:$0x4], $0x80, v4, vm0, $0xb8;
	[tilespmem:$0x10200] =	vst v63  }
0xc9: {  	_ = 	snop  }
0xca: {  	[hbm4b:s2+s3] =	stream.indirect_vreg.scatter [tilespmem:s22], [sflag:$0x4], $0x80, v3, vm0, $0xb8;
	[tilespmem:$0x10200] =	vst v63  }
0xcb: {  	_ =	swait.ge [sflag:s19], $0x8000  }
0xcc: {  	[sflag:s19] =	ssyncset.done $0x0  }
0xcd: {  	s20 =	rddreg [dreg:$0x7];
	[sflag:s19] =	ssyncadd.s32 $0xFFFF8000  }
0xce: {  	[tilespmem:s9], [sflag:$0x2] =	stream.linear.gather [hbm4b:s20+s3], $0x8000, $0x38;
	[tilespmem:$0x10200] =	vst v63  }
0xcf: {  	_ =	swait.ge [sflag:s25], $0x8000  }
0xd0: {  	[sflag:s25] =	ssyncset.done $0x0  }
0xd1: {  	[sflag:s25] =	ssyncadd.s32 $0xFFFF8000  }
0xd2: {  	v3 =	vld [tilespmem:$0x100];
	_ =	sdelay $0x4  }
0xd3: {  	v48 =	vshll.u32 v3, $0x1  }
0xd4: {  	v3 =	vand.u32 $0x7, v3;
	v4 =	vand.u32 $0xFFFFFFF0, v48  }
0xd5: {  	v3 =	vor.u32 v3, v4  }
0xd6: {  	v4 =	vperm.xlane v3, v0;
	_ =	sdelay $0x1  }
0xd7: {  	v3 =	vperm.xlane v3, v2;
	v4 =	vadd.s32 v1, v4;
	_ =	sdelay $0x1  }
0xd8: {  	v3 =	vadd.s32 v1, v3;
	_ =	sdelay $0x2  }
0xd9: {  	[hbm4b:s2+s3] =	stream.indirect_vreg.scatter [tilespmem:s8], [sflag:$0x3], $0x80, v4, vm0, $0xb8;
	[tilespmem:$0x10200] =	vst v63  }
0xda: {  	s20 =	simm.s32 $0xA00  }
0xdb: {  	[hbm4b:s2+s3] =	stream.indirect_vreg.scatter [tilespmem:s20], [sflag:$0x3], $0x80, v3, vm0, $0xb8;
	[tilespmem:$0x10200] =	vst v63  }
0xdc: {  	v3 =	vld [tilespmem:$0x110];
	_ =	sdelay $0x4  }
0xdd: {  	v49 =	vshll.u32 v3, $0x1  }
0xde: {  	v3 =	vand.u32 $0x7, v3;
	v4 =	vand.u32 $0xFFFFFFF0, v49  }
0xdf: {  	v3 =	vor.u32 v3, v4  }
0xe0: {  	v4 =	vperm.xlane v3, v0;
	_ =	sdelay $0x1  }
0xe1: {  	v3 =	vperm.xlane v3, v2;
	v4 =	vadd.s32 v1, v4;
	_ =	sdelay $0x1  }
0xe2: {  	v3 =	vadd.s32 v1, v3;
	_ =	sdelay $0x1  }
0xe3: {  	s20 =	simm.s32 $0x1200  }
0xe4: {  	[hbm4b:s2+s3] =	stream.indirect_vreg.scatter [tilespmem:s20], [sflag:$0x3], $0x80, v4, vm0, $0xb8;
	[tilespmem:$0x10200] =	vst v63  }
0xe5: {  	_ = 	snop  }
0xe6: {  	[hbm4b:s2+s3] =	stream.indirect_vreg.scatter [tilespmem:s23], [sflag:$0x3], $0x80, v3, vm0, $0xb8;
	[tilespmem:$0x10200] =	vst v63  }
0xe7: {  	v3 =	vld [tilespmem:$0x120];
	_ =	sdelay $0x4  }
0xe8: {  	v50 =	vshll.u32 v3, $0x1  }
0xe9: {  	v3 =	vand.u32 $0x7, v3;
	v4 =	vand.u32 $0xFFFFFFF0, v50  }
0xea: {  	v3 =	vor.u32 v3, v4  }
0xeb: {  	v4 =	vperm.xlane v3, v0;
	_ =	sdelay $0x1  }
0xec: {  	v3 =	vperm.xlane v3, v2;
	v4 =	vadd.s32 v1, v4;
	_ =	sdelay $0x1  }
0xed: {  	v3 =	vadd.s32 v1, v3;
	_ =	sdelay $0x2  }
0xee: {  	[hbm4b:s2+s3] =	stream.indirect_vreg.scatter [tilespmem:s24], [sflag:$0x3], $0x80, v4, vm0, $0xb8;
	[tilespmem:$0x10200] =	vst v63  }
0xef: {  	_ = 	snop  }
0xf0: {  	[hbm4b:s2+s3] =	stream.indirect_vreg.scatter [tilespmem:s28], [sflag:$0x3], $0x80, v3, vm0, $0xb8;
	[tilespmem:$0x10200] =	vst v63  }
0xf1: {  	v3 =	vld [tilespmem:$0x130];
	_ =	sdelay $0x4  }
0xf2: {  	v51 =	vshll.u32 v3, $0x1  }
0xf3: {  	v3 =	vand.u32 $0x7, v3;
	v4 =	vand.u32 $0xFFFFFFF0, v51  }
0xf4: {  	v3 =	vor.u32 v3, v4  }
0xf5: {  	v4 =	vperm.xlane v3, v0;
	_ =	sdelay $0x1  }
0xf6: {  	v3 =	vperm.xlane v3, v2;
	v4 =	vadd.s32 v1, v4;
	_ =	sdelay $0x1  }
0xf7: {  	v3 =	vadd.s32 v1, v3;
	_ =	sdelay $0x2  }
0xf8: {  	[hbm4b:s2+s3] =	stream.indirect_vreg.scatter [tilespmem:s29], [sflag:$0x3], $0x80, v4, vm0, $0xb8;
	[tilespmem:$0x10200] =	vst v63  }
0xf9: {  	_ = 	snop  }
0xfa: {  	[hbm4b:s2+s3] =	stream.indirect_vreg.scatter [tilespmem:s30], [sflag:$0x3], $0x80, v3, vm0, $0xb8;
	[tilespmem:$0x10200] =	vst v63  }
0xfb: {  	v3 =	vld [tilespmem:$0x140];
	_ =	sdelay $0x4  }
0xfc: {  	v52 =	vshll.u32 v3, $0x1  }
0xfd: {  	v3 =	vand.u32 $0x7, v3;
	v4 =	vand.u32 $0xFFFFFFF0, v52  }
0xfe: {  	v3 =	vor.u32 v3, v4  }
0xff: {  	v4 =	vperm.xlane v3, v0;
	_ =	sdelay $0x1  }
0x100: {  	v3 =	vperm.xlane v3, v2;
	v4 =	vadd.s32 v1, v4;
	_ =	sdelay $0x1  }
0x101: {  	v3 =	vadd.s32 v1, v3;
	_ =	sdelay $0x2  }
0x102: {  	[hbm4b:s2+s3] =	stream.indirect_vreg.scatter [tilespmem:s31], [sflag:$0x3], $0x80, v4, vm0, $0xb8;
	[tilespmem:$0x10200] =	vst v63  }
0x103: {  	s20 =	simm.s32 $0x4A00  }
0x104: {  	[hbm4b:s2+s3] =	stream.indirect_vreg.scatter [tilespmem:s20], [sflag:$0x3], $0x80, v3, vm0, $0xb8;
	[tilespmem:$0x10200] =	vst v63  }
0x105: {  	v3 =	vld [tilespmem:$0x150];
	_ =	sdelay $0x4  }
0x106: {  	v53 =	vshll.u32 v3, $0x1  }
0x107: {  	v3 =	vand.u32 $0x7, v3;
	v4 =	vand.u32 $0xFFFFFFF0, v53  }
0x108: {  	v3 =	vor.u32 v3, v4  }
0x109: {  	v4 =	vperm.xlane v3, v0;
	_ =	sdelay $0x1  }
0x10a: {  	v3 =	vperm.xlane v3, v2;
	v4 =	vadd.s32 v1, v4;
	_ =	sdelay $0x1  }
0x10b: {  	v3 =	vadd.s32 v1, v3;
	_ =	sdelay $0x1  }
0x10c: {  	s20 =	simm.s32 $0x5200  }
0x10d: {  	[hbm4b:s2+s3] =	stream.indirect_vreg.scatter [tilespmem:s20], [sflag:$0x3], $0x80, v4, vm0, $0xb8;
	[tilespmem:$0x10200] =	vst v63  }
0x10e: {  	s20 =	simm.s32 $0x5A00  }
0x10f: {  	[hbm4b:s2+s3] =	stream.indirect_vreg.scatter [tilespmem:s20], [sflag:$0x3], $0x80, v3, vm0, $0xb8;
	[tilespmem:$0x10200] =	vst v63  }
0x110: {  	v3 =	vld [tilespmem:$0x160];
	_ =	sdelay $0x4  }
0x111: {  	v54 =	vshll.u32 v3, $0x1  }
0x112: {  	v3 =	vand.u32 $0x7, v3;
	v4 =	vand.u32 $0xFFFFFFF0, v54  }
0x113: {  	v3 =	vor.u32 v3, v4  }
0x114: {  	v4 =	vperm.xlane v3, v0;
	_ =	sdelay $0x1  }
0x115: {  	v3 =	vperm.xlane v3, v2;
	v4 =	vadd.s32 v1, v4;
	_ =	sdelay $0x1  }
0x116: {  	v3 =	vadd.s32 v1, v3;
	_ =	sdelay $0x1  }
0x117: {  	s20 =	simm.s32 $0x6200  }
0x118: {  	[hbm4b:s2+s3] =	stream.indirect_vreg.scatter [tilespmem:s20], [sflag:$0x3], $0x80, v4, vm0, $0xb8;
	[tilespmem:$0x10200] =	vst v63  }
0x119: {  	s20 =	simm.s32 $0x6A00  }
0x11a: {  	[hbm4b:s2+s3] =	stream.indirect_vreg.scatter [tilespmem:s20], [sflag:$0x3], $0x80, v3, vm0, $0xb8;
	[tilespmem:$0x10200] =	vst v63  }
0x11b: {  	v3 =	vld [tilespmem:$0x170];
	_ =	sdelay $0x4  }
0x11c: {  	v55 =	vshll.u32 v3, $0x1  }
0x11d: {  	v3 =	vand.u32 $0x7, v3;
	v4 =	vand.u32 $0xFFFFFFF0, v55  }
0x11e: {  	v3 =	vor.u32 v3, v4  }
0x11f: {  	v4 =	vperm.xlane v3, v0;
	_ =	sdelay $0x1  }
0x120: {  	v3 =	vperm.xlane v3, v2;
	v4 =	vadd.s32 v1, v4;
	_ =	sdelay $0x1  }
0x121: {  	v3 =	vadd.s32 v1, v3;
	_ =	sdelay $0x1  }
0x122: {  	s20 =	simm.s32 $0x7200  }
0x123: {  	[hbm4b:s2+s3] =	stream.indirect_vreg.scatter [tilespmem:s20], [sflag:$0x3], $0x80, v4, vm0, $0xb8;
	[tilespmem:$0x10200] =	vst v63  }
0x124: {  	s20 =	simm.s32 $0x7A00  }
0x125: {  	[hbm4b:s2+s3] =	stream.indirect_vreg.scatter [tilespmem:s20], [sflag:$0x3], $0x80, v3, vm0, $0xb8;
	[tilespmem:$0x10200] =	vst v63  }
0x126: {  	_ =	swait.ge [sflag:s0], $0x8000  }
0x127: {  	[sflag:s0] =	ssyncset.done $0x0  }
0x128: {  	[sflag:s0] =	ssyncadd.s32 $0xFFFF8000  }
0x129: {  	v3 =	vld [tilespmem:$0x180];
	_ =	sdelay $0x4  }
0x12a: {  	v56 =	vshll.u32 v3, $0x1  }
0x12b: {  	v3 =	vand.u32 $0x7, v3;
	v4 =	vand.u32 $0xFFFFFFF0, v56  }
0x12c: {  	v3 =	vor.u32 v3, v4  }
0x12d: {  	v4 =	vperm.xlane v3, v0;
	_ =	sdelay $0x1  }
0x12e: {  	v3 =	vperm.xlane v3, v2;
	v4 =	vadd.s32 v1, v4;
	_ =	sdelay $0x1  }
0x12f: {  	v3 =	vadd.s32 v1, v3;
	_ =	sdelay $0x2  }
0x130: {  	[hbm4b:s2+s3] =	stream.indirect_vreg.scatter [tilespmem:s9], [sflag:$0x4], $0x80, v4, vm0, $0xb8;
	[tilespmem:$0x10200] =	vst v63  }
0x131: {  	_ = 	snop  }
0x132: {  	[hbm4b:s2+s3] =	stream.indirect_vreg.scatter [tilespmem:s14], [sflag:$0x4], $0x80, v3, vm0, $0xb8;
	[tilespmem:$0x10200] =	vst v63  }
0x133: {  	v3 =	vld [tilespmem:$0x190];
	_ =	sdelay $0x4  }
0x134: {  	v57 =	vshll.u32 v3, $0x1  }
0x135: {  	v3 =	vand.u32 $0x7, v3;
	v4 =	vand.u32 $0xFFFFFFF0, v57  }
0x136: {  	v3 =	vor.u32 v3, v4  }
0x137: {  	v4 =	vperm.xlane v3, v0;
	_ =	sdelay $0x1  }
0x138: {  	v3 =	vperm.xlane v3, v2;
	v4 =	vadd.s32 v1, v4;
	_ =	sdelay $0x1  }
0x139: {  	v3 =	vadd.s32 v1, v3;
	_ =	sdelay $0x2  }
0x13a: {  	[hbm4b:s2+s3] =	stream.indirect_vreg.scatter [tilespmem:s15], [sflag:$0x4], $0x80, v4, vm0, $0xb8;
	[tilespmem:$0x10200] =	vst v63  }
0x13b: {  	_ = 	snop  }
0x13c: {  	[hbm4b:s2+s3] =	stream.indirect_vreg.scatter [tilespmem:s16], [sflag:$0x4], $0x80, v3, vm0, $0xb8;
	[tilespmem:$0x10200] =	vst v63  }
0x13d: {  	v3 =	vld [tilespmem:$0x1A0];
	_ =	sdelay $0x4  }
0x13e: {  	v58 =	vshll.u32 v3, $0x1  }
0x13f: {  	v3 =	vand.u32 $0x7, v3;
	v4 =	vand.u32 $0xFFFFFFF0, v58  }
0x140: {  	v3 =	vor.u32 v3, v4  }
0x141: {  	v4 =	vperm.xlane v3, v0;
	_ =	sdelay $0x1  }
0x142: {  	v3 =	vperm.xlane v3, v2;
	v4 =	vadd.s32 v1, v4;
	_ =	sdelay $0x1  }
0x143: {  	v3 =	vadd.s32 v1, v3;
	_ =	sdelay $0x2  }
0x144: {  	[hbm4b:s2+s3] =	stream.indirect_vreg.scatter [tilespmem:s17], [sflag:$0x4], $0x80, v4, vm0, $0xb8;
	[tilespmem:$0x10200] =	vst v63  }
0x145: {  	_ = 	snop  }
0x146: {  	[hbm4b:s2+s3] =	stream.indirect_vreg.scatter [tilespmem:s18], [sflag:$0x4], $0x80, v3, vm0, $0xb8;
	[tilespmem:$0x10200] =	vst v63  }
0x147: {  	v3 =	vld [tilespmem:$0x1B0];
	_ =	sdelay $0x4  }
0x148: {  	v59 =	vshll.u32 v3, $0x1  }
0x149: {  	v3 =	vand.u32 $0x7, v3;
	v4 =	vand.u32 $0xFFFFFFF0, v59  }
0x14a: {  	v3 =	vor.u32 v3, v4  }
0x14b: {  	v4 =	vperm.xlane v3, v0;
	_ =	sdelay $0x1  }
0x14c: {  	v3 =	vperm.xlane v3, v2;
	v4 =	vadd.s32 v1, v4;
	_ =	sdelay $0x1  }
0x14d: {  	v3 =	vadd.s32 v1, v3;
	_ =	sdelay $0x2  }
0x14e: {  	[hbm4b:s2+s3] =	stream.indirect_vreg.scatter [tilespmem:s6], [sflag:$0x4], $0x80, v4, vm0, $0xb8;
	[tilespmem:$0x10200] =	vst v63  }
0x14f: {  	_ = 	snop  }
0x150: {  	[hbm4b:s2+s3] =	stream.indirect_vreg.scatter [tilespmem:s7], [sflag:$0x4], $0x80, v3, vm0, $0xb8;
	[tilespmem:$0x10200] =	vst v63  }
0x151: {  	v3 =	vld [tilespmem:$0x1C0];
	_ =	sdelay $0x4  }
0x152: {  	v60 =	vshll.u32 v3, $0x1  }
0x153: {  	v3 =	vand.u32 $0x7, v3;
	v4 =	vand.u32 $0xFFFFFFF0, v60  }
0x154: {  	v3 =	vor.u32 v3, v4  }
0x155: {  	v4 =	vperm.xlane v3, v0;
	_ =	sdelay $0x1  }
0x156: {  	v3 =	vperm.xlane v3, v2;
	v4 =	vadd.s32 v1, v4;
	_ =	sdelay $0x1  }
0x157: {  	v3 =	vadd.s32 v1, v3;
	_ =	sdelay $0x2  }
0x158: {  	[hbm4b:s2+s3] =	stream.indirect_vreg.scatter [tilespmem:s1], [sflag:$0x4], $0x80, v4, vm0, $0xb8;
	[tilespmem:$0x10200] =	vst v63  }
0x159: {  	_ = 	snop  }
0x15a: {  	[hbm4b:s2+s3] =	stream.indirect_vreg.scatter [tilespmem:s4], [sflag:$0x4], $0x80, v3, vm0, $0xb8;
	[tilespmem:$0x10200] =	vst v63  }
0x15b: {  	v3 =	vld [tilespmem:$0x1D0];
	_ =	sdelay $0x4  }
0x15c: {  	v61 =	vshll.u32 v3, $0x1  }
0x15d: {  	v3 =	vand.u32 $0x7, v3;
	v4 =	vand.u32 $0xFFFFFFF0, v61  }
0x15e: {  	v3 =	vor.u32 v3, v4  }
0x15f: {  	v4 =	vperm.xlane v3, v0;
	_ =	sdelay $0x1  }
0x160: {  	v3 =	vperm.xlane v3, v2;
	v4 =	vadd.s32 v1, v4;
	_ =	sdelay $0x1  }
0x161: {  	v3 =	vadd.s32 v1, v3;
	_ =	sdelay $0x2  }
0x162: {  	[hbm4b:s2+s3] =	stream.indirect_vreg.scatter [tilespmem:s10], [sflag:$0x4], $0x80, v4, vm0, $0xb8;
	[tilespmem:$0x10200] =	vst v63  }
0x163: {  	_ = 	snop  }
0x164: {  	[hbm4b:s2+s3] =	stream.indirect_vreg.scatter [tilespmem:s11], [sflag:$0x4], $0x80, v3, vm0, $0xb8;
	[tilespmem:$0x10200] =	vst v63  }
0x165: {  	v3 =	vld [tilespmem:$0x1E0];
	_ =	sdelay $0x4  }
0x166: {  	v62 =	vshll.u32 v3, $0x1  }
0x167: {  	v3 =	vand.u32 $0x7, v3;
	v4 =	vand.u32 $0xFFFFFFF0, v62  }
0x168: {  	v3 =	vor.u32 v3, v4  }
0x169: {  	v4 =	vperm.xlane v3, v0;
	_ =	sdelay $0x1  }
0x16a: {  	v3 =	vperm.xlane v3, v2;
	v4 =	vadd.s32 v1, v4;
	_ =	sdelay $0x1  }
0x16b: {  	v3 =	vadd.s32 v1, v3;
	_ =	sdelay $0x2  }
0x16c: {  	[hbm4b:s2+s3] =	stream.indirect_vreg.scatter [tilespmem:s12], [sflag:$0x4], $0x80, v4, vm0, $0xb8;
	[tilespmem:$0x10200] =	vst v63  }
0x16d: {  	_ = 	snop  }
0x16e: {  	[hbm4b:s2+s3] =	stream.indirect_vreg.scatter [tilespmem:s13], [sflag:$0x4], $0x80, v3, vm0, $0xb8;
	[tilespmem:$0x10200] =	vst v63  }
0x16f: {  	v3 =	vld [tilespmem:$0x1F0];
	_ =	sdelay $0x4  }
0x170: {  	v63 =	vshll.u32 v3, $0x1  }
0x171: {  	v3 =	vand.u32 $0x7, v3;
	v4 =	vand.u32 $0xFFFFFFF0, v63  }
0x172: {  	v3 =	vor.u32 v3, v4  }
0x173: {  	v4 =	vperm.xlane v3, v0;
	_ =	sdelay $0x1  }
0x174: {  	v3 =	vperm.xlane v3, v2;
	v4 =	vadd.s32 v1, v4;
	_ =	sdelay $0x1  }
0x175: {  	v3 =	vadd.s32 v1, v3;
	_ =	sdelay $0x2  }
0x176: {  	[hbm4b:s2+s3] =	stream.indirect_vreg.scatter [tilespmem:s21], [sflag:$0x4], $0x80, v4, vm0, $0xb8;
	[tilespmem:$0x10200] =	vst v63  }
0x177: {  	_ = 	snop  }
0x178: {  	[hbm4b:s2+s3] =	stream.indirect_vreg.scatter [tilespmem:s22], [sflag:$0x4], $0x80, v3, vm0, $0xb8;
	[tilespmem:$0x10200] =	vst v63  }
0x179: {  	p0 =	sne.s32 s5, $0x1;
	_ =	swait.ge [sflag:s19], $0x8000  }
.Ltmp0:
0x17a: {  	[sflag:s19] =	ssyncset.done $0x0;
	(pc) =	sbr.rel @p0 .LBB2_1-.Ltmp0, $4  }
0x17b: {  	[sflag:s19] =	ssyncadd.s32 $0xFFFF8000  }
0x17c: {  	_ =	swait.ge [sflag:s26], $0x8000  }
0x17d: {  	[sflag:s26] =	ssyncset.done $0x0  }
0x17e: {  	s5 =	sadd.s32 $0xFFFFFFFF, s5;
	[sflag:s26] =	ssyncadd.s32 $0xFFFF8000  }
0x17f: {  	_ =	sfence.sel $0x180000  }
0x180: {  	[bflag:$0x0] =	sbarrier.arrive $0xFFFF  }
0x181: {  	_ =	strace $0x90000047  }
0x182: {  	s0 =	stileid.u32;
	[bflag:$0x2] =	sbarrier.arrive $0xFFFF  }
0x183: {  	p0 =	sne.s32 s0, $0x0;
	s0 =	rddreg [dreg:$0x3]  }
0x184: {  	s0 =	sadd.s32 @!p0 $0x100000, s0  }
0x185: {  	[sflag:s0] =	ssyncadd.tile.s32 @!p0 $0x1;
	_ =	shalt  }
.Lfunc_end2:
_tile_overlayer_lowered:
.L_overlay_start_2:
0x186: {  	(tag) =	ssettag $0x2  }
0x187: {  	s0 =	rddreg [dreg:$0x0];
	s2 =	stileid.u32  }
0x188: {  	s1 =	rddreg [dreg:$0x1];
	p0 =	sne.s32 s2, $0x0  }
0x189: {  	s3 =	rddreg [dreg:$0x2];
	[bflag:$0x3] =	sbarrier.arrive $0xFFFF;
	s2 =	simm.s32 @!p0 $0x1C05  }
0x18a: {  	[timem:s3], [sflag:s2] =	dma.local @!p0 [hbm:s0], s1  }
0x18b: {  	s0 =	simm.s32 @!p0 $0x5  }
0x18c: {  	_ =	swait.ge @!p0 [sflag:s0], s1  }
0x18d: {  	s1 =	ssub.s32 @!p0 $0x0, s1;
	[sflag:s0] =	ssyncset.done @!p0 $0x0  }
0x18e: {  	[sflag:s0] =	ssyncadd.s32 @!p0 s1  }
0x18f: {  	[bflag:$0x3] =	sbarrier.arrive $0xFFFF  }
0x190: {  	_ =	shalt  }

// kernel: kernel.9.cloned.1.call-start
scs
__scs_entry_jumppad:
0x0: {  	(pc) =	sbr.rel $0x88, $3  }
0x1: {  	(tag) =	ssettag $0x0;
	lr =	simm.s32 $0x1  }
0x2: {  	[smem:$0x3F9B] =	sst lr;
	_ =	strace $0xD0000000  }
0x3: {  	_ = 	snop  }
0x4: {  	_ = 	snop  }
0x5: {  	_ = 	snop  }
0x6: {  	_ = 	snop  }
0x7: {  	_ = 	snop  }
__scs_overlays_trampoline_lowered:
0x8: {  	[smem:$0x3FAA] =	sst s0  }
0x9: {  	[smem:$0x3FAB] =	sst s1  }
0xa: {  	[smem:$0x3FAC] =	sst s2  }
0xb: {  	[smem:$0x3FAD] =	sst s3  }
0xc: {  	[smem:$0x3FAE] =	sst s4  }
0xd: {  	[smem:$0x3FAF] =	sst s5  }
0xe: {  	[smem:$0x3FB0] =	sst s6  }
0xf: {  	[smem:$0x3FB1] =	sst s7  }
0x10: {  	[smem:$0x3FB2] =	sst s8  }
0x11: {  	[smem:$0x3FB3] =	sst s9;
	s0 =	simm.s32 @!p0 $0x0  }
0x12: {  	s1 =	sld [smem:$0x3F99];
	s0 =	simm.s32 @p0 $0x1  }
0x13: {  	[smem:$0x3FB4] =	sst s0;
	s0 =	simm.s32 @!p1 $0x0  }
0x14: {  	s2 =	sld [smem:$0x3F98];
	s0 =	simm.s32 @p1 $0x1  }
0x15: {  	[smem:$0x3FB5] =	sst s0;
	s0 =	simm.s32 @!p2 $0x0  }
0x16: {  	s3 =	sld [smem:$0x3FDB];
	s0 =	simm.s32 @p2 $0x1  }
0x17: {  	s4 =	simm.s32 $0x1BF5;
	[smem:$0x3FB7] =	sst s0  }
0x18: {  	s0 =	sld [smem:$0x3F9A];
	_ =	swait.ge [sflag:s4], $0x0  }
0x19: {  	s7 =	sld [smem:$0x3F9B]  }
0x1a: {  	s8 =	sadd.s32 $0xFFFFE003, lr  }
0x1b: {  	s9 =	sadd.s32 $0xFFFFFEF7, lr;
	s5 =	simm.s32 $0xFFFFFFFF;
	p2 =	slt.u32 s8, $0xFFFFF086  }
0x1c: {  	p1 =	slt.u32 s9, $0xF7A;
	s5 =	simm.s32 @!p2 $0x0  }
0x1d: {  	s5 =	simm.s32 @p1 $0x1;
	p0 =	seq.s32 s7, s2  }
0x1e: {  	s7 =	smul.u32 @!p0 $0xF7A, s2;
	p2 =	seq.s32 @!p0 s5, $0x0  }
0x1f: {  	s9 =	smul.u32 $0xF7A, s1;
	s8 =	simm.s32 @!p0 $0x1BF5;
	p2 =	por !p2, p0  }
0x20: {  	[sflag:s8] =	ssyncset.s32 @!p0 $0xFFFFF086;
	s6 =	sadd.s32 @!p0 s3, s7;
	s7 =	simm.s32 @!p0 $0x108  }
0x21: {  	s3 =	sadd.s32 s3, s9;
	s6 =	sadd.s32 @!p0 $0x88, s6;
	s7 =	simm.s32 @p2 $0x1082  }
0x22: {  	[simem:s7], [sflag:s8] =	dma.local @!p0 [hbm:s6], $0xF7A  }
0x23: {  	s9 =	sor.u32 $0xD0000000, s2;
	s6 =	simm.s32 $0x108;
	_ =	swait.ge @!p0 [sflag:s8], $0x0  }
0x24: {  	s3 =	sadd.s32 $0x88, s3;
	s6 =	simm.s32 @!p1 $0x1082;
	[sflag:s4] =	ssyncset.s32 $0xFFFFF086  }
0x25: {  	[simem:s6], [sflag:s4] =	dma.local [hbm:s3], $0xF7A  }
0x26: {  	[smem:$0x3F9B] =	sst s1;
	(tag) =	ssettag s2;
	_ =	strace s9  }
0x27: {  	s1 =	sld [smem:$0x3FAB]  }
0x28: {  	s2 =	sld [smem:$0x3FAC]  }
0x29: {  	s4 =	sld [smem:$0x3FAE]  }
0x2a: {  	p0 =	seq.s32 s5, $0x0;
	s5 =	sld [smem:$0x3FAF]  }
0x2b: {  	s6 =	sld [smem:$0x3FB0]  }
0x2c: {  	s7 =	sld [smem:$0x3FB1]  }
0x2d: {  	s3 =	simm.s32 $0x108;
	s8 =	sld [smem:$0x3FB2]  }
0x2e: {  	s3 =	simm.s32 @!p0 $0x1082;
	s9 =	sld [smem:$0x3FB3]  }
0x2f: {  	lr =	sadd.s32 s0, s3;
	s0 =	sld [smem:$0x3FAA]  }
0x30: {  	s3 =	sld [smem:$0x3FAD]  }
0x31: {  	[smem:$0x3FB6] =	sst s10  }
0x32: {  	s10 =	sld [smem:$0x3FB4];
	_ =	sdelay $0x3  }
0x33: {  	p0 =	seq.s32 s10, $0x1;
	s10 =	sld [smem:$0x3FB6];
	_ =	sdelay $0x3  }
0x34: {  	[smem:$0x3FB6] =	sst s10  }
0x35: {  	s10 =	sld [smem:$0x3FB5];
	_ =	sdelay $0x3  }
0x36: {  	p1 =	seq.s32 s10, $0x1;
	s10 =	sld [smem:$0x3FB6];
	_ =	sdelay $0x3  }
0x37: {  	[smem:$0x3FB6] =	sst s10  }
0x38: {  	s10 =	sld [smem:$0x3FB7]  }
0x39: {  	_ = 	snop;
	(pc) =	sbr.ind lr, $3  }
0x3a: {  	_ = 	snop  }
0x3b: {  	_ = 	snop  }
0x3c: {  	p2 =	seq.s32 s10, $0x1;
	s10 =	sld [smem:$0x3FB6]  }
0x3d: {  	_ =	shalt  }
0x3e: {  	_ =	shalt  }
0x3f: {  	_ =	shalt  }
0x40: {  	_ =	shalt  }
0x41: {  	_ =	shalt  }
0x42: {  	_ =	shalt  }
0x43: {  	_ =	shalt  }
0x44: {  	_ =	shalt  }
0x45: {  	_ =	shalt  }
0x46: {  	_ =	shalt  }
0x47: {  	_ =	shalt  }
0x48: {  	_ =	shalt  }
0x49: {  	_ =	shalt  }
0x4a: {  	_ =	shalt  }
0x4b: {  	_ =	shalt  }
0x4c: {  	_ =	shalt  }
0x4d: {  	_ =	shalt  }
0x4e: {  	_ =	shalt  }
0x4f: {  	_ =	shalt  }
0x50: {  	_ =	shalt  }
0x51: {  	_ =	shalt  }
0x52: {  	_ =	shalt  }
0x53: {  	_ =	shalt  }
0x54: {  	_ =	shalt  }
0x55: {  	_ =	shalt  }
0x56: {  	_ =	shalt  }
0x57: {  	_ =	shalt  }
0x58: {  	_ =	shalt  }
0x59: {  	_ =	shalt  }
0x5a: {  	_ =	shalt  }
0x5b: {  	_ =	shalt  }
0x5c: {  	_ =	shalt  }
0x5d: {  	_ =	shalt  }
0x5e: {  	_ =	shalt  }
0x5f: {  	_ =	shalt  }
0x60: {  	_ =	shalt  }
0x61: {  	_ =	shalt  }
0x62: {  	_ =	shalt  }
0x63: {  	_ =	shalt  }
0x64: {  	_ =	shalt  }
0x65: {  	_ =	shalt  }
0x66: {  	_ =	shalt  }
0x67: {  	_ =	shalt  }
0x68: {  	_ =	shalt  }
0x69: {  	_ =	shalt  }
0x6a: {  	_ =	shalt  }
0x6b: {  	_ =	shalt  }
0x6c: {  	_ =	shalt  }
0x6d: {  	_ =	shalt  }
0x6e: {  	_ =	shalt  }
0x6f: {  	_ =	shalt  }
0x70: {  	_ =	shalt  }
0x71: {  	_ =	shalt  }
0x72: {  	_ =	shalt  }
0x73: {  	_ =	shalt  }
0x74: {  	_ =	shalt  }
0x75: {  	_ =	shalt  }
0x76: {  	_ =	shalt  }
0x77: {  	_ =	shalt  }
0x78: {  	_ =	shalt  }
0x79: {  	_ =	shalt  }
0x7a: {  	_ =	shalt  }
0x7b: {  	_ =	shalt  }
0x7c: {  	_ =	shalt  }
0x7d: {  	_ =	shalt  }
0x7e: {  	_ =	shalt  }
0x7f: {  	_ =	shalt  }
0x80: {  	_ =	shalt  }
0x81: {  	_ =	shalt  }
0x82: {  	_ =	shalt  }
0x83: {  	_ =	shalt  }
0x84: {  	_ =	shalt  }
0x85: {  	_ =	shalt  }
0x86: {  	_ =	shalt  }
0x87: {  	_ =	shalt  }
.Lfunc_end0:
.L_simem_size_0:
called_computation.1_lowered:
.L_overlay_start_0:
0x88: {  	s2 =	sld [smem:$0x3FD9]  }
0x89: {  	s3 =	sld [smem:$0x3FFE];
	_ =	sdelay $0x1  }
0x8a: {  	s1 =	srdreg.scid  }
0x8b: {  	s0 =	sand.u32 $0x1, s1  }
0x8c: {  	s17 =	sshll.u32 s0, $0xA;
	s2 =	sadd.s32 s3, s2  }
0x8d: {  	s2 =	sadd.s32 s2, s17  }
0x8e: {  	[smem:$0x3FC2] =	sst s2  }
0x8f: {  	_ = 	snop  }
0x90: {  	s2 =	sld [smem:$0x3FD0];
	(tm) =	ssettm $0x1  }
0x91: {  	s18 =	sld [smem:$0x3FFB];
	_ =	sdelay $0x3  }
0x92: {  	_ =	strace s18  }
0x93: {  	s3 =	sld [smem:$0x3FFC];
	_ =	sdelay $0x3  }
0x94: {  	_ =	strace s3  }
0x95: {  	s3 =	sld [smem:$0x3FFD];
	_ =	sdelay $0x3  }
0x96: {  	_ =	strace s3  }
0x97: {  	_ =	strace $0x8FFFFFFF  }
0x98: {  	s19 =	sld [smem:$0x3FDB];
	_ =	sdelay $0x1  }
0x99: {  	s4 =	simm.s32 $_scs_section_size  }
0x9a: {  	s5 =	simm.s32 $_size__tile_overlayer_lowered;
	s6 =	simm.s32 $_tile_overlayer_lowered  }
0x9b: {  	s22 =	simm.s32 $0x1BFF;
	s21 =	sshll.u32 s6, $0x1;
	s3 =	sadd.s32 s4, s19  }
0x9c: {  	s7 =	simm.s32 $0x0;
	s20 =	sshll.u32 s5, $0x1;
	s5 =	sadd.s32 s21, s3  }
0x9d: {  	[timem:s7], [sflag:s22] =	dma.local [hbm:s5], s20  }
0x9e: {  	_ =	swait.ge [sflag:s22], s20  }
0x9f: {  	s4 =	ssub.s32 $0x0, s20;
	[sflag:s22] =	ssyncset.done $0x0  }
0xa0: {  	[sflag:s22] =	ssyncadd.s32 s4;
	_ =	sdelay $0x1  }
0xa1: {  	s23 =	simm.s32 $0x1B8B  }
0xa2: {  	_ =	swait.ge [sflag:s23], $0x1  }
0xa3: {  	[sflag:s23] =	ssyncset.done $0x0  }
0xa4: {  	s25 =	simm.s32 $0x1B8E;
	s24 =	sld [smem:$0x3FFE];
	[sflag:s23] =	ssyncadd.s32 $0xFFFFFFFF  }
0xa5: {  	s26 =	simm.s32 $execute0_lowered;
	[smem:$0x3FD2] =	sst s25  }
0xa6: {  	s5 =	sshll.u32 s26, $0x1;
	_ =	strace $0x80000049;
	[dreg:$0x1] =	wrdreg $0xFFFFFFFF  }
0xa7: {  	s28 =	simm.s32 $_size_execute0_lowered;
	s3 =	sadd.s32 s3, s5;
	[dreg:$0x0] =	wrdreg $0x0  }
0xa8: {  	s5 =	sshll.u32 s28, $0x1;
	[dreg:$0x2] =	wrdreg s3  }
0xa9: {  	[dreg:$0x3] =	wrdreg s5  }
0xaa: {  	[dreg:$0x4] =	wrdreg $0xC0  }
0xab: {  	_ =	task [dreg:s7], $0x5FFFF  }
0xac: {  	[dreg:$0x1] =	wrdreg $0xFFFFFFFF  }
0xad: {  	[dreg:$0x0] =	wrdreg $0x60  }
0xae: {  	[dreg:$0x2] =	wrdreg s24  }
0xaf: {  	[dreg:$0x3] =	wrdreg s2  }
0xb0: {  	[dreg:$0x4] =	wrdreg $0x9  }
0xb1: {  	_ =	task.clear_ibuf [dreg:s7], $0x5FFFF;
	_ =	strace $0x90000049  }
0xb2: {  	s29 =	simm.s32 $0x9;
	_ =	strace $0x8000004B  }
0xb3: {  	_ =	swait.ge [sflag:s29], $0x1  }
0xb4: {  	[sflag:s29] =	ssyncadd.s32 $0xFFFFFFFF  }
0xb5: {  	_ =	strace $0x9000004B  }
0xb6: {  	_ =	sfence  }
0xb7: {  	s30 =	sld [smem:$0x0];
	_ =	sdelay $0x2  }
0xb8: {  	s31 =	sshll.u32 s1, $0xD;
	s1 =	sshrl.u32 s1, $0x2  }
0xb9: {  	s3 =	sand.u32 $0x4000, s31;
	s1 =	sadd.s32 s1, s30  }
0xba: {  	s0 =	sor.u32 s3, s0;
	s1 =	sshll.u32 s1, $0x11  }
0xbb: {  	s0 =	sor.u32 s1, s0  }
0xbc: {  	s0 =	sadd.s32 $0x8F2B, s0  }
0xbd: {  	[sflag:s0] =	ssyncadd.remote.s32 $0x1  }
0xbe: {  	_ =	sfence.sel $0xFFFF  }
0xbf: {  	[dreg:$0x0] =	wrdreg $0xFFFFFFFF;
	(pc) =	sbr.abs _section_cstart, $3  }
0xc0: {  	[dreg:$0x1] =	wrdreg $0xFFFFFFFF  }
0xc1: {  	_ =	task.clear_ibuf [dreg:s7], $0x2FFFF;
	_ =	strace $0x9FFFFFFF  }
0xc2: {  	(tm) =	ssettm $0x7FFFFFFF  }
0xc3: {  	_ =	shalt  }
tec
execute0_lowered:
.L_overlay_start_1:
0x0: {  	(tag) =	ssettag $0x1  }
0x1: {  	s0 =	srdreg.scid  }
0x2: {  	s2 =	stileid.u32;
	s1 =	rddreg [dreg:$0x0];
	s0 =	sand.u32 $0x1, s0  }
0x3: {  	s4 =	rddreg [dreg:$0x1];
	s2 =	sshll.u32 s2, $0xA;
	s3 =	sshll.u32 s0, $0x9  }
0x4: {  	s7 =	simm.s32 $0x3;
	s29 =	simm.s32 $0x200;
	s3 =	sor.u32 s3, s2  }
0x5: {  	s2 =	simm.s32 $0x0;
	s5 =	sshrl.u32 s3, $0x3;
	s3 =	sshll.u32 s3, $0x6  }
0x6: {  	[smem:$0x7FF] =	sst s2;
	s5 =	sadd.s32 s5, s1;
	s6 =	sadd.s32 s4, s3  }
0x7: {  	_ =	strace $0x8000004A;
	s5 =	sadd.s32 $0x1800, s5;
	[dreg:$0xb] =	wrdreg s6  }
0x8: {  	s15 =	simm.s32 $0x1;
	s3 =	sadd.s32 $0x1000, s6;
	[dreg:$0x3] =	wrdreg s5  }
0x9: {  	s16 =	simm.s32 $0x2;
	s23 =	sadd.s32 $0x2000, s6;
	[dreg:$0x4] =	wrdreg s3  }
0xa: {  	s0 =	ssub.s32 $0x2, s0;
	s24 =	sadd.s32 $0x3000, s6;
	[dreg:$0x5] =	wrdreg s23  }
0xb: {  	s30 =	sshrl.u32 s0, $0x1;
	s25 =	sadd.s32 $0x4000, s6;
	[dreg:$0x6] =	wrdreg s24  }
0xc: {  	s0 =	ssub.s32 s0, s30;
	s26 =	sadd.s32 $0x5000, s6;
	[dreg:$0x7] =	wrdreg s25  }
0xd: {  	v2 =	vlaneseq.u32;
	s4 =	sadd.s32 $0x2000, s1;
	s28 =	sadd.s32 $0x6000, s6;
	[dreg:$0x8] =	wrdreg s26  }
0xe: {  	vm0 =	vmmov $0xffff;
	v1 =	vshrl.u32 v2, $0x3;
	s31 =	sadd.s32 $0x7000, s6;
	s6 =	smax.u32 s0, $0x1;
	[dreg:$0x9] =	wrdreg s28  }
0xf: {  	v0 =	vand.u32 $0x7, v2;
	v2 =	vor.u32 $0x8, v2;
	v1 =	vmul.u32 $0x8, v1;
	s5 =	sadd.s32 $0x2100, s1;
	[dreg:$0xa] =	wrdreg s31;
	s24 =	simm.s32 $0x8200  }
.LBB2_1:
0x10: {  	s17 =	rddreg [dreg:$0x3]  }
0x11: {  	[tilespmem:s2], [sflag:$0x3] =	stream.linear.gather [hbm4b:s17+s2], $0x200, $0x38;
	[tilespmem:$0x10200] =	vst v63  }
0x12: {  	_ =	swait.ge [sflag:s7], $0x200  }
0x13: {  	[sflag:s7] =	ssyncset.done $0x0  }
0x14: {  	[sflag:s7] =	ssyncadd.s32 $0xFFFFFE00  }
0x15: {  	v3 =	vld [tilespmem:$0x0];
	_ =	sdelay $0x4  }
0x16: {  	v4 =	vshll.u32 v3, $0x2  }
0x17: {  	v3 =	vand.u32 $0x7, v3;
	v4 =	vand.u32 $0xFFFFFFE0, v4  }
0x18: {  	v3 =	vor.u32 v3, v4  }
0x19: {  	v4 =	vperm.xlane v3, v0;
	_ =	sdelay $0x1  }
0x1a: {  	v4 =	vadd.s32 v1, v4;
	_ =	sdelay $0x1  }
0x1b: {  	v3 =	vperm.xlane v3, v2;
	_ =	sdelay $0x1  }
0x1c: {  	v3 =	vadd.s32 v1, v3  }
0x1d: {  	[tilespmem:s29], [sflag:$0x1] =	stream.indirect_vreg.gather [hbm4b:s4+s2], $0x80, v4, vm0, $0xb8;
	[tilespmem:$0x10200] =	vst v63  }
0x1e: {  	s0 =	simm.s32 $0xA00  }
0x1f: {  	[tilespmem:s0], [sflag:$0x1] =	stream.indirect_vreg.gather [hbm4b:s5+s2], $0x80, v4, vm0, $0xb8;
	[tilespmem:$0x10200] =	vst v63  }
0x20: {  	s18 =	simm.s32 $0x1200  }
0x21: {  	[tilespmem:s18], [sflag:$0x1] =	stream.indirect_vreg.gather [hbm4b:s4+s2], $0x80, v3, vm0, $0xb8;
	[tilespmem:$0x10200] =	vst v63  }
0x22: {  	s19 =	simm.s32 $0x1A00  }
0x23: {  	[tilespmem:s19], [sflag:$0x1] =	stream.indirect_vreg.gather [hbm4b:s5+s2], $0x80, v3, vm0, $0xb8;
	[tilespmem:$0x10200] =	vst v63  }
0x24: {  	v3 =	vld [tilespmem:$0x10];
	_ =	sdelay $0x4  }
0x25: {  	v33 =	vshll.u32 v3, $0x2  }
0x26: {  	v3 =	vand.u32 $0x7, v3;
	v4 =	vand.u32 $0xFFFFFFE0, v33  }
0x27: {  	v3 =	vor.u32 v3, v4  }
0x28: {  	v4 =	vperm.xlane v3, v0;
	_ =	sdelay $0x1  }
0x29: {  	v4 =	vadd.s32 v1, v4;
	_ =	sdelay $0x1  }
0x2a: {  	v3 =	vperm.xlane v3, v2;
	_ =	sdelay $0x1  }
0x2b: {  	s20 =	simm.s32 $0x2200;
	v3 =	vadd.s32 v1, v3  }
0x2c: {  	[tilespmem:s20], [sflag:$0x1] =	stream.indirect_vreg.gather [hbm4b:s4+s2], $0x80, v4, vm0, $0xb8;
	[tilespmem:$0x10200] =	vst v63  }
0x2d: {  	s21 =	simm.s32 $0x2A00  }
0x2e: {  	[tilespmem:s21], [sflag:$0x1] =	stream.indirect_vreg.gather [hbm4b:s5+s2], $0x80, v4, vm0, $0xb8;
	[tilespmem:$0x10200] =	vst v63  }
0x2f: {  	s22 =	simm.s32 $0x3200  }
0x30: {  	[tilespmem:s22], [sflag:$0x1] =	stream.indirect_vreg.gather [hbm4b:s4+s2], $0x80, v3, vm0, $0xb8;
	[tilespmem:$0x10200] =	vst v63  }
0x31: {  	s23 =	simm.s32 $0x3A00  }
0x32: {  	[tilespmem:s23], [sflag:$0x1] =	stream.indirect_vreg.gather [hbm4b:s5+s2], $0x80, v3, vm0, $0xb8;
	[tilespmem:$0x10200] =	vst v63  }
0x33: {  	v3 =	vld [tilespmem:$0x20];
	_ =	sdelay $0x4  }
0x34: {  	v34 =	vshll.u32 v3, $0x2  }
0x35: {  	v3 =	vand.u32 $0x7, v3;
	v4 =	vand.u32 $0xFFFFFFE0, v34  }
0x36: {  	v3 =	vor.u32 v3, v4  }
0x37: {  	v4 =	vperm.xlane v3, v0;
	_ =	sdelay $0x1  }
0x38: {  	v4 =	vadd.s32 v1, v4;
	_ =	sdelay $0x1  }
0x39: {  	v3 =	vperm.xlane v3, v2;
	_ =	sdelay $0x1  }
0x3a: {  	s25 =	simm.s32 $0x4200;
	v3 =	vadd.s32 v1, v3  }
0x3b: {  	[tilespmem:s25], [sflag:$0x1] =	stream.indirect_vreg.gather [hbm4b:s4+s2], $0x80, v4, vm0, $0xb8;
	[tilespmem:$0x10200] =	vst v63  }
0x3c: {  	s26 =	simm.s32 $0x4A00  }
0x3d: {  	[tilespmem:s26], [sflag:$0x1] =	stream.indirect_vreg.gather [hbm4b:s5+s2], $0x80, v4, vm0, $0xb8;
	[tilespmem:$0x10200] =	vst v63  }
0x3e: {  	s28 =	simm.s32 $0x5200  }
0x3f: {  	[tilespmem:s28], [sflag:$0x1] =	stream.indirect_vreg.gather [hbm4b:s4+s2], $0x80, v3, vm0, $0xb8;
	[tilespmem:$0x10200] =	vst v63  }
0x40: {  	s30 =	simm.s32 $0x5A00  }
0x41: {  	[tilespmem:s30], [sflag:$0x1] =	stream.indirect_vreg.gather [hbm4b:s5+s2], $0x80, v3, vm0, $0xb8;
	[tilespmem:$0x10200] =	vst v63  }
0x42: {  	v3 =	vld [tilespmem:$0x30];
	_ =	sdelay $0x4  }
0x43: {  	v35 =	vshll.u32 v3, $0x2  }
0x44: {  	v3 =	vand.u32 $0x7, v3;
	v4 =	vand.u32 $0xFFFFFFE0, v35  }
0x45: {  	v3 =	vor.u32 v3, v4  }
0x46: {  	v4 =	vperm.xlane v3, v0;
	_ =	sdelay $0x1  }
0x47: {  	v4 =	vadd.s32 v1, v4;
	_ =	sdelay $0x1  }
0x48: {  	v3 =	vperm.xlane v3, v2;
	_ =	sdelay $0x1  }
0x49: {  	s31 =	simm.s32 $0x6200;
	v3 =	vadd.s32 v1, v3  }
0x4a: {  	[tilespmem:s31], [sflag:$0x1] =	stream.indirect_vreg.gather [hbm4b:s4+s2], $0x80, v4, vm0, $0xb8;
	[tilespmem:$0x10200] =	vst v63  }
0x4b: {  	s3 =	simm.s32 $0x6A00  }
0x4c: {  	[tilespmem:s3], [sflag:$0x1] =	stream.indirect_vreg.gather [hbm4b:s5+s2], $0x80, v4, vm0, $0xb8;
	[tilespmem:$0x10200] =	vst v63  }
0x4d: {  	s10 =	simm.s32 $0x7200  }
0x4e: {  	[tilespmem:s10], [sflag:$0x1] =	stream.indirect_vreg.gather [hbm4b:s4+s2], $0x80, v3, vm0, $0xb8;
	[tilespmem:$0x10200] =	vst v63  }
0x4f: {  	s17 =	simm.s32 $0x7A00  }
0x50: {  	[tilespmem:s17], [sflag:$0x1] =	stream.indirect_vreg.gather [hbm4b:s5+s2], $0x80, v3, vm0, $0xb8;
	[tilespmem:$0x10200] =	vst v63  }
0x51: {  	v3 =	vld [tilespmem:$0x40];
	_ =	sdelay $0x4  }
0x52: {  	v36 =	vshll.u32 v3, $0x2  }
0x53: {  	v3 =	vand.u32 $0x7, v3;
	v4 =	vand.u32 $0xFFFFFFE0, v36  }
0x54: {  	v3 =	vor.u32 v3, v4  }
0x55: {  	v4 =	vperm.xlane v3, v0;
	_ =	sdelay $0x1  }
0x56: {  	v4 =	vadd.s32 v1, v4;
	_ =	sdelay $0x1  }
0x57: {  	v3 =	vperm.xlane v3, v2;
	_ =	sdelay $0x1  }
0x58: {  	v3 =	vadd.s32 v1, v3  }
0x59: {  	[tilespmem:s24], [sflag:$0x2] =	stream.indirect_vreg.gather [hbm4b:s4+s2], $0x80, v4, vm0, $0xb8;
	[tilespmem:$0x10200] =	vst v63  }
0x5a: {  	s18 =	simm.s32 $0x8A00  }
0x5b: {  	[tilespmem:s18], [sflag:$0x2] =	stream.indirect_vreg.gather [hbm4b:s5+s2], $0x80, v4, vm0, $0xb8;
	[tilespmem:$0x10200] =	vst v63  }
0x5c: {  	s19 =	simm.s32 $0x9200  }
0x5d: {  	[tilespmem:s19], [sflag:$0x2] =	stream.indirect_vreg.gather [hbm4b:s4+s2], $0x80, v3, vm0, $0xb8;
	[tilespmem:$0x10200] =	vst v63  }
0x5e: {  	s20 =	simm.s32 $0x9A00  }
0x5f: {  	[tilespmem:s20], [sflag:$0x2] =	stream.indirect_vreg.gather [hbm4b:s5+s2], $0x80, v3, vm0, $0xb8;
	[tilespmem:$0x10200] =	vst v63  }
0x60: {  	v3 =	vld [tilespmem:$0x50];
	_ =	sdelay $0x4  }
0x61: {  	v37 =	vshll.u32 v3, $0x2  }
0x62: {  	v3 =	vand.u32 $0x7, v3;
	v4 =	vand.u32 $0xFFFFFFE0, v37  }
0x63: {  	v3 =	vor.u32 v3, v4  }
0x64: {  	v4 =	vperm.xlane v3, v0;
	_ =	sdelay $0x1  }
0x65: {  	v4 =	vadd.s32 v1, v4;
	_ =	sdelay $0x1  }
0x66: {  	v3 =	vperm.xlane v3, v2;
	_ =	sdelay $0x1  }
0x67: {  	s21 =	simm.s32 $0xA200;
	v3 =	vadd.s32 v1, v3  }
0x68: {  	[tilespmem:s21], [sflag:$0x2] =	stream.indirect_vreg.gather [hbm4b:s4+s2], $0x80, v4, vm0, $0xb8;
	[tilespmem:$0x10200] =	vst v63  }
0x69: {  	s22 =	simm.s32 $0xAA00  }
0x6a: {  	[tilespmem:s22], [sflag:$0x2] =	stream.indirect_vreg.gather [hbm4b:s5+s2], $0x80, v4, vm0, $0xb8;
	[tilespmem:$0x10200] =	vst v63  }
0x6b: {  	s23 =	simm.s32 $0xB200  }
0x6c: {  	[tilespmem:s23], [sflag:$0x2] =	stream.indirect_vreg.gather [hbm4b:s4+s2], $0x80, v3, vm0, $0xb8;
	[tilespmem:$0x10200] =	vst v63  }
0x6d: {  	s25 =	simm.s32 $0xBA00  }
0x6e: {  	[tilespmem:s25], [sflag:$0x2] =	stream.indirect_vreg.gather [hbm4b:s5+s2], $0x80, v3, vm0, $0xb8;
	[tilespmem:$0x10200] =	vst v63  }
0x6f: {  	v3 =	vld [tilespmem:$0x60];
	_ =	sdelay $0x4  }
0x70: {  	v38 =	vshll.u32 v3, $0x2  }
0x71: {  	v3 =	vand.u32 $0x7, v3;
	v4 =	vand.u32 $0xFFFFFFE0, v38  }
0x72: {  	v3 =	vor.u32 v3, v4  }
0x73: {  	v4 =	vperm.xlane v3, v0;
	_ =	sdelay $0x1  }
0x74: {  	v4 =	vadd.s32 v1, v4;
	_ =	sdelay $0x1  }
0x75: {  	v3 =	vperm.xlane v3, v2;
	_ =	sdelay $0x1  }
0x76: {  	s26 =	simm.s32 $0xC200;
	v3 =	vadd.s32 v1, v3  }
0x77: {  	[tilespmem:s26], [sflag:$0x2] =	stream.indirect_vreg.gather [hbm4b:s4+s2], $0x80, v4, vm0, $0xb8;
	[tilespmem:$0x10200] =	vst v63  }
0x78: {  	s30 =	simm.s32 $0xCA00  }
0x79: {  	[tilespmem:s30], [sflag:$0x2] =	stream.indirect_vreg.gather [hbm4b:s5+s2], $0x80, v4, vm0, $0xb8;
	[tilespmem:$0x10200] =	vst v63  }
0x7a: {  	s31 =	simm.s32 $0xD200  }
0x7b: {  	[tilespmem:s31], [sflag:$0x2] =	stream.indirect_vreg.gather [hbm4b:s4+s2], $0x80, v3, vm0, $0xb8;
	[tilespmem:$0x10200] =	vst v63  }
0x7c: {  	s0 =	simm.s32 $0xDA00  }
0x7d: {  	[tilespmem:s0], [sflag:$0x2] =	stream.indirect_vreg.gather [hbm4b:s5+s2], $0x80, v3, vm0, $0xb8;
	[tilespmem:$0x10200] =	vst v63  }
0x7e: {  	v3 =	vld [tilespmem:$0x70];
	_ =	sdelay $0x4  }
0x7f: {  	v39 =	vshll.u32 v3, $0x2  }
0x80: {  	v3 =	vand.u32 $0x7, v3;
	v4 =	vand.u32 $0xFFFFFFE0, v39  }
0x81: {  	v3 =	vor.u32 v3, v4  }
0x82: {  	v4 =	vperm.xlane v3, v0;
	_ =	sdelay $0x1  }
0x83: {  	v4 =	vadd.s32 v1, v4;
	_ =	sdelay $0x1  }
0x84: {  	v3 =	vperm.xlane v3, v2;
	_ =	sdelay $0x1  }
0x85: {  	s10 =	simm.s32 $0xE200;
	v3 =	vadd.s32 v1, v3  }
0x86: {  	[tilespmem:s10], [sflag:$0x2] =	stream.indirect_vreg.gather [hbm4b:s4+s2], $0x80, v4, vm0, $0xb8;
	[tilespmem:$0x10200] =	vst v63  }
0x87: {  	s18 =	simm.s32 $0xEA00  }
0x88: {  	[tilespmem:s18], [sflag:$0x2] =	stream.indirect_vreg.gather [hbm4b:s5+s2], $0x80, v4, vm0, $0xb8;
	[tilespmem:$0x10200] =	vst v63  }
0x89: {  	s19 =	simm.s32 $0xF200  }
0x8a: {  	[tilespmem:s19], [sflag:$0x2] =	stream.indirect_vreg.gather [hbm4b:s4+s2], $0x80, v3, vm0, $0xb8;
	[tilespmem:$0x10200] =	vst v63  }
0x8b: {  	s21 =	simm.s32 $0xFA00  }
0x8c: {  	[tilespmem:s21], [sflag:$0x2] =	stream.indirect_vreg.gather [hbm4b:s5+s2], $0x80, v3, vm0, $0xb8;
	[tilespmem:$0x10200] =	vst v63  }
0x8d: {  	_ =	swait.ge [sflag:s15], $0x8000  }
0x8e: {  	[sflag:s15] =	ssyncset.done $0x0  }
0x8f: {  	s0 =	rddreg [dreg:$0xb];
	[sflag:s15] =	ssyncadd.s32 $0xFFFF8000  }
0x90: {  	[hbm4b:s0+s2] =	stream.linear.scatter [tilespmem:s29], [sflag:$0x3], $0x8000, $0x38;
	[tilespmem:$0x10200] =	vst v63  }
0x91: {  	_ =	swait.ge [sflag:s7], $0x8000  }
0x92: {  	[sflag:s7] =	ssyncset.done $0x0  }
0x93: {  	[sflag:s7] =	ssyncadd.s32 $0xFFFF8000  }
0x94: {  	v3 =	vld [tilespmem:$0x80];
	_ =	sdelay $0x4  }
0x95: {  	v40 =	vshll.u32 v3, $0x2  }
0x96: {  	v3 =	vand.u32 $0x7, v3;
	v4 =	vand.u32 $0xFFFFFFE0, v40  }
0x97: {  	v3 =	vor.u32 v3, v4  }
0x98: {  	v4 =	vperm.xlane v3, v0;
	_ =	sdelay $0x1  }
0x99: {  	v4 =	vadd.s32 v1, v4;
	_ =	sdelay $0x1  }
0x9a: {  	v3 =	vperm.xlane v3, v2;
	_ =	sdelay $0x1  }
0x9b: {  	v3 =	vadd.s32 v1, v3  }
0x9c: {  	[tilespmem:s29], [sflag:$0x1] =	stream.indirect_vreg.gather [hbm4b:s4+s2], $0x80, v4, vm0, $0xb8;
	[tilespmem:$0x10200] =	vst v63  }
0x9d: {  	s1 =	simm.s32 $0xA00  }
0x9e: {  	[tilespmem:s1], [sflag:$0x1] =	stream.indirect_vreg.gather [hbm4b:s5+s2], $0x80, v4, vm0, $0xb8;
	[tilespmem:$0x10200] =	vst v63  }
0x9f: {  	s8 =	simm.s32 $0x1200  }
0xa0: {  	[tilespmem:s8], [sflag:$0x1] =	stream.indirect_vreg.gather [hbm4b:s4+s2], $0x80, v3, vm0, $0xb8;
	[tilespmem:$0x10200] =	vst v63  }
0xa1: {  	s9 =	simm.s32 $0x1A00  }
0xa2: {  	[tilespmem:s9], [sflag:$0x1] =	stream.indirect_vreg.gather [hbm4b:s5+s2], $0x80, v3, vm0, $0xb8;
	[tilespmem:$0x10200] =	vst v63  }
0xa3: {  	v3 =	vld [tilespmem:$0x90];
	_ =	sdelay $0x4  }
0xa4: {  	v41 =	vshll.u32 v3, $0x2  }
0xa5: {  	v3 =	vand.u32 $0x7, v3;
	v4 =	vand.u32 $0xFFFFFFE0, v41  }
0xa6: {  	v3 =	vor.u32 v3, v4  }
0xa7: {  	v4 =	vperm.xlane v3, v0;
	_ =	sdelay $0x1  }
0xa8: {  	v4 =	vadd.s32 v1, v4;
	_ =	sdelay $0x1  }
0xa9: {  	v3 =	vperm.xlane v3, v2;
	_ =	sdelay $0x1  }
0xaa: {  	s9 =	simm.s32 $0x2200;
	v3 =	vadd.s32 v1, v3  }
0xab: {  	[tilespmem:s9], [sflag:$0x1] =	stream.indirect_vreg.gather [hbm4b:s4+s2], $0x80, v4, vm0, $0xb8;
	[tilespmem:$0x10200] =	vst v63  }
0xac: {  	s10 =	simm.s32 $0x2A00  }
0xad: {  	[tilespmem:s10], [sflag:$0x1] =	stream.indirect_vreg.gather [hbm4b:s5+s2], $0x80, v4, vm0, $0xb8;
	[tilespmem:$0x10200] =	vst v63  }
0xae: {  	s11 =	simm.s32 $0x3200  }
0xaf: {  	[tilespmem:s11], [sflag:$0x1] =	stream.indirect_vreg.gather [hbm4b:s4+s2], $0x80, v3, vm0, $0xb8;
	[tilespmem:$0x10200] =	vst v63  }
0xb0: {  	s13 =	simm.s32 $0x3A00  }
0xb1: {  	[tilespmem:s13], [sflag:$0x1] =	stream.indirect_vreg.gather [hbm4b:s5+s2], $0x80, v3, vm0, $0xb8;
	[tilespmem:$0x10200] =	vst v63  }
0xb2: {  	v3 =	vld [tilespmem:$0xA0];
	_ =	sdelay $0x4  }
0xb3: {  	v42 =	vshll.u32 v3, $0x2  }
0xb4: {  	v3 =	vand.u32 $0x7, v3;
	v4 =	vand.u32 $0xFFFFFFE0, v42  }
0xb5: {  	v3 =	vor.u32 v3, v4  }
0xb6: {  	v4 =	vperm.xlane v3, v0;
	_ =	sdelay $0x1  }
0xb7: {  	v4 =	vadd.s32 v1, v4;
	_ =	sdelay $0x1  }
0xb8: {  	v3 =	vperm.xlane v3, v2;
	_ =	sdelay $0x1  }
0xb9: {  	s12 =	simm.s32 $0x4200;
	v3 =	vadd.s32 v1, v3  }
0xba: {  	[tilespmem:s12], [sflag:$0x1] =	stream.indirect_vreg.gather [hbm4b:s4+s2], $0x80, v4, vm0, $0xb8;
	[tilespmem:$0x10200] =	vst v63  }
0xbb: {  	s18 =	simm.s32 $0x4A00  }
0xbc: {  	[tilespmem:s18], [sflag:$0x1] =	stream.indirect_vreg.gather [hbm4b:s5+s2], $0x80, v4, vm0, $0xb8;
	[tilespmem:$0x10200] =	vst v63  }
0xbd: {  	s13 =	simm.s32 $0x5200  }
0xbe: {  	[tilespmem:s13], [sflag:$0x1] =	stream.indirect_vreg.gather [hbm4b:s4+s2], $0x80, v3, vm0, $0xb8;
	[tilespmem:$0x10200] =	vst v63  }
0xbf: {  	s19 =	simm.s32 $0x5A00  }
0xc0: {  	[tilespmem:s19], [sflag:$0x1] =	stream.indirect_vreg.gather [hbm4b:s5+s2], $0x80, v3, vm0, $0xb8;
	[tilespmem:$0x10200] =	vst v63  }
0xc1: {  	v3 =	vld [tilespmem:$0xB0];
	_ =	sdelay $0x4  }
0xc2: {  	v43 =	vshll.u32 v3, $0x2  }
0xc3: {  	v3 =	vand.u32 $0x7, v3;
	v4 =	vand.u32 $0xFFFFFFE0, v43  }
0xc4: {  	v3 =	vor.u32 v3, v4  }
0xc5: {  	v4 =	vperm.xlane v3, v0;
	_ =	sdelay $0x1  }
0xc6: {  	v4 =	vadd.s32 v1, v4;
	_ =	sdelay $0x1  }
0xc7: {  	v3 =	vperm.xlane v3, v2;
	_ =	sdelay $0x1  }
0xc8: {  	s14 =	simm.s32 $0x6200;
	v3 =	vadd.s32 v1, v3  }
0xc9: {  	[tilespmem:s14], [sflag:$0x1] =	stream.indirect_vreg.gather [hbm4b:s4+s2], $0x80, v4, vm0, $0xb8;
	[tilespmem:$0x10200] =	vst v63  }
0xca: {  	s11 =	simm.s32 $0x6A00  }
0xcb: {  	[tilespmem:s11], [sflag:$0x1] =	stream.indirect_vreg.gather [hbm4b:s5+s2], $0x80, v4, vm0, $0xb8;
	[tilespmem:$0x10200] =	vst v63  }
0xcc: {  	s12 =	simm.s32 $0x7200  }
0xcd: {  	[tilespmem:s12], [sflag:$0x1] =	stream.indirect_vreg.gather [hbm4b:s4+s2], $0x80, v3, vm0, $0xb8;
	[tilespmem:$0x10200] =	vst v63  }
0xce: {  	s14 =	simm.s32 $0x7A00  }
0xcf: {  	[tilespmem:s14], [sflag:$0x1] =	stream.indirect_vreg.gather [hbm4b:s5+s2], $0x80, v3, vm0, $0xb8;
	[tilespmem:$0x10200] =	vst v63  }
0xd0: {  	_ =	swait.ge [sflag:s16], $0x8000  }
0xd1: {  	[sflag:s16] =	ssyncset.done $0x0  }
0xd2: {  	s8 =	rddreg [dreg:$0x4];
	[sflag:s16] =	ssyncadd.s32 $0xFFFF8000  }
0xd3: {  	[hbm4b:s8+s2] =	stream.linear.scatter [tilespmem:s24], [sflag:$0x3], $0x8000, $0x38;
	[tilespmem:$0x10200] =	vst v63  }
0xd4: {  	_ =	swait.ge [sflag:s7], $0x8000  }
0xd5: {  	[sflag:s7] =	ssyncset.done $0x0  }
0xd6: {  	[sflag:s7] =	ssyncadd.s32 $0xFFFF8000  }
0xd7: {  	v3 =	vld [tilespmem:$0xC0];
	_ =	sdelay $0x4  }
0xd8: {  	v44 =	vshll.u32 v3, $0x2  }
0xd9: {  	v3 =	vand.u32 $0x7, v3;
	v4 =	vand.u32 $0xFFFFFFE0, v44  }
0xda: {  	v3 =	vor.u32 v3, v4  }
0xdb: {  	v4 =	vperm.xlane v3, v0;
	_ =	sdelay $0x1  }
0xdc: {  	v4 =	vadd.s32 v1, v4;
	_ =	sdelay $0x1  }
0xdd: {  	v3 =	vperm.xlane v3, v2;
	_ =	sdelay $0x1  }
0xde: {  	v3 =	vadd.s32 v1, v3  }
0xdf: {  	[tilespmem:s24], [sflag:$0x2] =	stream.indirect_vreg.gather [hbm4b:s4+s2], $0x80, v4, vm0, $0xb8;
	[tilespmem:$0x10200] =	vst v63  }
0xe0: {  	s0 =	simm.s32 $0x8A00  }
0xe1: {  	[tilespmem:s0], [sflag:$0x2] =	stream.indirect_vreg.gather [hbm4b:s5+s2], $0x80, v4, vm0, $0xb8;
	[tilespmem:$0x10200] =	vst v63  }
0xe2: {  	s1 =	simm.s32 $0x9200  }
0xe3: {  	[tilespmem:s1], [sflag:$0x2] =	stream.indirect_vreg.gather [hbm4b:s4+s2], $0x80, v3, vm0, $0xb8;
	[tilespmem:$0x10200] =	vst v63  }
0xe4: {  	s3 =	simm.s32 $0x9A00  }
0xe5: {  	[tilespmem:s3], [sflag:$0x2] =	stream.indirect_vreg.gather [hbm4b:s5+s2], $0x80, v3, vm0, $0xb8;
	[tilespmem:$0x10200] =	vst v63  }
0xe6: {  	v3 =	vld [tilespmem:$0xD0];
	_ =	sdelay $0x4  }
0xe7: {  	v45 =	vshll.u32 v3, $0x2  }
0xe8: {  	v3 =	vand.u32 $0x7, v3;
	v4 =	vand.u32 $0xFFFFFFE0, v45  }
0xe9: {  	v3 =	vor.u32 v3, v4  }
0xea: {  	v4 =	vperm.xlane v3, v0;
	_ =	sdelay $0x1  }
0xeb: {  	v4 =	vadd.s32 v1, v4;
	_ =	sdelay $0x1  }
0xec: {  	v3 =	vperm.xlane v3, v2;
	_ =	sdelay $0x1  }
0xed: {  	s3 =	simm.s32 $0xA200;
	v3 =	vadd.s32 v1, v3  }
0xee: {  	[tilespmem:s3], [sflag:$0x2] =	stream.indirect_vreg.gather [hbm4b:s4+s2], $0x80, v4, vm0, $0xb8;
	[tilespmem:$0x10200] =	vst v63  }
0xef: {  	s8 =	simm.s32 $0xAA00  }
0xf0: {  	[tilespmem:s8], [sflag:$0x2] =	stream.indirect_vreg.gather [hbm4b:s5+s2], $0x80, v4, vm0, $0xb8;
	[tilespmem:$0x10200] =	vst v63  }
0xf1: {  	s28 =	simm.s32 $0xB200  }
0xf2: {  	[tilespmem:s28], [sflag:$0x2] =	stream.indirect_vreg.gather [hbm4b:s4+s2], $0x80, v3, vm0, $0xb8;
	[tilespmem:$0x10200] =	vst v63  }
0xf3: {  	s22 =	simm.s32 $0xBA00  }
0xf4: {  	[tilespmem:s22], [sflag:$0x2] =	stream.indirect_vreg.gather [hbm4b:s5+s2], $0x80, v3, vm0, $0xb8;
	[tilespmem:$0x10200] =	vst v63  }
0xf5: {  	v3 =	vld [tilespmem:$0xE0];
	_ =	sdelay $0x4  }
0xf6: {  	v46 =	vshll.u32 v3, $0x2  }
0xf7: {  	v3 =	vand.u32 $0x7, v3;
	v4 =	vand.u32 $0xFFFFFFE0, v46  }
0xf8: {  	v3 =	vor.u32 v3, v4  }
0xf9: {  	v4 =	vperm.xlane v3, v0;
	_ =	sdelay $0x1  }
0xfa: {  	v4 =	vadd.s32 v1, v4;
	_ =	sdelay $0x1  }
0xfb: {  	v3 =	vperm.xlane v3, v2;
	_ =	sdelay $0x1  }
0xfc: {  	s23 =	simm.s32 $0xC200;
	v3 =	vadd.s32 v1, v3  }
0xfd: {  	[tilespmem:s23], [sflag:$0x2] =	stream.indirect_vreg.gather [hbm4b:s4+s2], $0x80, v4, vm0, $0xb8;
	[tilespmem:$0x10200] =	vst v63  }
0xfe: {  	s25 =	simm.s32 $0xCA00  }
0xff: {  	[tilespmem:s25], [sflag:$0x2] =	stream.indirect_vreg.gather [hbm4b:s5+s2], $0x80, v4, vm0, $0xb8;
	[tilespmem:$0x10200] =	vst v63  }
0x100: {  	s26 =	simm.s32 $0xD200  }
0x101: {  	[tilespmem:s26], [sflag:$0x2] =	stream.indirect_vreg.gather [hbm4b:s4+s2], $0x80, v3, vm0, $0xb8;
	[tilespmem:$0x10200] =	vst v63  }
0x102: {  	s20 =	simm.s32 $0xDA00  }
0x103: {  	[tilespmem:s20], [sflag:$0x2] =	stream.indirect_vreg.gather [hbm4b:s5+s2], $0x80, v3, vm0, $0xb8;
	[tilespmem:$0x10200] =	vst v63  }
0x104: {  	v3 =	vld [tilespmem:$0xF0];
	_ =	sdelay $0x4  }
0x105: {  	v47 =	vshll.u32 v3, $0x2  }
0x106: {  	v3 =	vand.u32 $0x7, v3;
	v4 =	vand.u32 $0xFFFFFFE0, v47  }
0x107: {  	v3 =	vor.u32 v3, v4  }
0x108: {  	v4 =	vperm.xlane v3, v0;
	_ =	sdelay $0x1  }
0x109: {  	v4 =	vadd.s32 v1, v4;
	_ =	sdelay $0x1  }
0x10a: {  	v3 =	vperm.xlane v3, v2;
	_ =	sdelay $0x1  }
0x10b: {  	s30 =	simm.s32 $0xE200;
	v3 =	vadd.s32 v1, v3  }
0x10c: {  	[tilespmem:s30], [sflag:$0x2] =	stream.indirect_vreg.gather [hbm4b:s4+s2], $0x80, v4, vm0, $0xb8;
	[tilespmem:$0x10200] =	vst v63  }
0x10d: {  	s31 =	simm.s32 $0xEA00  }
0x10e: {  	[tilespmem:s31], [sflag:$0x2] =	stream.indirect_vreg.gather [hbm4b:s5+s2], $0x80, v4, vm0, $0xb8;
	[tilespmem:$0x10200] =	vst v63  }
0x10f: {  	s31 =	simm.s32 $0xF200  }
0x110: {  	[tilespmem:s31], [sflag:$0x2] =	stream.indirect_vreg.gather [hbm4b:s4+s2], $0x80, v3, vm0, $0xb8;
	[tilespmem:$0x10200] =	vst v63  }
0x111: {  	s21 =	simm.s32 $0xFA00  }
0x112: {  	[tilespmem:s21], [sflag:$0x2] =	stream.indirect_vreg.gather [hbm4b:s5+s2], $0x80, v3, vm0, $0xb8;
	[tilespmem:$0x10200] =	vst v63  }
0x113: {  	_ =	swait.ge [sflag:s15], $0x8000  }
0x114: {  	[sflag:s15] =	ssyncset.done $0x0  }
0x115: {  	s20 =	rddreg [dreg:$0x5];
	[sflag:s15] =	ssyncadd.s32 $0xFFFF8000  }
0x116: {  	[hbm4b:s20+s2] =	stream.linear.scatter [tilespmem:s29], [sflag:$0x3], $0x8000, $0x38;
	[tilespmem:$0x10200] =	vst v63  }
0x117: {  	_ =	swait.ge [sflag:s7], $0x8000  }
0x118: {  	[sflag:s7] =	ssyncset.done $0x0  }
0x119: {  	[sflag:s7] =	ssyncadd.s32 $0xFFFF8000  }
0x11a: {  	v3 =	vld [tilespmem:$0x100];
	_ =	sdelay $0x4  }
0x11b: {  	v48 =	vshll.u32 v3, $0x2  }
0x11c: {  	v3 =	vand.u32 $0x7, v3;
	v4 =	vand.u32 $0xFFFFFFE0, v48  }
0x11d: {  	v3 =	vor.u32 v3, v4  }
0x11e: {  	v4 =	vperm.xlane v3, v0;
	_ =	sdelay $0x1  }
0x11f: {  	v4 =	vadd.s32 v1, v4;
	_ =	sdelay $0x1  }
0x120: {  	v3 =	vperm.xlane v3, v2;
	_ =	sdelay $0x1  }
0x121: {  	v3 =	vadd.s32 v1, v3  }
0x122: {  	[tilespmem:s29], [sflag:$0x1] =	stream.indirect_vreg.gather [hbm4b:s4+s2], $0x80, v4, vm0, $0xb8;
	[tilespmem:$0x10200] =	vst v63  }
0x123: {  	s21 =	simm.s32 $0xA00  }
0x124: {  	[tilespmem:s21], [sflag:$0x1] =	stream.indirect_vreg.gather [hbm4b:s5+s2], $0x80, v4, vm0, $0xb8;
	[tilespmem:$0x10200] =	vst v63  }
0x125: {  	s30 =	simm.s32 $0x1200  }
0x126: {  	[tilespmem:s30], [sflag:$0x1] =	stream.indirect_vreg.gather [hbm4b:s4+s2], $0x80, v3, vm0, $0xb8;
	[tilespmem:$0x10200] =	vst v63  }
0x127: {  	s20 =	simm.s32 $0x1A00  }
0x128: {  	[tilespmem:s20], [sflag:$0x1] =	stream.indirect_vreg.gather [hbm4b:s5+s2], $0x80, v3, vm0, $0xb8;
	[tilespmem:$0x10200] =	vst v63  }
0x129: {  	v3 =	vld [tilespmem:$0x110];
	_ =	sdelay $0x4  }
0x12a: {  	v49 =	vshll.u32 v3, $0x2  }
0x12b: {  	v3 =	vand.u32 $0x7, v3;
	v4 =	vand.u32 $0xFFFFFFE0, v49  }
0x12c: {  	v3 =	vor.u32 v3, v4  }
0x12d: {  	v4 =	vperm.xlane v3, v0;
	_ =	sdelay $0x1  }
0x12e: {  	v4 =	vadd.s32 v1, v4;
	_ =	sdelay $0x1  }
0x12f: {  	v3 =	vperm.xlane v3, v2;
	_ =	sdelay $0x1  }
0x130: {  	v3 =	vadd.s32 v1, v3  }
0x131: {  	[tilespmem:s9], [sflag:$0x1] =	stream.indirect_vreg.gather [hbm4b:s4+s2], $0x80, v4, vm0, $0xb8;
	[tilespmem:$0x10200] =	vst v63  }
0x132: {  	_ = 	snop  }
0x133: {  	[tilespmem:s10], [sflag:$0x1] =	stream.indirect_vreg.gather [hbm4b:s5+s2], $0x80, v4, vm0, $0xb8;
	[tilespmem:$0x10200] =	vst v63  }
0x134: {  	s21 =	simm.s32 $0x3200  }
0x135: {  	[tilespmem:s21], [sflag:$0x1] =	stream.indirect_vreg.gather [hbm4b:s4+s2], $0x80, v3, vm0, $0xb8;
	[tilespmem:$0x10200] =	vst v63  }
0x136: {  	s30 =	simm.s32 $0x3A00  }
0x137: {  	[tilespmem:s30], [sflag:$0x1] =	stream.indirect_vreg.gather [hbm4b:s5+s2], $0x80, v3, vm0, $0xb8;
	[tilespmem:$0x10200] =	vst v63  }
0x138: {  	v3 =	vld [tilespmem:$0x120];
	_ =	sdelay $0x4  }
0x139: {  	v50 =	vshll.u32 v3, $0x2  }
0x13a: {  	v3 =	vand.u32 $0x7, v3;
	v4 =	vand.u32 $0xFFFFFFE0, v50  }
0x13b: {  	v3 =	vor.u32 v3, v4  }
0x13c: {  	v4 =	vperm.xlane v3, v0;
	_ =	sdelay $0x1  }
0x13d: {  	v4 =	vadd.s32 v1, v4;
	_ =	sdelay $0x1  }
0x13e: {  	v3 =	vperm.xlane v3, v2;
	_ =	sdelay $0x1  }
0x13f: {  	s20 =	simm.s32 $0x4200;
	v3 =	vadd.s32 v1, v3  }
0x140: {  	[tilespmem:s20], [sflag:$0x1] =	stream.indirect_vreg.gather [hbm4b:s4+s2], $0x80, v4, vm0, $0xb8;
	[tilespmem:$0x10200] =	vst v63  }
0x141: {  	_ = 	snop  }
0x142: {  	[tilespmem:s18], [sflag:$0x1] =	stream.indirect_vreg.gather [hbm4b:s5+s2], $0x80, v4, vm0, $0xb8;
	[tilespmem:$0x10200] =	vst v63  }
0x143: {  	_ = 	snop  }
0x144: {  	[tilespmem:s13], [sflag:$0x1] =	stream.indirect_vreg.gather [hbm4b:s4+s2], $0x80, v3, vm0, $0xb8;
	[tilespmem:$0x10200] =	vst v63  }
0x145: {  	_ = 	snop  }
0x146: {  	[tilespmem:s19], [sflag:$0x1] =	stream.indirect_vreg.gather [hbm4b:s5+s2], $0x80, v3, vm0, $0xb8;
	[tilespmem:$0x10200] =	vst v63  }
0x147: {  	v3 =	vld [tilespmem:$0x130];
	_ =	sdelay $0x4  }
0x148: {  	v51 =	vshll.u32 v3, $0x2  }
0x149: {  	v3 =	vand.u32 $0x7, v3;
	v4 =	vand.u32 $0xFFFFFFE0, v51  }
0x14a: {  	v3 =	vor.u32 v3, v4  }
0x14b: {  	v4 =	vperm.xlane v3, v0;
	_ =	sdelay $0x1  }
0x14c: {  	v4 =	vadd.s32 v1, v4;
	_ =	sdelay $0x1  }
0x14d: {  	v3 =	vperm.xlane v3, v2;
	_ =	sdelay $0x1  }
0x14e: {  	s21 =	simm.s32 $0x6200;
	v3 =	vadd.s32 v1, v3  }
0x14f: {  	[tilespmem:s21], [sflag:$0x1] =	stream.indirect_vreg.gather [hbm4b:s4+s2], $0x80, v4, vm0, $0xb8;
	[tilespmem:$0x10200] =	vst v63  }
0x150: {  	_ = 	snop  }
0x151: {  	[tilespmem:s11], [sflag:$0x1] =	stream.indirect_vreg.gather [hbm4b:s5+s2], $0x80, v4, vm0, $0xb8;
	[tilespmem:$0x10200] =	vst v63  }
0x152: {  	_ = 	snop  }
0x153: {  	[tilespmem:s12], [sflag:$0x1] =	stream.indirect_vreg.gather [hbm4b:s4+s2], $0x80, v3, vm0, $0xb8;
	[tilespmem:$0x10200] =	vst v63  }
0x154: {  	_ = 	snop  }
0x155: {  	[tilespmem:s14], [sflag:$0x1] =	stream.indirect_vreg.gather [hbm4b:s5+s2], $0x80, v3, vm0, $0xb8;
	[tilespmem:$0x10200] =	vst v63  }
0x156: {  	_ =	swait.ge [sflag:s16], $0x8000  }
0x157: {  	[sflag:s16] =	ssyncset.done $0x0  }
0x158: {  	s30 =	rddreg [dreg:$0x6];
	[sflag:s16] =	ssyncadd.s32 $0xFFFF8000  }
0x159: {  	[hbm4b:s30+s2] =	stream.linear.scatter [tilespmem:s24], [sflag:$0x3], $0x8000, $0x38;
	[tilespmem:$0x10200] =	vst v63  }
0x15a: {  	_ =	swait.ge [sflag:s7], $0x8000  }
0x15b: {  	[sflag:s7] =	ssyncset.done $0x0  }
0x15c: {  	[sflag:s7] =	ssyncadd.s32 $0xFFFF8000  }
0x15d: {  	v3 =	vld [tilespmem:$0x140];
	_ =	sdelay $0x4  }
0x15e: {  	v52 =	vshll.u32 v3, $0x2  }
0x15f: {  	v3 =	vand.u32 $0x7, v3;
	v4 =	vand.u32 $0xFFFFFFE0, v52  }
0x160: {  	v3 =	vor.u32 v3, v4  }
0x161: {  	v4 =	vperm.xlane v3, v0;
	_ =	sdelay $0x1  }
0x162: {  	v4 =	vadd.s32 v1, v4;
	_ =	sdelay $0x1  }
0x163: {  	v3 =	vperm.xlane v3, v2;
	_ =	sdelay $0x1  }
0x164: {  	v3 =	vadd.s32 v1, v3  }
0x165: {  	[tilespmem:s24], [sflag:$0x2] =	stream.indirect_vreg.gather [hbm4b:s4+s2], $0x80, v4, vm0, $0xb8;
	[tilespmem:$0x10200] =	vst v63  }
0x166: {  	_ = 	snop  }
0x167: {  	[tilespmem:s0], [sflag:$0x2] =	stream.indirect_vreg.gather [hbm4b:s5+s2], $0x80, v4, vm0, $0xb8;
	[tilespmem:$0x10200] =	vst v63  }
0x168: {  	_ = 	snop  }
0x169: {  	[tilespmem:s1], [sflag:$0x2] =	stream.indirect_vreg.gather [hbm4b:s4+s2], $0x80, v3, vm0, $0xb8;
	[tilespmem:$0x10200] =	vst v63  }
0x16a: {  	s20 =	simm.s32 $0x9A00  }
0x16b: {  	[tilespmem:s20], [sflag:$0x2] =	stream.indirect_vreg.gather [hbm4b:s5+s2], $0x80, v3, vm0, $0xb8;
	[tilespmem:$0x10200] =	vst v63  }
0x16c: {  	v3 =	vld [tilespmem:$0x150];
	_ =	sdelay $0x4  }
0x16d: {  	v53 =	vshll.u32 v3, $0x2  }
0x16e: {  	v3 =	vand.u32 $0x7, v3;
	v4 =	vand.u32 $0xFFFFFFE0, v53  }
0x16f: {  	v3 =	vor.u32 v3, v4  }
0x170: {  	v4 =	vperm.xlane v3, v0;
	_ =	sdelay $0x1  }
0x171: {  	v4 =	vadd.s32 v1, v4;
	_ =	sdelay $0x1  }
0x172: {  	v3 =	vperm.xlane v3, v2;
	_ =	sdelay $0x1  }
0x173: {  	v3 =	vadd.s32 v1, v3  }
0x174: {  	[tilespmem:s3], [sflag:$0x2] =	stream.indirect_vreg.gather [hbm4b:s4+s2], $0x80, v4, vm0, $0xb8;
	[tilespmem:$0x10200] =	vst v63  }
0x175: {  	_ = 	snop  }
0x176: {  	[tilespmem:s8], [sflag:$0x2] =	stream.indirect_vreg.gather [hbm4b:s5+s2], $0x80, v4, vm0, $0xb8;
	[tilespmem:$0x10200] =	vst v63  }
0x177: {  	s28 =	simm.s32 $0xB200  }
0x178: {  	[tilespmem:s28], [sflag:$0x2] =	stream.indirect_vreg.gather [hbm4b:s4+s2], $0x80, v3, vm0, $0xb8;
	[tilespmem:$0x10200] =	vst v63  }
0x179: {  	s30 =	simm.s32 $0xBA00  }
0x17a: {  	[tilespmem:s30], [sflag:$0x2] =	stream.indirect_vreg.gather [hbm4b:s5+s2], $0x80, v3, vm0, $0xb8;
	[tilespmem:$0x10200] =	vst v63  }
0x17b: {  	v3 =	vld [tilespmem:$0x160];
	_ =	sdelay $0x4  }
0x17c: {  	v54 =	vshll.u32 v3, $0x2  }
0x17d: {  	v3 =	vand.u32 $0x7, v3;
	v4 =	vand.u32 $0xFFFFFFE0, v54  }
0x17e: {  	v3 =	vor.u32 v3, v4  }
0x17f: {  	v4 =	vperm.xlane v3, v0;
	_ =	sdelay $0x1  }
0x180: {  	v4 =	vadd.s32 v1, v4;
	_ =	sdelay $0x1  }
0x181: {  	v3 =	vperm.xlane v3, v2;
	_ =	sdelay $0x1  }
0x182: {  	s22 =	simm.s32 $0xC200;
	v3 =	vadd.s32 v1, v3  }
0x183: {  	[tilespmem:s22], [sflag:$0x2] =	stream.indirect_vreg.gather [hbm4b:s4+s2], $0x80, v4, vm0, $0xb8;
	[tilespmem:$0x10200] =	vst v63  }
0x184: {  	s23 =	simm.s32 $0xCA00  }
0x185: {  	[tilespmem:s23], [sflag:$0x2] =	stream.indirect_vreg.gather [hbm4b:s5+s2], $0x80, v4, vm0, $0xb8;
	[tilespmem:$0x10200] =	vst v63  }
0x186: {  	s26 =	simm.s32 $0xD200  }
0x187: {  	[tilespmem:s26], [sflag:$0x2] =	stream.indirect_vreg.gather [hbm4b:s4+s2], $0x80, v3, vm0, $0xb8;
	[tilespmem:$0x10200] =	vst v63  }
0x188: {  	s23 =	simm.s32 $0xDA00  }
0x189: {  	[tilespmem:s23], [sflag:$0x2] =	stream.indirect_vreg.gather [hbm4b:s5+s2], $0x80, v3, vm0, $0xb8;
	[tilespmem:$0x10200] =	vst v63  }
0x18a: {  	v3 =	vld [tilespmem:$0x170];
	_ =	sdelay $0x4  }
0x18b: {  	v55 =	vshll.u32 v3, $0x2  }
0x18c: {  	v3 =	vand.u32 $0x7, v3;
	v4 =	vand.u32 $0xFFFFFFE0, v55  }
0x18d: {  	v3 =	vor.u32 v3, v4  }
0x18e: {  	v4 =	vperm.xlane v3, v0;
	_ =	sdelay $0x1  }
0x18f: {  	v4 =	vadd.s32 v1, v4;
	_ =	sdelay $0x1  }
0x190: {  	v3 =	vperm.xlane v3, v2;
	_ =	sdelay $0x1  }
0x191: {  	s26 =	simm.s32 $0xE200;
	v3 =	vadd.s32 v1, v3  }
0x192: {  	[tilespmem:s26], [sflag:$0x2] =	stream.indirect_vreg.gather [hbm4b:s4+s2], $0x80, v4, vm0, $0xb8;
	[tilespmem:$0x10200] =	vst v63  }
0x193: {  	s25 =	simm.s32 $0xEA00  }
0x194: {  	[tilespmem:s25], [sflag:$0x2] =	stream.indirect_vreg.gather [hbm4b:s5+s2], $0x80, v4, vm0, $0xb8;
	[tilespmem:$0x10200] =	vst v63  }
0x195: {  	s31 =	simm.s32 $0xF200  }
0x196: {  	[tilespmem:s31], [sflag:$0x2] =	stream.indirect_vreg.gather [hbm4b:s4+s2], $0x80, v3, vm0, $0xb8;
	[tilespmem:$0x10200] =	vst v63  }
0x197: {  	s31 =	simm.s32 $0xFA00  }
0x198: {  	[tilespmem:s31], [sflag:$0x2] =	stream.indirect_vreg.gather [hbm4b:s5+s2], $0x80, v3, vm0, $0xb8;
	[tilespmem:$0x10200] =	vst v63  }
0x199: {  	_ =	swait.ge [sflag:s15], $0x8000  }
0x19a: {  	[sflag:s15] =	ssyncset.done $0x0  }
0x19b: {  	s17 =	rddreg [dreg:$0x7];
	[sflag:s15] =	ssyncadd.s32 $0xFFFF8000  }
0x19c: {  	[hbm4b:s17+s2] =	stream.linear.scatter [tilespmem:s29], [sflag:$0x3], $0x8000, $0x38;
	[tilespmem:$0x10200] =	vst v63  }
0x19d: {  	_ =	swait.ge [sflag:s7], $0x8000  }
0x19e: {  	[sflag:s7] =	ssyncset.done $0x0  }
0x19f: {  	[sflag:s7] =	ssyncadd.s32 $0xFFFF8000  }
0x1a0: {  	v3 =	vld [tilespmem:$0x180];
	_ =	sdelay $0x4  }
0x1a1: {  	v56 =	vshll.u32 v3, $0x2  }
0x1a2: {  	v3 =	vand.u32 $0x7, v3;
	v4 =	vand.u32 $0xFFFFFFE0, v56  }
0x1a3: {  	v3 =	vor.u32 v3, v4  }
0x1a4: {  	v4 =	vperm.xlane v3, v0;
	_ =	sdelay $0x1  }
0x1a5: {  	v4 =	vadd.s32 v1, v4;
	_ =	sdelay $0x1  }
0x1a6: {  	v3 =	vperm.xlane v3, v2;
	_ =	sdelay $0x1  }
0x1a7: {  	v3 =	vadd.s32 v1, v3  }
0x1a8: {  	[tilespmem:s29], [sflag:$0x1] =	stream.indirect_vreg.gather [hbm4b:s4+s2], $0x80, v4, vm0, $0xb8;
	[tilespmem:$0x10200] =	vst v63  }
0x1a9: {  	s17 =	simm.s32 $0xA00  }
0x1aa: {  	[tilespmem:s17], [sflag:$0x1] =	stream.indirect_vreg.gather [hbm4b:s5+s2], $0x80, v4, vm0, $0xb8;
	[tilespmem:$0x10200] =	vst v63  }
0x1ab: {  	s17 =	simm.s32 $0x1200  }
0x1ac: {  	[tilespmem:s17], [sflag:$0x1] =	stream.indirect_vreg.gather [hbm4b:s4+s2], $0x80, v3, vm0, $0xb8;
	[tilespmem:$0x10200] =	vst v63  }
0x1ad: {  	s17 =	simm.s32 $0x1A00  }
0x1ae: {  	[tilespmem:s17], [sflag:$0x1] =	stream.indirect_vreg.gather [hbm4b:s5+s2], $0x80, v3, vm0, $0xb8;
	[tilespmem:$0x10200] =	vst v63  }
0x1af: {  	v3 =	vld [tilespmem:$0x190];
	_ =	sdelay $0x4  }
0x1b0: {  	v57 =	vshll.u32 v3, $0x2  }
0x1b1: {  	v3 =	vand.u32 $0x7, v3;
	v4 =	vand.u32 $0xFFFFFFE0, v57  }
0x1b2: {  	v3 =	vor.u32 v3, v4  }
0x1b3: {  	v4 =	vperm.xlane v3, v0;
	_ =	sdelay $0x1  }
0x1b4: {  	v4 =	vadd.s32 v1, v4;
	_ =	sdelay $0x1  }
0x1b5: {  	v3 =	vperm.xlane v3, v2;
	_ =	sdelay $0x1  }
0x1b6: {  	s9 =	simm.s32 $0x2200;
	v3 =	vadd.s32 v1, v3  }
0x1b7: {  	[tilespmem:s9], [sflag:$0x1] =	stream.indirect_vreg.gather [hbm4b:s4+s2], $0x80, v4, vm0, $0xb8;
	[tilespmem:$0x10200] =	vst v63  }
0x1b8: {  	s10 =	simm.s32 $0x2A00  }
0x1b9: {  	[tilespmem:s10], [sflag:$0x1] =	stream.indirect_vreg.gather [hbm4b:s5+s2], $0x80, v4, vm0, $0xb8;
	[tilespmem:$0x10200] =	vst v63  }
0x1ba: {  	s17 =	simm.s32 $0x3200  }
0x1bb: {  	[tilespmem:s17], [sflag:$0x1] =	stream.indirect_vreg.gather [hbm4b:s4+s2], $0x80, v3, vm0, $0xb8;
	[tilespmem:$0x10200] =	vst v63  }
0x1bc: {  	s10 =	simm.s32 $0x3A00  }
0x1bd: {  	[tilespmem:s10], [sflag:$0x1] =	stream.indirect_vreg.gather [hbm4b:s5+s2], $0x80, v3, vm0, $0xb8;
	[tilespmem:$0x10200] =	vst v63  }
0x1be: {  	v3 =	vld [tilespmem:$0x1A0];
	_ =	sdelay $0x4  }
0x1bf: {  	v58 =	vshll.u32 v3, $0x2  }
0x1c0: {  	v3 =	vand.u32 $0x7, v3;
	v4 =	vand.u32 $0xFFFFFFE0, v58  }
0x1c1: {  	v3 =	vor.u32 v3, v4  }
0x1c2: {  	v4 =	vperm.xlane v3, v0;
	_ =	sdelay $0x1  }
0x1c3: {  	v4 =	vadd.s32 v1, v4;
	_ =	sdelay $0x1  }
0x1c4: {  	v3 =	vperm.xlane v3, v2;
	_ =	sdelay $0x1  }
0x1c5: {  	s17 =	simm.s32 $0x4200;
	v3 =	vadd.s32 v1, v3  }
0x1c6: {  	[tilespmem:s17], [sflag:$0x1] =	stream.indirect_vreg.gather [hbm4b:s4+s2], $0x80, v4, vm0, $0xb8;
	[tilespmem:$0x10200] =	vst v63  }
0x1c7: {  	s18 =	simm.s32 $0x4A00  }
0x1c8: {  	[tilespmem:s18], [sflag:$0x1] =	stream.indirect_vreg.gather [hbm4b:s5+s2], $0x80, v4, vm0, $0xb8;
	[tilespmem:$0x10200] =	vst v63  }
0x1c9: {  	s13 =	simm.s32 $0x5200  }
0x1ca: {  	[tilespmem:s13], [sflag:$0x1] =	stream.indirect_vreg.gather [hbm4b:s4+s2], $0x80, v3, vm0, $0xb8;
	[tilespmem:$0x10200] =	vst v63  }
0x1cb: {  	s19 =	simm.s32 $0x5A00  }
0x1cc: {  	[tilespmem:s19], [sflag:$0x1] =	stream.indirect_vreg.gather [hbm4b:s5+s2], $0x80, v3, vm0, $0xb8;
	[tilespmem:$0x10200] =	vst v63  }
0x1cd: {  	v3 =	vld [tilespmem:$0x1B0];
	_ =	sdelay $0x4  }
0x1ce: {  	v59 =	vshll.u32 v3, $0x2  }
0x1cf: {  	v3 =	vand.u32 $0x7, v3;
	v4 =	vand.u32 $0xFFFFFFE0, v59  }
0x1d0: {  	v3 =	vor.u32 v3, v4  }
0x1d1: {  	v4 =	vperm.xlane v3, v0;
	_ =	sdelay $0x1  }
0x1d2: {  	v4 =	vadd.s32 v1, v4;
	_ =	sdelay $0x1  }
0x1d3: {  	v3 =	vperm.xlane v3, v2;
	_ =	sdelay $0x1  }
0x1d4: {  	s21 =	simm.s32 $0x6200;
	v3 =	vadd.s32 v1, v3  }
0x1d5: {  	[tilespmem:s21], [sflag:$0x1] =	stream.indirect_vreg.gather [hbm4b:s4+s2], $0x80, v4, vm0, $0xb8;
	[tilespmem:$0x10200] =	vst v63  }
0x1d6: {  	s11 =	simm.s32 $0x6A00  }
0x1d7: {  	[tilespmem:s11], [sflag:$0x1] =	stream.indirect_vreg.gather [hbm4b:s5+s2], $0x80, v4, vm0, $0xb8;
	[tilespmem:$0x10200] =	vst v63  }
0x1d8: {  	s12 =	simm.s32 $0x7200  }
0x1d9: {  	[tilespmem:s12], [sflag:$0x1] =	stream.indirect_vreg.gather [hbm4b:s4+s2], $0x80, v3, vm0, $0xb8;
	[tilespmem:$0x10200] =	vst v63  }
0x1da: {  	s14 =	simm.s32 $0x7A00  }
0x1db: {  	[tilespmem:s14], [sflag:$0x1] =	stream.indirect_vreg.gather [hbm4b:s5+s2], $0x80, v3, vm0, $0xb8;
	[tilespmem:$0x10200] =	vst v63  }
0x1dc: {  	_ =	swait.ge [sflag:s16], $0x8000  }
0x1dd: {  	[sflag:s16] =	ssyncset.done $0x0  }
0x1de: {  	s18 =	rddreg [dreg:$0x8];
	[sflag:s16] =	ssyncadd.s32 $0xFFFF8000  }
0x1df: {  	[hbm4b:s18+s2] =	stream.linear.scatter [tilespmem:s24], [sflag:$0x3], $0x8000, $0x38;
	[tilespmem:$0x10200] =	vst v63  }
0x1e0: {  	_ =	swait.ge [sflag:s7], $0x8000  }
0x1e1: {  	[sflag:s7] =	ssyncset.done $0x0  }
0x1e2: {  	[sflag:s7] =	ssyncadd.s32 $0xFFFF8000  }
0x1e3: {  	v3 =	vld [tilespmem:$0x1C0];
	_ =	sdelay $0x4  }
0x1e4: {  	v60 =	vshll.u32 v3, $0x2  }
0x1e5: {  	v3 =	vand.u32 $0x7, v3;
	v4 =	vand.u32 $0xFFFFFFE0, v60  }
0x1e6: {  	v3 =	vor.u32 v3, v4  }
0x1e7: {  	v4 =	vperm.xlane v3, v0;
	_ =	sdelay $0x1  }
0x1e8: {  	v4 =	vadd.s32 v1, v4;
	_ =	sdelay $0x1  }
0x1e9: {  	v3 =	vperm.xlane v3, v2;
	_ =	sdelay $0x1  }
0x1ea: {  	v3 =	vadd.s32 v1, v3  }
0x1eb: {  	[tilespmem:s24], [sflag:$0x2] =	stream.indirect_vreg.gather [hbm4b:s4+s2], $0x80, v4, vm0, $0xb8;
	[tilespmem:$0x10200] =	vst v63  }
0x1ec: {  	s0 =	simm.s32 $0x8A00  }
0x1ed: {  	[tilespmem:s0], [sflag:$0x2] =	stream.indirect_vreg.gather [hbm4b:s5+s2], $0x80, v4, vm0, $0xb8;
	[tilespmem:$0x10200] =	vst v63  }
0x1ee: {  	s1 =	simm.s32 $0x9200  }
0x1ef: {  	[tilespmem:s1], [sflag:$0x2] =	stream.indirect_vreg.gather [hbm4b:s4+s2], $0x80, v3, vm0, $0xb8;
	[tilespmem:$0x10200] =	vst v63  }
0x1f0: {  	s19 =	simm.s32 $0x9A00  }
0x1f1: {  	[tilespmem:s19], [sflag:$0x2] =	stream.indirect_vreg.gather [hbm4b:s5+s2], $0x80, v3, vm0, $0xb8;
	[tilespmem:$0x10200] =	vst v63  }
0x1f2: {  	v3 =	vld [tilespmem:$0x1D0];
	_ =	sdelay $0x4  }
0x1f3: {  	v61 =	vshll.u32 v3, $0x2  }
0x1f4: {  	v3 =	vand.u32 $0x7, v3;
	v4 =	vand.u32 $0xFFFFFFE0, v61  }
0x1f5: {  	v3 =	vor.u32 v3, v4  }
0x1f6: {  	v4 =	vperm.xlane v3, v0;
	_ =	sdelay $0x1  }
0x1f7: {  	v4 =	vadd.s32 v1, v4;
	_ =	sdelay $0x1  }
0x1f8: {  	v3 =	vperm.xlane v3, v2;
	_ =	sdelay $0x1  }
0x1f9: {  	s3 =	simm.s32 $0xA200;
	v3 =	vadd.s32 v1, v3  }
0x1fa: {  	[tilespmem:s3], [sflag:$0x2] =	stream.indirect_vreg.gather [hbm4b:s4+s2], $0x80, v4, vm0, $0xb8;
	[tilespmem:$0x10200] =	vst v63  }
0x1fb: {  	s8 =	simm.s32 $0xAA00  }
0x1fc: {  	[tilespmem:s8], [sflag:$0x2] =	stream.indirect_vreg.gather [hbm4b:s5+s2], $0x80, v4, vm0, $0xb8;
	[tilespmem:$0x10200] =	vst v63  }
0x1fd: {  	s20 =	simm.s32 $0xB200  }
0x1fe: {  	[tilespmem:s20], [sflag:$0x2] =	stream.indirect_vreg.gather [hbm4b:s4+s2], $0x80, v3, vm0, $0xb8;
	[tilespmem:$0x10200] =	vst v63  }
0x1ff: {  	s21 =	simm.s32 $0xBA00  }
0x200: {  	[tilespmem:s21], [sflag:$0x2] =	stream.indirect_vreg.gather [hbm4b:s5+s2], $0x80, v3, vm0, $0xb8;
	[tilespmem:$0x10200] =	vst v63  }
0x201: {  	v3 =	vld [tilespmem:$0x1E0];
	_ =	sdelay $0x4  }
0x202: {  	v62 =	vshll.u32 v3, $0x2  }
0x203: {  	v3 =	vand.u32 $0x7, v3;
	v4 =	vand.u32 $0xFFFFFFE0, v62  }
0x204: {  	v3 =	vor.u32 v3, v4  }
0x205: {  	v4 =	vperm.xlane v3, v0;
	_ =	sdelay $0x1  }
0x206: {  	v4 =	vadd.s32 v1, v4;
	_ =	sdelay $0x1  }
0x207: {  	v3 =	vperm.xlane v3, v2;
	_ =	sdelay $0x1  }
0x208: {  	s30 =	simm.s32 $0xC200;
	v3 =	vadd.s32 v1, v3  }
0x209: {  	[tilespmem:s30], [sflag:$0x2] =	stream.indirect_vreg.gather [hbm4b:s4+s2], $0x80, v4, vm0, $0xb8;
	[tilespmem:$0x10200] =	vst v63  }
0x20a: {  	s22 =	simm.s32 $0xCA00  }
0x20b: {  	[tilespmem:s22], [sflag:$0x2] =	stream.indirect_vreg.gather [hbm4b:s5+s2], $0x80, v4, vm0, $0xb8;
	[tilespmem:$0x10200] =	vst v63  }
0x20c: {  	s28 =	simm.s32 $0xD200  }
0x20d: {  	[tilespmem:s28], [sflag:$0x2] =	stream.indirect_vreg.gather [hbm4b:s4+s2], $0x80, v3, vm0, $0xb8;
	[tilespmem:$0x10200] =	vst v63  }
0x20e: {  	s28 =	simm.s32 $0xDA00  }
0x20f: {  	[tilespmem:s28], [sflag:$0x2] =	stream.indirect_vreg.gather [hbm4b:s5+s2], $0x80, v3, vm0, $0xb8;
	[tilespmem:$0x10200] =	vst v63  }
0x210: {  	v3 =	vld [tilespmem:$0x1F0];
	_ =	sdelay $0x4  }
0x211: {  	v63 =	vshll.u32 v3, $0x2  }
0x212: {  	v3 =	vand.u32 $0x7, v3;
	v4 =	vand.u32 $0xFFFFFFE0, v63  }
0x213: {  	v3 =	vor.u32 v3, v4  }
0x214: {  	v4 =	vperm.xlane v3, v0;
	_ =	sdelay $0x1  }
0x215: {  	v4 =	vadd.s32 v1, v4;
	_ =	sdelay $0x1  }
0x216: {  	v3 =	vperm.xlane v3, v2;
	_ =	sdelay $0x1  }
0x217: {  	s26 =	simm.s32 $0xE200;
	v3 =	vadd.s32 v1, v3  }
0x218: {  	[tilespmem:s26], [sflag:$0x2] =	stream.indirect_vreg.gather [hbm4b:s4+s2], $0x80, v4, vm0, $0xb8;
	[tilespmem:$0x10200] =	vst v63  }
0x219: {  	s23 =	simm.s32 $0xEA00  }
0x21a: {  	[tilespmem:s23], [sflag:$0x2] =	stream.indirect_vreg.gather [hbm4b:s5+s2], $0x80, v4, vm0, $0xb8;
	[tilespmem:$0x10200] =	vst v63  }
0x21b: {  	s25 =	simm.s32 $0xF200  }
0x21c: {  	[tilespmem:s25], [sflag:$0x2] =	stream.indirect_vreg.gather [hbm4b:s4+s2], $0x80, v3, vm0, $0xb8;
	[tilespmem:$0x10200] =	vst v63  }
0x21d: {  	s31 =	simm.s32 $0xFA00  }
0x21e: {  	[tilespmem:s31], [sflag:$0x2] =	stream.indirect_vreg.gather [hbm4b:s5+s2], $0x80, v3, vm0, $0xb8;
	[tilespmem:$0x10200] =	vst v63  }
0x21f: {  	_ =	swait.ge [sflag:s15], $0x8000  }
0x220: {  	[sflag:s15] =	ssyncset.done $0x0  }
0x221: {  	s30 =	rddreg [dreg:$0x9];
	[sflag:s15] =	ssyncadd.s32 $0xFFFF8000  }
0x222: {  	[hbm4b:s30+s2] =	stream.linear.scatter [tilespmem:s29], [sflag:$0x3], $0x8000, $0x38;
	[tilespmem:$0x10200] =	vst v63  }
0x223: {  	_ =	swait.ge [sflag:s7], $0x8000  }
0x224: {  	[sflag:s7] =	ssyncset.done $0x0  }
0x225: {  	[sflag:s7] =	ssyncadd.s32 $0xFFFF8000  }
0x226: {  	_ =	swait.ge [sflag:s16], $0x8000  }
0x227: {  	p0 =	sne.s32 s6, $0x1;
	[sflag:s16] =	ssyncset.done $0x0  }
.Ltmp0:
0x228: {  	s31 =	rddreg [dreg:$0xa];
	[sflag:s16] =	ssyncadd.s32 $0xFFFF8000;
	(pc) =	sbr.rel @p0 .LBB2_1-.Ltmp0, $4  }
0x229: {  	[hbm4b:s31+s2] =	stream.linear.scatter [tilespmem:s24], [sflag:$0x3], $0x8000, $0x38;
	[tilespmem:$0x10200] =	vst v63  }
0x22a: {  	_ =	swait.ge [sflag:s7], $0x8000  }
0x22b: {  	[sflag:s7] =	ssyncset.done $0x0  }
0x22c: {  	s6 =	sadd.s32 $0xFFFFFFFF, s6;
	[sflag:s7] =	ssyncadd.s32 $0xFFFF8000  }
0x22d: {  	_ =	sfence.sel $0x180000  }
0x22e: {  	[bflag:$0x0] =	sbarrier.arrive $0xFFFF  }
0x22f: {  	_ =	strace $0x9000004A  }
0x230: {  	s0 =	stileid.u32;
	[bflag:$0x2] =	sbarrier.arrive $0xFFFF  }
0x231: {  	p0 =	sne.s32 s0, $0x0;
	s0 =	rddreg [dreg:$0x2]  }
0x232: {  	s0 =	sadd.s32 @!p0 $0x100000, s0  }
0x233: {  	[sflag:s0] =	ssyncadd.tile.s32 @!p0 $0x1;
	_ =	shalt  }
.Lfunc_end2:
_tile_overlayer_lowered:
.L_overlay_start_2:
0x234: {  	(tag) =	ssettag $0x2  }
0x235: {  	s0 =	rddreg [dreg:$0x0];
	s2 =	stileid.u32  }
0x236: {  	s1 =	rddreg [dreg:$0x1];
	p0 =	sne.s32 s2, $0x0  }
0x237: {  	s3 =	rddreg [dreg:$0x2];
	[bflag:$0x3] =	sbarrier.arrive $0xFFFF;
	s2 =	simm.s32 @!p0 $0x1C03  }
0x238: {  	[timem:s3], [sflag:s2] =	dma.local @!p0 [hbm:s0], s1  }
0x239: {  	s0 =	simm.s32 @!p0 $0x3  }
0x23a: {  	_ =	swait.ge @!p0 [sflag:s0], s1  }
0x23b: {  	s1 =	ssub.s32 @!p0 $0x0, s1;
	[sflag:s0] =	ssyncset.done @!p0 $0x0  }
0x23c: {  	[sflag:s0] =	ssyncadd.s32 @!p0 s1  }
0x23d: {  	[bflag:$0x3] =	sbarrier.arrive $0xFFFF  }
0x23e: {  	_ =	shalt  }

</sc_bundles>
